<compile_context>
chip_gen: v7x
topology: tpu7x:2x2x1
jax: 0.10.2.dev20260603
libtpu: 0.0.44.dev20260713+nightly
codegen_flags: <defaults>
</compile_context>

<pallas_src>
import functools

import numpy as np
import jax
import jax.numpy as jnp
from jax import lax
from jax.experimental import pallas as pl
from jax.experimental.pallas import tpu as pltpu
from jax.experimental.pallas import tpu_sc as plsc

_NUM_ENTITIES = 1000000
_NUM_RELATIONS = 1000
_D = 64
_BATCH = 16384
_NEG = 2

_TILES = 32
_NC = 2
_ROWS = _BATCH // _TILES
_CHUNK = 128
_NCHUNKS = _ROWS // _CHUNK
_STREAMS = 7


def _neg_index_planes():
    nk1, nk2 = jax.random.split(jax.random.key(42), 2)
    fo1 = jax.random.randint(nk1, (_NEG * _BATCH,), 0, _NUM_ENTITIES, dtype=jnp.int32)
    fs2 = jax.random.randint(nk2, (_NEG * _BATCH,), 0, _NUM_ENTITIES, dtype=jnp.int32)
    return fo1[0::2], fo1[1::2], fs2[0::2], fs2[1::2]


def _sc_body(idx_hbm, etab, rtab, ts_hbm, ps_hbm,
             idx_v, b_s, b_p, b_o, b1e, b1o, b2e, b2o, ts_v, ps_v, sem0, sem1):
    wid = lax.axis_index("s") * _NC + lax.axis_index("c")

    pltpu.sync_copy(idx_hbm.at[wid], idx_v)

    bufs = (b_s, b_p, b_o, b1e, b1o, b2e, b2o)
    tabs = (etab, rtab, etab, etab, etab, etab, etab)
    sems = (sem0, sem1)

    def fire(c):
        slot = c % 2
        return [
            pltpu.async_copy(
                tabs[j].at[idx_v.at[j * _NCHUNKS + c]],
                bufs[j].at[pl.ds(slot * _CHUNK, _CHUNK)],
                sems[slot])
            for j in range(_STREAMS)
        ]

    iota = lax.iota(jnp.int32, 16)
    zero = jnp.zeros((16,), jnp.float32)
    sums = (zero, zero, zero)

    handles = {0: fire(0)}
    for c in range(_NCHUNKS):
        if c + 1 < _NCHUNKS:
            handles[c + 1] = fire(c + 1)
        for h in handles.pop(c):
            h.wait()
        slot = c % 2

        def blk_body(b, carry, _c=c, _slot=slot):
            st, s1, s2 = carry
            rows = _slot * _CHUNK + b * 16 + iota

            def d_body(j, accs):
                at, a1e, a1o, a2e, a2o = accs
                for t in range(4):
                    d = j * 4 + t
                    col = jnp.full((16,), 0, jnp.int32) + d
                    sv = plsc.load_gather(b_s, [rows, col])
                    pv = plsc.load_gather(b_p, [rows, col])
                    ov = plsc.load_gather(b_o, [rows, col])
                    sp = sv * pv
                    po = pv * ov
                    at = at + sp * ov
                    a1e = a1e + sp * plsc.load_gather(b1e, [rows, col])
                    a1o = a1o + sp * plsc.load_gather(b1o, [rows, col])
                    a2e = a2e + po * plsc.load_gather(b2e, [rows, col])
                    a2o = a2o + po * plsc.load_gather(b2o, [rows, col])
                return (at, a1e, a1o, a2e, a2o)

            at, a1e, a1o, a2e, a2o = lax.fori_loop(
                0, 16, d_body, (zero, zero, zero, zero, zero))

            ts_v[pl.ds(_c * _CHUNK + b * 16, 16)] = at
            st = st + 1.0 / (1.0 + jnp.exp(-at))
            s1 = s1 + 1.0 / (1.0 + jnp.exp(a1e)) + 1.0 / (1.0 + jnp.exp(a1o))
            s2 = s2 + 1.0 / (1.0 + jnp.exp(a2e)) + 1.0 / (1.0 + jnp.exp(a2o))
            return (st, s1, s2)

        sums = lax.fori_loop(0, _CHUNK // 16, blk_body, sums)

    ps_v[0, :] = sums[0]
    ps_v[1, :] = sums[1]
    ps_v[2, :] = sums[2]
    pltpu.sync_copy(ts_v, ts_hbm.at[pl.ds(wid * _ROWS, _ROWS)])
    pltpu.sync_copy(ps_v, ps_hbm.at[wid])


_FUSED = pl.kernel(
    _sc_body,
    out_type=(
        jax.ShapeDtypeStruct((_BATCH,), jnp.float32),
        jax.ShapeDtypeStruct((_TILES, 3, 16), jnp.float32),
    ),
    mesh=plsc.VectorSubcoreMesh(core_axis_name="c", subcore_axis_name="s"),
    compiler_params=pltpu.CompilerParams(
        needs_layout_passes=False, use_tc_tiling_on_sc=False),
    scratch_types=[
        pltpu.VMEM((_STREAMS * _NCHUNKS, _CHUNK), jnp.int32),
        pltpu.VMEM((2 * _CHUNK, _D), jnp.float32),
        pltpu.VMEM((2 * _CHUNK, _D), jnp.float32),
        pltpu.VMEM((2 * _CHUNK, _D), jnp.float32),
        pltpu.VMEM((2 * _CHUNK, _D), jnp.float32),
        pltpu.VMEM((2 * _CHUNK, _D), jnp.float32),
        pltpu.VMEM((2 * _CHUNK, _D), jnp.float32),
        pltpu.VMEM((2 * _CHUNK, _D), jnp.float32),
        pltpu.VMEM((_ROWS,), jnp.float32),
        pltpu.VMEM((3, 16), jnp.float32),
        pltpu.SemaphoreType.DMA,
        pltpu.SemaphoreType.DMA,
    ],
)


def kernel(inputs, entity_table, relation_table):
    f1e, f1o, f2e, f2o = _neg_index_planes()
    idx_all = jnp.stack(
        [inputs[:, 0], inputs[:, 1], inputs[:, 2], f1e, f1o, f2e, f2o],
        axis=0)
    idx_all = idx_all.reshape(_STREAMS, _TILES, _NCHUNKS * _CHUNK)
    idx_all = idx_all.transpose(1, 0, 2).reshape(
        _TILES, _STREAMS * _NCHUNKS, _CHUNK)

    true_score, partials = _FUSED(idx_all, entity_table, relation_table)

    ssum = jnp.sum(partials, axis=(0, 2))
    mean_sig_true = ssum[0] * (1.0 / _BATCH)
    m1 = ssum[1] * (1.0 / (_NEG * _BATCH))
    m2 = ssum[2] * (1.0 / (_NEG * _BATCH))
    loss = 1.0 - mean_sig_true / 2.0 - (m1 + m2) / 4.0
    return (true_score, loss)

# --- scband reference (transcript-rebuilt; emitter-appended) ---
"""Pipeline reference for scband-embedding-model-15350213116508 (READ-ONLY COPY).

The authoritative reference and input builder live on the scoring server;
editing this copy changes nothing except your own understanding.
"""

import jax, jax.numpy as jnp
import numpy as np

NUM_ENTITIES = 1000000
NUM_RELATIONS = 1000
E_DIM = 64
R_DIM = 64
BATCH = 16384
NEG = 2


def _glorot_uniform(key, shape):
    fan_in, fan_out = shape[0], shape[1]
    limit = np.sqrt(6.0 / (fan_in + fan_out))
    return jax.random.uniform(key, shape, minval=-limit, maxval=limit, dtype=jnp.float32)


def setup_inputs(seed: int = 0) -> dict:
    key = jax.random.key(seed)
    k1, k2, k3 = jax.random.split(key, 3)
    # column 0 = subject entity id, column 1 = relation id, column 2 = object entity id
    # fill_max = NUM_RELATIONS keeps every column in range for both tables
    inputs = jax.random.randint(k1, (BATCH, 3), 0, NUM_RELATIONS, dtype=jnp.int32)
    entity_table = _glorot_uniform(k2, (NUM_ENTITIES, E_DIM))
    relation_table = _glorot_uniform(k3, (NUM_RELATIONS, R_DIM))
    return {"inputs": inputs, "entity_table": entity_table, "relation_table": relation_table}


def _score(s, p, o):
    # DistMult scoring function (base class leaves self.func abstract)
    return jnp.sum(s * p * o, axis=-1)


def _lf_sigmoid(x, y):
    # loss_type == 'sigmoid'
    return 1.0 - (jnp.mean(jax.nn.sigmoid(x)) + jnp.mean(jax.nn.sigmoid(-y))) / 2.0


def reference(inputs, entity_table, relation_table):
    s_idx, p_idx, o_idx = inputs[:, 0], inputs[:, 1], inputs[:, 2]

    # negative sampling (tf.random.uniform in original); fixed key for determinism
    nkey = jax.random.key(42)
    nk1, nk2 = jax.random.split(nkey, 2)
    fo1_idx = jax.random.randint(nk1, (NEG * BATCH,), 0, NUM_ENTITIES, dtype=jnp.int32)
    fs2_idx = jax.random.randint(nk2, (NEG * BATCH,), 0, NUM_ENTITIES, dtype=jnp.int32)

    fs1_idx = jnp.repeat(s_idx, NEG, axis=0)
    fp1_idx = jnp.repeat(p_idx, NEG, axis=0)
    fp2_idx = jnp.repeat(p_idx, NEG, axis=0)
    fo2_idx = jnp.repeat(o_idx, NEG, axis=0)

    # embedding lookups; Dropout is identity at inference (training=False)
    s = jnp.take(entity_table, s_idx, axis=0)
    p = jnp.take(relation_table, p_idx, axis=0)
    o = jnp.take(entity_table, o_idx, axis=0)
    fs1 = jnp.take(entity_table, fs1_idx, axis=0)
    fp1 = jnp.take(relation_table, fp1_idx, axis=0)
    fo1 = jnp.take(entity_table, fo1_idx, axis=0)
    fs2 = jnp.take(entity_table, fs2_idx, axis=0)
    fp2 = jnp.take(relation_table, fp2_idx, axis=0)
    fo2 = jnp.take(entity_table, fo2_idx, axis=0)

    true_score = _score(s, p, o)
    false_score1 = _score(fs1, fp1, fo1)
    false_score2 = _score(fs2, fp2, fo2)

    loss1 = _lf_sigmoid(true_score, false_score1)
    loss2 = _lf_sigmoid(true_score, false_score2)
    loss = (loss1 + loss2) / 2.0
    return (true_score, loss)

if __name__ == "__main__":
    import jax
    _d = setup_inputs()
    print(jax.jit(kernel)(*tuple(_d.values())))

</pallas_src>

<mosaic_0001>
#map = affine_map<(d0, d1) -> (0, 0, 0)>
#map1 = affine_map<(d0, d1) -> (0, 0)>
#map2 = affine_map<(d0, d1) -> (0)>
module attributes {stable_mosaic.version = 14 : i64} {
  func.func @_sc_body(%arg0: i32, %arg1: i32, %arg2: memref<32x28x128xi32, #tpu.memory_space<hbm>>, %arg3: memref<1000000x64xf32, #tpu.memory_space<hbm>>, %arg4: memref<1000x64xf32, #tpu.memory_space<hbm>>, %arg5: memref<16384xf32, #tpu.memory_space<hbm>>, %arg6: memref<32x3x16xf32, #tpu.memory_space<hbm>>, %arg7: memref<28x128xi32, #tpu.memory_space<vmem>>, %arg8: memref<256x64xf32, #tpu.memory_space<vmem>>, %arg9: memref<256x64xf32, #tpu.memory_space<vmem>>, %arg10: memref<256x64xf32, #tpu.memory_space<vmem>>, %arg11: memref<256x64xf32, #tpu.memory_space<vmem>>, %arg12: memref<256x64xf32, #tpu.memory_space<vmem>>, %arg13: memref<256x64xf32, #tpu.memory_space<vmem>>, %arg14: memref<256x64xf32, #tpu.memory_space<vmem>>, %arg15: memref<512xf32, #tpu.memory_space<vmem>>, %arg16: memref<3x16xf32, #tpu.memory_space<vmem>>, %arg17: memref<!tpu.dma_semaphore, #tpu.memory_space<semaphore_mem>>, %arg18: memref<!tpu.dma_semaphore, #tpu.memory_space<semaphore_mem>>) attributes {dimension_semantics = [#tpu.dimension_semantics<core_parallel>, #tpu.dimension_semantics<subcore_parallel>], iteration_bounds = array<i64: 2, 16>, scalar_prefetch = 0 : i64, scratch_operands = 12 : i64, tpu.core_type = #tpu.core_type<sc_vector_subcore>, window_params = [{transform_indices = #map}, {transform_indices = #map1}, {transform_indices = #map1}, {transform_indices = #map2}, {transform_indices = #map}]} {
    %mul3A = arith.constant 2 : i32
    %mul3A_0 = arith.muli %arg1, %mul3A : i32
    %add3A = arith.addi %mul3A_0, %arg0 : i32
    "tpu.region"() ({
      %run_scoped3A = tpu.sem_alloc : memref<!tpu.dma_semaphore, #tpu.memory_space<semaphore_mem>>
      %dma_start3A_596 = arith.constant 0 : i32
      %dma_start3A_597 = arith.constant 0 : i32
      %dma_start3A_598 = tpu.memref_slice %arg2[%add3A, %dma_start3A_596, %dma_start3A_597] : memref<32x28x128xi32, #tpu.memory_space<hbm>> -> memref<1x28x128xi32, #tpu.memory_space<hbm>>
      %dma_start3A_599 = tpu.memref_squeeze %dma_start3A_598 : memref<1x28x128xi32, #tpu.memory_space<hbm>> -> memref<28x128xi32, #tpu.memory_space<hbm>>
      %dma_start3A_600 = arith.constant 0 : i32
      %dma_start3A_601 = arith.constant 0 : i32
      %dma_start3A_602 = tpu.memref_slice %arg2[%add3A, %dma_start3A_600, %dma_start3A_601] : memref<32x28x128xi32, #tpu.memory_space<hbm>> -> memref<1x28x128xi32, #tpu.memory_space<hbm>>
      %dma_start3A_603 = tpu.memref_squeeze %dma_start3A_602 : memref<1x28x128xi32, #tpu.memory_space<hbm>> -> memref<28x128xi32, #tpu.memory_space<hbm>>
      tpu.enqueue_dma source(%dma_start3A_603 : memref<28x128xi32, #tpu.memory_space<hbm>>) target(%arg7 : memref<28x128xi32, #tpu.memory_space<vmem>>) target_semaphore(%run_scoped3A : memref<!tpu.dma_semaphore, #tpu.memory_space<semaphore_mem>>)
      %dma_wait3A_604 = arith.constant 0 : i32
      %dma_wait3A_605 = arith.constant 0 : i32
      %dma_wait3A_606 = tpu.memref_slice %arg2[%add3A, %dma_wait3A_604, %dma_wait3A_605] : memref<32x28x128xi32, #tpu.memory_space<hbm>> -> memref<1x28x128xi32, #tpu.memory_space<hbm>>
      %dma_wait3A_607 = tpu.memref_squeeze %dma_wait3A_606 : memref<1x28x128xi32, #tpu.memory_space<hbm>> -> memref<28x128xi32, #tpu.memory_space<hbm>>
      %dma_wait3A_608 = arith.constant 0 : i32
      %dma_wait3A_609 = arith.constant 0 : i32
      %dma_wait3A_610 = tpu.memref_slice %arg2[%add3A, %dma_wait3A_608, %dma_wait3A_609] : memref<32x28x128xi32, #tpu.memory_space<hbm>> -> memref<1x28x128xi32, #tpu.memory_space<hbm>>
      %dma_wait3A_611 = tpu.memref_squeeze %dma_wait3A_610 : memref<1x28x128xi32, #tpu.memory_space<hbm>> -> memref<28x128xi32, #tpu.memory_space<hbm>>
      tpu.wait_dma2 semaphore(%run_scoped3A : memref<!tpu.dma_semaphore, #tpu.memory_space<semaphore_mem>>) src(%dma_wait3A_611 : memref<28x128xi32, #tpu.memory_space<hbm>>) dst(%arg7 : memref<28x128xi32, #tpu.memory_space<vmem>>)
      tpu.yield
    }) : () -> ()
    %iota3A = tpu.iota {dimensions = array<i32: 0>} : vector<16xi32>
    %broadcast_in_dim3A = arith.constant 0.000000e+00 : f32
    %broadcast_in_dim3A_1 = vector.broadcast %broadcast_in_dim3A : f32 to vector<16xf32>
    %dma_start3A = arith.constant 0 : i32
    %dma_start3A_2 = arith.constant 0 : i32
    %dma_start3A_3 = arith.constant 0 : i32
    %dma_start3A_4 = tpu.memref_slice %arg8[%dma_start3A_2, %dma_start3A_3] : memref<256x64xf32, #tpu.memory_space<vmem>> -> memref<128x64xf32, #tpu.memory_space<vmem>>
    %dma_start3A_5 = arith.constant 0 : i32
    %dma_start3A_6 = tpu.memref_slice %arg7[%dma_start3A, %dma_start3A_5] : memref<28x128xi32, #tpu.memory_space<vmem>> -> memref<1x128xi32, #tpu.memory_space<vmem>>
    %dma_start3A_7 = tpu.memref_squeeze %dma_start3A_6 : memref<1x128xi32, #tpu.memory_space<vmem>> -> memref<128xi32, #tpu.memory_space<vmem>>
    %dma_start3A_8 = arith.constant 0 : i32
    %dma_start3A_9 = arith.constant 0 : i32
    %dma_start3A_10 = tpu.memref_slice %arg3[%dma_start3A_8, %dma_start3A_9] : memref<1000000x64xf32, #tpu.memory_space<hbm>> -> memref<1000000x64xf32, #tpu.memory_space<hbm>>
    tpu.enqueue_indirect_dma source(%dma_start3A_10 : memref<1000000x64xf32, #tpu.memory_space<hbm>>) target(%dma_start3A_4 : memref<128x64xf32, #tpu.memory_space<vmem>>) offsets(%dma_start3A_7 : memref<128xi32, #tpu.memory_space<vmem>>) semaphore(%arg17 : memref<!tpu.dma_semaphore, #tpu.memory_space<semaphore_mem>>)
    %dma_start3A_11 = arith.constant 4 : i32
    %dma_start3A_12 = arith.constant 0 : i32
    %dma_start3A_13 = arith.constant 0 : i32
    %dma_start3A_14 = tpu.memref_slice %arg9[%dma_start3A_12, %dma_start3A_13] : memref<256x64xf32, #tpu.memory_space<vmem>> -> memref<128x64xf32, #tpu.memory_space<vmem>>
    %dma_start3A_15 = arith.constant 0 : i32
    %dma_start3A_16 = tpu.memref_slice %arg7[%dma_start3A_11, %dma_start3A_15] : memref<28x128xi32, #tpu.memory_space<vmem>> -> memref<1x128xi32, #tpu.memory_space<vmem>>
    %dma_start3A_17 = tpu.memref_squeeze %dma_start3A_16 : memref<1x128xi32, #tpu.memory_space<vmem>> -> memref<128xi32, #tpu.memory_space<vmem>>
    %dma_start3A_18 = arith.constant 0 : i32
    %dma_start3A_19 = arith.constant 0 : i32
    %dma_start3A_20 = tpu.memref_slice %arg4[%dma_start3A_18, %dma_start3A_19] : memref<1000x64xf32, #tpu.memory_space<hbm>> -> memref<1000x64xf32, #tpu.memory_space<hbm>>
    tpu.enqueue_indirect_dma source(%dma_start3A_20 : memref<1000x64xf32, #tpu.memory_space<hbm>>) target(%dma_start3A_14 : memref<128x64xf32, #tpu.memory_space<vmem>>) offsets(%dma_start3A_17 : memref<128xi32, #tpu.memory_space<vmem>>) semaphore(%arg17 : memref<!tpu.dma_semaphore, #tpu.memory_space<semaphore_mem>>)
    %dma_start3A_21 = arith.constant 8 : i32
    %dma_start3A_22 = arith.constant 0 : i32
    %dma_start3A_23 = arith.constant 0 : i32
    %dma_start3A_24 = tpu.memref_slice %arg10[%dma_start3A_22, %dma_start3A_23] : memref<256x64xf32, #tpu.memory_space<vmem>> -> memref<128x64xf32, #tpu.memory_space<vmem>>
    %dma_start3A_25 = arith.constant 0 : i32
    %dma_start3A_26 = tpu.memref_slice %arg7[%dma_start3A_21, %dma_start3A_25] : memref<28x128xi32, #tpu.memory_space<vmem>> -> memref<1x128xi32, #tpu.memory_space<vmem>>
    %dma_start3A_27 = tpu.memref_squeeze %dma_start3A_26 : memref<1x128xi32, #tpu.memory_space<vmem>> -> memref<128xi32, #tpu.memory_space<vmem>>
    %dma_start3A_28 = arith.constant 0 : i32
    %dma_start3A_29 = arith.constant 0 : i32
    %dma_start3A_30 = tpu.memref_slice %arg3[%dma_start3A_28, %dma_start3A_29] : memref<1000000x64xf32, #tpu.memory_space<hbm>> -> memref<1000000x64xf32, #tpu.memory_space<hbm>>
    tpu.enqueue_indirect_dma source(%dma_start3A_30 : memref<1000000x64xf32, #tpu.memory_space<hbm>>) target(%dma_start3A_24 : memref<128x64xf32, #tpu.memory_space<vmem>>) offsets(%dma_start3A_27 : memref<128xi32, #tpu.memory_space<vmem>>) semaphore(%arg17 : memref<!tpu.dma_semaphore, #tpu.memory_space<semaphore_mem>>)
    %dma_start3A_31 = arith.constant 12 : i32
    %dma_start3A_32 = arith.constant 0 : i32
    %dma_start3A_33 = arith.constant 0 : i32
    %dma_start3A_34 = tpu.memref_slice %arg11[%dma_start3A_32, %dma_start3A_33] : memref<256x64xf32, #tpu.memory_space<vmem>> -> memref<128x64xf32, #tpu.memory_space<vmem>>
    %dma_start3A_35 = arith.constant 0 : i32
    %dma_start3A_36 = tpu.memref_slice %arg7[%dma_start3A_31, %dma_start3A_35] : memref<28x128xi32, #tpu.memory_space<vmem>> -> memref<1x128xi32, #tpu.memory_space<vmem>>
    %dma_start3A_37 = tpu.memref_squeeze %dma_start3A_36 : memref<1x128xi32, #tpu.memory_space<vmem>> -> memref<128xi32, #tpu.memory_space<vmem>>
    %dma_start3A_38 = arith.constant 0 : i32
    %dma_start3A_39 = arith.constant 0 : i32
    %dma_start3A_40 = tpu.memref_slice %arg3[%dma_start3A_38, %dma_start3A_39] : memref<1000000x64xf32, #tpu.memory_space<hbm>> -> memref<1000000x64xf32, #tpu.memory_space<hbm>>
    tpu.enqueue_indirect_dma source(%dma_start3A_40 : memref<1000000x64xf32, #tpu.memory_space<hbm>>) target(%dma_start3A_34 : memref<128x64xf32, #tpu.memory_space<vmem>>) offsets(%dma_start3A_37 : memref<128xi32, #tpu.memory_space<vmem>>) semaphore(%arg17 : memref<!tpu.dma_semaphore, #tpu.memory_space<semaphore_mem>>)
    %dma_start3A_41 = arith.constant 16 : i32
    %dma_start3A_42 = arith.constant 0 : i32
    %dma_start3A_43 = arith.constant 0 : i32
    %dma_start3A_44 = tpu.memref_slice %arg12[%dma_start3A_42, %dma_start3A_43] : memref<256x64xf32, #tpu.memory_space<vmem>> -> memref<128x64xf32, #tpu.memory_space<vmem>>
    %dma_start3A_45 = arith.constant 0 : i32
    %dma_start3A_46 = tpu.memref_slice %arg7[%dma_start3A_41, %dma_start3A_45] : memref<28x128xi32, #tpu.memory_space<vmem>> -> memref<1x128xi32, #tpu.memory_space<vmem>>
    %dma_start3A_47 = tpu.memref_squeeze %dma_start3A_46 : memref<1x128xi32, #tpu.memory_space<vmem>> -> memref<128xi32, #tpu.memory_space<vmem>>
    %dma_start3A_48 = arith.constant 0 : i32
    %dma_start3A_49 = arith.constant 0 : i32
    %dma_start3A_50 = tpu.memref_slice %arg3[%dma_start3A_48, %dma_start3A_49] : memref<1000000x64xf32, #tpu.memory_space<hbm>> -> memref<1000000x64xf32, #tpu.memory_space<hbm>>
    tpu.enqueue_indirect_dma source(%dma_start3A_50 : memref<1000000x64xf32, #tpu.memory_space<hbm>>) target(%dma_start3A_44 : memref<128x64xf32, #tpu.memory_space<vmem>>) offsets(%dma_start3A_47 : memref<128xi32, #tpu.memory_space<vmem>>) semaphore(%arg17 : memref<!tpu.dma_semaphore, #tpu.memory_space<semaphore_mem>>)
    %dma_start3A_51 = arith.constant 20 : i32
    %dma_start3A_52 = arith.constant 0 : i32
    %dma_start3A_53 = arith.constant 0 : i32
    %dma_start3A_54 = tpu.memref_slice %arg13[%dma_start3A_52, %dma_start3A_53] : memref<256x64xf32, #tpu.memory_space<vmem>> -> memref<128x64xf32, #tpu.memory_space<vmem>>
    %dma_start3A_55 = arith.constant 0 : i32
    %dma_start3A_56 = tpu.memref_slice %arg7[%dma_start3A_51, %dma_start3A_55] : memref<28x128xi32, #tpu.memory_space<vmem>> -> memref<1x128xi32, #tpu.memory_space<vmem>>
    %dma_start3A_57 = tpu.memref_squeeze %dma_start3A_56 : memref<1x128xi32, #tpu.memory_space<vmem>> -> memref<128xi32, #tpu.memory_space<vmem>>
    %dma_start3A_58 = arith.constant 0 : i32
    %dma_start3A_59 = arith.constant 0 : i32
    %dma_start3A_60 = tpu.memref_slice %arg3[%dma_start3A_58, %dma_start3A_59] : memref<1000000x64xf32, #tpu.memory_space<hbm>> -> memref<1000000x64xf32, #tpu.memory_space<hbm>>
    tpu.enqueue_indirect_dma source(%dma_start3A_60 : memref<1000000x64xf32, #tpu.memory_space<hbm>>) target(%dma_start3A_54 : memref<128x64xf32, #tpu.memory_space<vmem>>) offsets(%dma_start3A_57 : memref<128xi32, #tpu.memory_space<vmem>>) semaphore(%arg17 : memref<!tpu.dma_semaphore, #tpu.memory_space<semaphore_mem>>)
    %dma_start3A_61 = arith.constant 24 : i32
    %dma_start3A_62 = arith.constant 0 : i32
    %dma_start3A_63 = arith.constant 0 : i32
    %dma_start3A_64 = tpu.memref_slice %arg14[%dma_start3A_62, %dma_start3A_63] : memref<256x64xf32, #tpu.memory_space<vmem>> -> memref<128x64xf32, #tpu.memory_space<vmem>>
    %dma_start3A_65 = arith.constant 0 : i32
    %dma_start3A_66 = tpu.memref_slice %arg7[%dma_start3A_61, %dma_start3A_65] : memref<28x128xi32, #tpu.memory_space<vmem>> -> memref<1x128xi32, #tpu.memory_space<vmem>>
    %dma_start3A_67 = tpu.memref_squeeze %dma_start3A_66 : memref<1x128xi32, #tpu.memory_space<vmem>> -> memref<128xi32, #tpu.memory_space<vmem>>
    %dma_start3A_68 = arith.constant 0 : i32
    %dma_start3A_69 = arith.constant 0 : i32
    %dma_start3A_70 = tpu.memref_slice %arg3[%dma_start3A_68, %dma_start3A_69] : memref<1000000x64xf32, #tpu.memory_space<hbm>> -> memref<1000000x64xf32, #tpu.memory_space<hbm>>
    tpu.enqueue_indirect_dma source(%dma_start3A_70 : memref<1000000x64xf32, #tpu.memory_space<hbm>>) target(%dma_start3A_64 : memref<128x64xf32, #tpu.memory_space<vmem>>) offsets(%dma_start3A_67 : memref<128xi32, #tpu.memory_space<vmem>>) semaphore(%arg17 : memref<!tpu.dma_semaphore, #tpu.memory_space<semaphore_mem>>)
    %dma_start3A_71 = arith.constant 1 : i32
    %dma_start3A_72 = arith.constant 128 : i32
    %dma_start3A_73 = arith.constant 0 : i32
    %dma_start3A_74 = tpu.memref_slice %arg8[%dma_start3A_72, %dma_start3A_73] : memref<256x64xf32, #tpu.memory_space<vmem>> -> memref<128x64xf32, #tpu.memory_space<vmem>>
    %dma_start3A_75 = arith.constant 0 : i32
    %dma_start3A_76 = tpu.memref_slice %arg7[%dma_start3A_71, %dma_start3A_75] : memref<28x128xi32, #tpu.memory_space<vmem>> -> memref<1x128xi32, #tpu.memory_space<vmem>>
    %dma_start3A_77 = tpu.memref_squeeze %dma_start3A_76 : memref<1x128xi32, #tpu.memory_space<vmem>> -> memref<128xi32, #tpu.memory_space<vmem>>
    %dma_start3A_78 = arith.constant 0 : i32
    %dma_start3A_79 = arith.constant 0 : i32
    %dma_start3A_80 = tpu.memref_slice %arg3[%dma_start3A_78, %dma_start3A_79] : memref<1000000x64xf32, #tpu.memory_space<hbm>> -> memref<1000000x64xf32, #tpu.memory_space<hbm>>
    tpu.enqueue_indirect_dma source(%dma_start3A_80 : memref<1000000x64xf32, #tpu.memory_space<hbm>>) target(%dma_start3A_74 : memref<128x64xf32, #tpu.memory_space<vmem>>) offsets(%dma_start3A_77 : memref<128xi32, #tpu.memory_space<vmem>>) semaphore(%arg18 : memref<!tpu.dma_semaphore, #tpu.memory_space<semaphore_mem>>)
    %dma_start3A_81 = arith.constant 5 : i32
    %dma_start3A_82 = arith.constant 128 : i32
    %dma_start3A_83 = arith.constant 0 : i32
    %dma_start3A_84 = tpu.memref_slice %arg9[%dma_start3A_82, %dma_start3A_83] : memref<256x64xf32, #tpu.memory_space<vmem>> -> memref<128x64xf32, #tpu.memory_space<vmem>>
    %dma_start3A_85 = arith.constant 0 : i32
    %dma_start3A_86 = tpu.memref_slice %arg7[%dma_start3A_81, %dma_start3A_85] : memref<28x128xi32, #tpu.memory_space<vmem>> -> memref<1x128xi32, #tpu.memory_space<vmem>>
    %dma_start3A_87 = tpu.memref_squeeze %dma_start3A_86 : memref<1x128xi32, #tpu.memory_space<vmem>> -> memref<128xi32, #tpu.memory_space<vmem>>
    %dma_start3A_88 = arith.constant 0 : i32
    %dma_start3A_89 = arith.constant 0 : i32
    %dma_start3A_90 = tpu.memref_slice %arg4[%dma_start3A_88, %dma_start3A_89] : memref<1000x64xf32, #tpu.memory_space<hbm>> -> memref<1000x64xf32, #tpu.memory_space<hbm>>
    tpu.enqueue_indirect_dma source(%dma_start3A_90 : memref<1000x64xf32, #tpu.memory_space<hbm>>) target(%dma_start3A_84 : memref<128x64xf32, #tpu.memory_space<vmem>>) offsets(%dma_start3A_87 : memref<128xi32, #tpu.memory_space<vmem>>) semaphore(%arg18 : memref<!tpu.dma_semaphore, #tpu.memory_space<semaphore_mem>>)
    %dma_start3A_91 = arith.constant 9 : i32
    %dma_start3A_92 = arith.constant 128 : i32
    %dma_start3A_93 = arith.constant 0 : i32
    %dma_start3A_94 = tpu.memref_slice %arg10[%dma_start3A_92, %dma_start3A_93] : memref<256x64xf32, #tpu.memory_space<vmem>> -> memref<128x64xf32, #tpu.memory_space<vmem>>
    %dma_start3A_95 = arith.constant 0 : i32
    %dma_start3A_96 = tpu.memref_slice %arg7[%dma_start3A_91, %dma_start3A_95] : memref<28x128xi32, #tpu.memory_space<vmem>> -> memref<1x128xi32, #tpu.memory_space<vmem>>
    %dma_start3A_97 = tpu.memref_squeeze %dma_start3A_96 : memref<1x128xi32, #tpu.memory_space<vmem>> -> memref<128xi32, #tpu.memory_space<vmem>>
    %dma_start3A_98 = arith.constant 0 : i32
    %dma_start3A_99 = arith.constant 0 : i32
    %dma_start3A_100 = tpu.memref_slice %arg3[%dma_start3A_98, %dma_start3A_99] : memref<1000000x64xf32, #tpu.memory_space<hbm>> -> memref<1000000x64xf32, #tpu.memory_space<hbm>>
    tpu.enqueue_indirect_dma source(%dma_start3A_100 : memref<1000000x64xf32, #tpu.memory_space<hbm>>) target(%dma_start3A_94 : memref<128x64xf32, #tpu.memory_space<vmem>>) offsets(%dma_start3A_97 : memref<128xi32, #tpu.memory_space<vmem>>) semaphore(%arg18 : memref<!tpu.dma_semaphore, #tpu.memory_space<semaphore_mem>>)
    %dma_start3A_101 = arith.constant 13 : i32
    %dma_start3A_102 = arith.constant 128 : i32
    %dma_start3A_103 = arith.constant 0 : i32
    %dma_start3A_104 = tpu.memref_slice %arg11[%dma_start3A_102, %dma_start3A_103] : memref<256x64xf32, #tpu.memory_space<vmem>> -> memref<128x64xf32, #tpu.memory_space<vmem>>
    %dma_start3A_105 = arith.constant 0 : i32
    %dma_start3A_106 = tpu.memref_slice %arg7[%dma_start3A_101, %dma_start3A_105] : memref<28x128xi32, #tpu.memory_space<vmem>> -> memref<1x128xi32, #tpu.memory_space<vmem>>
    %dma_start3A_107 = tpu.memref_squeeze %dma_start3A_106 : memref<1x128xi32, #tpu.memory_space<vmem>> -> memref<128xi32, #tpu.memory_space<vmem>>
    %dma_start3A_108 = arith.constant 0 : i32
    %dma_start3A_109 = arith.constant 0 : i32
    %dma_start3A_110 = tpu.memref_slice %arg3[%dma_start3A_108, %dma_start3A_109] : memref<1000000x64xf32, #tpu.memory_space<hbm>> -> memref<1000000x64xf32, #tpu.memory_space<hbm>>
    tpu.enqueue_indirect_dma source(%dma_start3A_110 : memref<1000000x64xf32, #tpu.memory_space<hbm>>) target(%dma_start3A_104 : memref<128x64xf32, #tpu.memory_space<vmem>>) offsets(%dma_start3A_107 : memref<128xi32, #tpu.memory_space<vmem>>) semaphore(%arg18 : memref<!tpu.dma_semaphore, #tpu.memory_space<semaphore_mem>>)
    %dma_start3A_111 = arith.constant 17 : i32
    %dma_start3A_112 = arith.constant 128 : i32
    %dma_start3A_113 = arith.constant 0 : i32
    %dma_start3A_114 = tpu.memref_slice %arg12[%dma_start3A_112, %dma_start3A_113] : memref<256x64xf32, #tpu.memory_space<vmem>> -> memref<128x64xf32, #tpu.memory_space<vmem>>
    %dma_start3A_115 = arith.constant 0 : i32
    %dma_start3A_116 = tpu.memref_slice %arg7[%dma_start3A_111, %dma_start3A_115] : memref<28x128xi32, #tpu.memory_space<vmem>> -> memref<1x128xi32, #tpu.memory_space<vmem>>
    %dma_start3A_117 = tpu.memref_squeeze %dma_start3A_116 : memref<1x128xi32, #tpu.memory_space<vmem>> -> memref<128xi32, #tpu.memory_space<vmem>>
    %dma_start3A_118 = arith.constant 0 : i32
    %dma_start3A_119 = arith.constant 0 : i32
    %dma_start3A_120 = tpu.memref_slice %arg3[%dma_start3A_118, %dma_start3A_119] : memref<1000000x64xf32, #tpu.memory_space<hbm>> -> memref<1000000x64xf32, #tpu.memory_space<hbm>>
    tpu.enqueue_indirect_dma source(%dma_start3A_120 : memref<1000000x64xf32, #tpu.memory_space<hbm>>) target(%dma_start3A_114 : memref<128x64xf32, #tpu.memory_space<vmem>>) offsets(%dma_start3A_117 : memref<128xi32, #tpu.memory_space<vmem>>) semaphore(%arg18 : memref<!tpu.dma_semaphore, #tpu.memory_space<semaphore_mem>>)
    %dma_start3A_121 = arith.constant 21 : i32
    %dma_start3A_122 = arith.constant 128 : i32
    %dma_start3A_123 = arith.constant 0 : i32
    %dma_start3A_124 = tpu.memref_slice %arg13[%dma_start3A_122, %dma_start3A_123] : memref<256x64xf32, #tpu.memory_space<vmem>> -> memref<128x64xf32, #tpu.memory_space<vmem>>
    %dma_start3A_125 = arith.constant 0 : i32
    %dma_start3A_126 = tpu.memref_slice %arg7[%dma_start3A_121, %dma_start3A_125] : memref<28x128xi32, #tpu.memory_space<vmem>> -> memref<1x128xi32, #tpu.memory_space<vmem>>
    %dma_start3A_127 = tpu.memref_squeeze %dma_start3A_126 : memref<1x128xi32, #tpu.memory_space<vmem>> -> memref<128xi32, #tpu.memory_space<vmem>>
    %dma_start3A_128 = arith.constant 0 : i32
    %dma_start3A_129 = arith.constant 0 : i32
    %dma_start3A_130 = tpu.memref_slice %arg3[%dma_start3A_128, %dma_start3A_129] : memref<1000000x64xf32, #tpu.memory_space<hbm>> -> memref<1000000x64xf32, #tpu.memory_space<hbm>>
    tpu.enqueue_indirect_dma source(%dma_start3A_130 : memref<1000000x64xf32, #tpu.memory_space<hbm>>) target(%dma_start3A_124 : memref<128x64xf32, #tpu.memory_space<vmem>>) offsets(%dma_start3A_127 : memref<128xi32, #tpu.memory_space<vmem>>) semaphore(%arg18 : memref<!tpu.dma_semaphore, #tpu.memory_space<semaphore_mem>>)
    %dma_start3A_131 = arith.constant 25 : i32
    %dma_start3A_132 = arith.constant 128 : i32
    %dma_start3A_133 = arith.constant 0 : i32
    %dma_start3A_134 = tpu.memref_slice %arg14[%dma_start3A_132, %dma_start3A_133] : memref<256x64xf32, #tpu.memory_space<vmem>> -> memref<128x64xf32, #tpu.memory_space<vmem>>
    %dma_start3A_135 = arith.constant 0 : i32
    %dma_start3A_136 = tpu.memref_slice %arg7[%dma_start3A_131, %dma_start3A_135] : memref<28x128xi32, #tpu.memory_space<vmem>> -> memref<1x128xi32, #tpu.memory_space<vmem>>
    %dma_start3A_137 = tpu.memref_squeeze %dma_start3A_136 : memref<1x128xi32, #tpu.memory_space<vmem>> -> memref<128xi32, #tpu.memory_space<vmem>>
    %dma_start3A_138 = arith.constant 0 : i32
    %dma_start3A_139 = arith.constant 0 : i32
    %dma_start3A_140 = tpu.memref_slice %arg3[%dma_start3A_138, %dma_start3A_139] : memref<1000000x64xf32, #tpu.memory_space<hbm>> -> memref<1000000x64xf32, #tpu.memory_space<hbm>>
    tpu.enqueue_indirect_dma source(%dma_start3A_140 : memref<1000000x64xf32, #tpu.memory_space<hbm>>) target(%dma_start3A_134 : memref<128x64xf32, #tpu.memory_space<vmem>>) offsets(%dma_start3A_137 : memref<128xi32, #tpu.memory_space<vmem>>) semaphore(%arg18 : memref<!tpu.dma_semaphore, #tpu.memory_space<semaphore_mem>>)
    %dma_wait3A = arith.constant 0 : i32
    %dma_wait3A_141 = arith.constant 0 : i32
    %dma_wait3A_142 = arith.constant 0 : i32
    %dma_wait3A_143 = tpu.memref_slice %arg8[%dma_wait3A_141, %dma_wait3A_142] : memref<256x64xf32, #tpu.memory_space<vmem>> -> memref<128x64xf32, #tpu.memory_space<vmem>>
    %dma_wait3A_144 = arith.constant 0 : i32
    %dma_wait3A_145 = tpu.memref_slice %arg7[%dma_wait3A, %dma_wait3A_144] : memref<28x128xi32, #tpu.memory_space<vmem>> -> memref<1x128xi32, #tpu.memory_space<vmem>>
    %dma_wait3A_146 = tpu.memref_squeeze %dma_wait3A_145 : memref<1x128xi32, #tpu.memory_space<vmem>> -> memref<128xi32, #tpu.memory_space<vmem>>
    %dma_wait3A_147 = arith.constant 0 : i32
    %dma_wait3A_148 = arith.constant 0 : i32
    %dma_wait3A_149 = tpu.memref_slice %arg3[%dma_wait3A_147, %dma_wait3A_148] : memref<1000000x64xf32, #tpu.memory_space<hbm>> -> memref<1000000x64xf32, #tpu.memory_space<hbm>>
    tpu.wait_indirect_dma semaphore(%arg17 : memref<!tpu.dma_semaphore, #tpu.memory_space<semaphore_mem>>) src(%dma_wait3A_149 : memref<1000000x64xf32, #tpu.memory_space<hbm>>) dst(%dma_wait3A_143 : memref<128x64xf32, #tpu.memory_space<vmem>>)
    %dma_wait3A_150 = arith.constant 4 : i32
    %dma_wait3A_151 = arith.constant 0 : i32
    %dma_wait3A_152 = arith.constant 0 : i32
    %dma_wait3A_153 = tpu.memref_slice %arg9[%dma_wait3A_151, %dma_wait3A_152] : memref<256x64xf32, #tpu.memory_space<vmem>> -> memref<128x64xf32, #tpu.memory_space<vmem>>
    %dma_wait3A_154 = arith.constant 0 : i32
    %dma_wait3A_155 = tpu.memref_slice %arg7[%dma_wait3A_150, %dma_wait3A_154] : memref<28x128xi32, #tpu.memory_space<vmem>> -> memref<1x128xi32, #tpu.memory_space<vmem>>
    %dma_wait3A_156 = tpu.memref_squeeze %dma_wait3A_155 : memref<1x128xi32, #tpu.memory_space<vmem>> -> memref<128xi32, #tpu.memory_space<vmem>>
    %dma_wait3A_157 = arith.constant 0 : i32
    %dma_wait3A_158 = arith.constant 0 : i32
    %dma_wait3A_159 = tpu.memref_slice %arg4[%dma_wait3A_157, %dma_wait3A_158] : memref<1000x64xf32, #tpu.memory_space<hbm>> -> memref<1000x64xf32, #tpu.memory_space<hbm>>
    tpu.wait_indirect_dma semaphore(%arg17 : memref<!tpu.dma_semaphore, #tpu.memory_space<semaphore_mem>>) src(%dma_wait3A_159 : memref<1000x64xf32, #tpu.memory_space<hbm>>) dst(%dma_wait3A_153 : memref<128x64xf32, #tpu.memory_space<vmem>>)
    %dma_wait3A_160 = arith.constant 8 : i32
    %dma_wait3A_161 = arith.constant 0 : i32
    %dma_wait3A_162 = arith.constant 0 : i32
    %dma_wait3A_163 = tpu.memref_slice %arg10[%dma_wait3A_161, %dma_wait3A_162] : memref<256x64xf32, #tpu.memory_space<vmem>> -> memref<128x64xf32, #tpu.memory_space<vmem>>
    %dma_wait3A_164 = arith.constant 0 : i32
    %dma_wait3A_165 = tpu.memref_slice %arg7[%dma_wait3A_160, %dma_wait3A_164] : memref<28x128xi32, #tpu.memory_space<vmem>> -> memref<1x128xi32, #tpu.memory_space<vmem>>
    %dma_wait3A_166 = tpu.memref_squeeze %dma_wait3A_165 : memref<1x128xi32, #tpu.memory_space<vmem>> -> memref<128xi32, #tpu.memory_space<vmem>>
    %dma_wait3A_167 = arith.constant 0 : i32
    %dma_wait3A_168 = arith.constant 0 : i32
    %dma_wait3A_169 = tpu.memref_slice %arg3[%dma_wait3A_167, %dma_wait3A_168] : memref<1000000x64xf32, #tpu.memory_space<hbm>> -> memref<1000000x64xf32, #tpu.memory_space<hbm>>
    tpu.wait_indirect_dma semaphore(%arg17 : memref<!tpu.dma_semaphore, #tpu.memory_space<semaphore_mem>>) src(%dma_wait3A_169 : memref<1000000x64xf32, #tpu.memory_space<hbm>>) dst(%dma_wait3A_163 : memref<128x64xf32, #tpu.memory_space<vmem>>)
    %dma_wait3A_170 = arith.constant 12 : i32
    %dma_wait3A_171 = arith.constant 0 : i32
    %dma_wait3A_172 = arith.constant 0 : i32
    %dma_wait3A_173 = tpu.memref_slice %arg11[%dma_wait3A_171, %dma_wait3A_172] : memref<256x64xf32, #tpu.memory_space<vmem>> -> memref<128x64xf32, #tpu.memory_space<vmem>>
    %dma_wait3A_174 = arith.constant 0 : i32
    %dma_wait3A_175 = tpu.memref_slice %arg7[%dma_wait3A_170, %dma_wait3A_174] : memref<28x128xi32, #tpu.memory_space<vmem>> -> memref<1x128xi32, #tpu.memory_space<vmem>>
    %dma_wait3A_176 = tpu.memref_squeeze %dma_wait3A_175 : memref<1x128xi32, #tpu.memory_space<vmem>> -> memref<128xi32, #tpu.memory_space<vmem>>
    %dma_wait3A_177 = arith.constant 0 : i32
    %dma_wait3A_178 = arith.constant 0 : i32
    %dma_wait3A_179 = tpu.memref_slice %arg3[%dma_wait3A_177, %dma_wait3A_178] : memref<1000000x64xf32, #tpu.memory_space<hbm>> -> memref<1000000x64xf32, #tpu.memory_space<hbm>>
    tpu.wait_indirect_dma semaphore(%arg17 : memref<!tpu.dma_semaphore, #tpu.memory_space<semaphore_mem>>) src(%dma_wait3A_179 : memref<1000000x64xf32, #tpu.memory_space<hbm>>) dst(%dma_wait3A_173 : memref<128x64xf32, #tpu.memory_space<vmem>>)
    %dma_wait3A_180 = arith.constant 16 : i32
    %dma_wait3A_181 = arith.constant 0 : i32
    %dma_wait3A_182 = arith.constant 0 : i32
    %dma_wait3A_183 = tpu.memref_slice %arg12[%dma_wait3A_181, %dma_wait3A_182] : memref<256x64xf32, #tpu.memory_space<vmem>> -> memref<128x64xf32, #tpu.memory_space<vmem>>
    %dma_wait3A_184 = arith.constant 0 : i32
    %dma_wait3A_185 = tpu.memref_slice %arg7[%dma_wait3A_180, %dma_wait3A_184] : memref<28x128xi32, #tpu.memory_space<vmem>> -> memref<1x128xi32, #tpu.memory_space<vmem>>
    %dma_wait3A_186 = tpu.memref_squeeze %dma_wait3A_185 : memref<1x128xi32, #tpu.memory_space<vmem>> -> memref<128xi32, #tpu.memory_space<vmem>>
    %dma_wait3A_187 = arith.constant 0 : i32
    %dma_wait3A_188 = arith.constant 0 : i32
    %dma_wait3A_189 = tpu.memref_slice %arg3[%dma_wait3A_187, %dma_wait3A_188] : memref<1000000x64xf32, #tpu.memory_space<hbm>> -> memref<1000000x64xf32, #tpu.memory_space<hbm>>
    tpu.wait_indirect_dma semaphore(%arg17 : memref<!tpu.dma_semaphore, #tpu.memory_space<semaphore_mem>>) src(%dma_wait3A_189 : memref<1000000x64xf32, #tpu.memory_space<hbm>>) dst(%dma_wait3A_183 : memref<128x64xf32, #tpu.memory_space<vmem>>)
    %dma_wait3A_190 = arith.constant 20 : i32
    %dma_wait3A_191 = arith.constant 0 : i32
    %dma_wait3A_192 = arith.constant 0 : i32
    %dma_wait3A_193 = tpu.memref_slice %arg13[%dma_wait3A_191, %dma_wait3A_192] : memref<256x64xf32, #tpu.memory_space<vmem>> -> memref<128x64xf32, #tpu.memory_space<vmem>>
    %dma_wait3A_194 = arith.constant 0 : i32
    %dma_wait3A_195 = tpu.memref_slice %arg7[%dma_wait3A_190, %dma_wait3A_194] : memref<28x128xi32, #tpu.memory_space<vmem>> -> memref<1x128xi32, #tpu.memory_space<vmem>>
    %dma_wait3A_196 = tpu.memref_squeeze %dma_wait3A_195 : memref<1x128xi32, #tpu.memory_space<vmem>> -> memref<128xi32, #tpu.memory_space<vmem>>
    %dma_wait3A_197 = arith.constant 0 : i32
    %dma_wait3A_198 = arith.constant 0 : i32
    %dma_wait3A_199 = tpu.memref_slice %arg3[%dma_wait3A_197, %dma_wait3A_198] : memref<1000000x64xf32, #tpu.memory_space<hbm>> -> memref<1000000x64xf32, #tpu.memory_space<hbm>>
    tpu.wait_indirect_dma semaphore(%arg17 : memref<!tpu.dma_semaphore, #tpu.memory_space<semaphore_mem>>) src(%dma_wait3A_199 : memref<1000000x64xf32, #tpu.memory_space<hbm>>) dst(%dma_wait3A_193 : memref<128x64xf32, #tpu.memory_space<vmem>>)
    %dma_wait3A_200 = arith.constant 24 : i32
    %dma_wait3A_201 = arith.constant 0 : i32
    %dma_wait3A_202 = arith.constant 0 : i32
    %dma_wait3A_203 = tpu.memref_slice %arg14[%dma_wait3A_201, %dma_wait3A_202] : memref<256x64xf32, #tpu.memory_space<vmem>> -> memref<128x64xf32, #tpu.memory_space<vmem>>
    %dma_wait3A_204 = arith.constant 0 : i32
    %dma_wait3A_205 = tpu.memref_slice %arg7[%dma_wait3A_200, %dma_wait3A_204] : memref<28x128xi32, #tpu.memory_space<vmem>> -> memref<1x128xi32, #tpu.memory_space<vmem>>
    %dma_wait3A_206 = tpu.memref_squeeze %dma_wait3A_205 : memref<1x128xi32, #tpu.memory_space<vmem>> -> memref<128xi32, #tpu.memory_space<vmem>>
    %dma_wait3A_207 = arith.constant 0 : i32
    %dma_wait3A_208 = arith.constant 0 : i32
    %dma_wait3A_209 = tpu.memref_slice %arg3[%dma_wait3A_207, %dma_wait3A_208] : memref<1000000x64xf32, #tpu.memory_space<hbm>> -> memref<1000000x64xf32, #tpu.memory_space<hbm>>
    tpu.wait_indirect_dma semaphore(%arg17 : memref<!tpu.dma_semaphore, #tpu.memory_space<semaphore_mem>>) src(%dma_wait3A_209 : memref<1000000x64xf32, #tpu.memory_space<hbm>>) dst(%dma_wait3A_203 : memref<128x64xf32, #tpu.memory_space<vmem>>)
    %scan3A = arith.constant 0 : i32
    %scan3A_210 = arith.constant 8 : i32
    %scan3A_211 = arith.addi %scan3A, %scan3A_210 : i32
    %scan3A_212 = arith.constant 1 : i32
    %scan3A_213:3 = scf.for %scan3A_596 = %scan3A to %scan3A_211 step %scan3A_212 iter_args(%scan3A_597 = %broadcast_in_dim3A_1, %scan3A_598 = %broadcast_in_dim3A_1, %scan3A_599 = %broadcast_in_dim3A_1) -> (vector<16xf32>, vector<16xf32>, vector<16xf32>)  : i32 {
      %mul3A_600 = arith.constant 16 : i32
      %mul3A_601 = arith.muli %scan3A_596, %mul3A_600 : i32
      %add3A_602 = arith.constant 0 : i32
      %add3A_603 = arith.addi %add3A_602, %mul3A_601 : i32
      %add3A_604 = vector.broadcast %add3A_603 : i32 to vector<16xi32>
      %add3A_605 = arith.addi %add3A_604, %iota3A : vector<16xi32>
      %scan3A_606 = arith.constant 0 : i32
      %scan3A_607 = arith.constant 16 : i32
      %scan3A_608 = arith.addi %scan3A_606, %scan3A_607 : i32
      %scan3A_609 = arith.constant 1 : i32
      %scan3A_610:5 = scf.for %scan3A_658 = %scan3A_606 to %scan3A_608 step %scan3A_609 iter_args(%scan3A_659 = %broadcast_in_dim3A_1, %scan3A_660 = %broadcast_in_dim3A_1, %scan3A_661 = %broadcast_in_dim3A_1, %scan3A_662 = %broadcast_in_dim3A_1, %scan3A_663 = %broadcast_in_dim3A_1) -> (vector<16xf32>, vector<16xf32>, vector<16xf32>, vector<16xf32>, vector<16xf32>)  : i32 {
        %mul3A_664 = arith.constant 4 : i32
        %mul3A_665 = arith.muli %scan3A_658, %mul3A_664 : i32
        %add3A_666 = arith.constant 0 : i32
        %add3A_667 = arith.addi %mul3A_665, %add3A_666 : i32
        %broadcast_in_dim3A_668 = arith.constant 0 : i32
        %broadcast_in_dim3A_669 = vector.broadcast %broadcast_in_dim3A_668 : i32 to vector<16xi32>
        %add3A_670 = vector.broadcast %add3A_667 : i32 to vector<16xi32>
        %add3A_671 = arith.addi %broadcast_in_dim3A_669, %add3A_670 : vector<16xi32>
        %gather3A = tpu.vector_load_idx %arg8[%add3A_605, %add3A_671] : memref<256x64xf32, #tpu.memory_space<vmem>>[vector<16xi32>, vector<16xi32>], vector<16xf32>,
        %gather3A_672 = tpu.vector_load_idx %arg9[%add3A_605, %add3A_671] : memref<256x64xf32, #tpu.memory_space<vmem>>[vector<16xi32>, vector<16xi32>], vector<16xf32>,
        %gather3A_673 = tpu.vector_load_idx %arg10[%add3A_605, %add3A_671] : memref<256x64xf32, #tpu.memory_space<vmem>>[vector<16xi32>, vector<16xi32>], vector<16xf32>,
        %mul3A_674 = arith.mulf %gather3A, %gather3A_672 : vector<16xf32>
        %mul3A_675 = arith.mulf %gather3A_672, %gather3A_673 : vector<16xf32>
        %mul3A_676 = arith.mulf %mul3A_674, %gather3A_673 : vector<16xf32>
        %add3A_677 = arith.addf %scan3A_659, %mul3A_676 : vector<16xf32>
        %gather3A_678 = tpu.vector_load_idx %arg11[%add3A_605, %add3A_671] : memref<256x64xf32, #tpu.memory_space<vmem>>[vector<16xi32>, vector<16xi32>], vector<16xf32>,
        %mul3A_679 = arith.mulf %mul3A_674, %gather3A_678 : vector<16xf32>
        %add3A_680 = arith.addf %scan3A_660, %mul3A_679 : vector<16xf32>
        %gather3A_681 = tpu.vector_load_idx %arg12[%add3A_605, %add3A_671] : memref<256x64xf32, #tpu.memory_space<vmem>>[vector<16xi32>, vector<16xi32>], vector<16xf32>,
        %mul3A_682 = arith.mulf %mul3A_674, %gather3A_681 : vector<16xf32>
        %add3A_683 = arith.addf %scan3A_661, %mul3A_682 : vector<16xf32>
        %gather3A_684 = tpu.vector_load_idx %arg13[%add3A_605, %add3A_671] : memref<256x64xf32, #tpu.memory_space<vmem>>[vector<16xi32>, vector<16xi32>], vector<16xf32>,
        %mul3A_685 = arith.mulf %mul3A_675, %gather3A_684 : vector<16xf32>
        %add3A_686 = arith.addf %scan3A_662, %mul3A_685 : vector<16xf32>
        %gather3A_687 = tpu.vector_load_idx %arg14[%add3A_605, %add3A_671] : memref<256x64xf32, #tpu.memory_space<vmem>>[vector<16xi32>, vector<16xi32>], vector<16xf32>,
        %mul3A_688 = arith.mulf %mul3A_675, %gather3A_687 : vector<16xf32>
        %add3A_689 = arith.addf %scan3A_663, %mul3A_688 : vector<16xf32>
        %mul3A_690 = arith.constant 4 : i32
        %mul3A_691 = arith.muli %scan3A_658, %mul3A_690 : i32
        %add3A_692 = arith.constant 1 : i32
        %add3A_693 = arith.addi %mul3A_691, %add3A_692 : i32
        %broadcast_in_dim3A_694 = arith.constant 0 : i32
        %broadcast_in_dim3A_695 = vector.broadcast %broadcast_in_dim3A_694 : i32 to vector<16xi32>
        %add3A_696 = vector.broadcast %add3A_693 : i32 to vector<16xi32>
        %add3A_697 = arith.addi %broadcast_in_dim3A_695, %add3A_696 : vector<16xi32>
        %gather3A_698 = tpu.vector_load_idx %arg8[%add3A_605, %add3A_697] : memref<256x64xf32, #tpu.memory_space<vmem>>[vector<16xi32>, vector<16xi32>], vector<16xf32>,
        %gather3A_699 = tpu.vector_load_idx %arg9[%add3A_605, %add3A_697] : memref<256x64xf32, #tpu.memory_space<vmem>>[vector<16xi32>, vector<16xi32>], vector<16xf32>,
        %gather3A_700 = tpu.vector_load_idx %arg10[%add3A_605, %add3A_697] : memref<256x64xf32, #tpu.memory_space<vmem>>[vector<16xi32>, vector<16xi32>], vector<16xf32>,
        %mul3A_701 = arith.mulf %gather3A_698, %gather3A_699 : vector<16xf32>
        %mul3A_702 = arith.mulf %gather3A_699, %gather3A_700 : vector<16xf32>
        %mul3A_703 = arith.mulf %mul3A_701, %gather3A_700 : vector<16xf32>
        %add3A_704 = arith.addf %add3A_677, %mul3A_703 : vector<16xf32>
        %gather3A_705 = tpu.vector_load_idx %arg11[%add3A_605, %add3A_697] : memref<256x64xf32, #tpu.memory_space<vmem>>[vector<16xi32>, vector<16xi32>], vector<16xf32>,
        %mul3A_706 = arith.mulf %mul3A_701, %gather3A_705 : vector<16xf32>
        %add3A_707 = arith.addf %add3A_680, %mul3A_706 : vector<16xf32>
        %gather3A_708 = tpu.vector_load_idx %arg12[%add3A_605, %add3A_697] : memref<256x64xf32, #tpu.memory_space<vmem>>[vector<16xi32>, vector<16xi32>], vector<16xf32>,
        %mul3A_709 = arith.mulf %mul3A_701, %gather3A_708 : vector<16xf32>
        %add3A_710 = arith.addf %add3A_683, %mul3A_709 : vector<16xf32>
        %gather3A_711 = tpu.vector_load_idx %arg13[%add3A_605, %add3A_697] : memref<256x64xf32, #tpu.memory_space<vmem>>[vector<16xi32>, vector<16xi32>], vector<16xf32>,
        %mul3A_712 = arith.mulf %mul3A_702, %gather3A_711 : vector<16xf32>
        %add3A_713 = arith.addf %add3A_686, %mul3A_712 : vector<16xf32>
        %gather3A_714 = tpu.vector_load_idx %arg14[%add3A_605, %add3A_697] : memref<256x64xf32, #tpu.memory_space<vmem>>[vector<16xi32>, vector<16xi32>], vector<16xf32>,
        %mul3A_715 = arith.mulf %mul3A_702, %gather3A_714 : vector<16xf32>
        %add3A_716 = arith.addf %add3A_689, %mul3A_715 : vector<16xf32>
        %mul3A_717 = arith.constant 4 : i32
        %mul3A_718 = arith.muli %scan3A_658, %mul3A_717 : i32
        %add3A_719 = arith.constant 2 : i32
        %add3A_720 = arith.addi %mul3A_718, %add3A_719 : i32
        %broadcast_in_dim3A_721 = arith.constant 0 : i32
        %broadcast_in_dim3A_722 = vector.broadcast %broadcast_in_dim3A_721 : i32 to vector<16xi32>
        %add3A_723 = vector.broadcast %add3A_720 : i32 to vector<16xi32>
        %add3A_724 = arith.addi %broadcast_in_dim3A_722, %add3A_723 : vector<16xi32>
        %gather3A_725 = tpu.vector_load_idx %arg8[%add3A_605, %add3A_724] : memref<256x64xf32, #tpu.memory_space<vmem>>[vector<16xi32>, vector<16xi32>], vector<16xf32>,
        %gather3A_726 = tpu.vector_load_idx %arg9[%add3A_605, %add3A_724] : memref<256x64xf32, #tpu.memory_space<vmem>>[vector<16xi32>, vector<16xi32>], vector<16xf32>,
        %gather3A_727 = tpu.vector_load_idx %arg10[%add3A_605, %add3A_724] : memref<256x64xf32, #tpu.memory_space<vmem>>[vector<16xi32>, vector<16xi32>], vector<16xf32>,
        %mul3A_728 = arith.mulf %gather3A_725, %gather3A_726 : vector<16xf32>
        %mul3A_729 = arith.mulf %gather3A_726, %gather3A_727 : vector<16xf32>
        %mul3A_730 = arith.mulf %mul3A_728, %gather3A_727 : vector<16xf32>
        %add3A_731 = arith.addf %add3A_704, %mul3A_730 : vector<16xf32>
        %gather3A_732 = tpu.vector_load_idx %arg11[%add3A_605, %add3A_724] : memref<256x64xf32, #tpu.memory_space<vmem>>[vector<16xi32>, vector<16xi32>], vector<16xf32>,
        %mul3A_733 = arith.mulf %mul3A_728, %gather3A_732 : vector<16xf32>
        %add3A_734 = arith.addf %add3A_707, %mul3A_733 : vector<16xf32>
        %gather3A_735 = tpu.vector_load_idx %arg12[%add3A_605, %add3A_724] : memref<256x64xf32, #tpu.memory_space<vmem>>[vector<16xi32>, vector<16xi32>], vector<16xf32>,
        %mul3A_736 = arith.mulf %mul3A_728, %gather3A_735 : vector<16xf32>
        %add3A_737 = arith.addf %add3A_710, %mul3A_736 : vector<16xf32>
        %gather3A_738 = tpu.vector_load_idx %arg13[%add3A_605, %add3A_724] : memref<256x64xf32, #tpu.memory_space<vmem>>[vector<16xi32>, vector<16xi32>], vector<16xf32>,
        %mul3A_739 = arith.mulf %mul3A_729, %gather3A_738 : vector<16xf32>
        %add3A_740 = arith.addf %add3A_713, %mul3A_739 : vector<16xf32>
        %gather3A_741 = tpu.vector_load_idx %arg14[%add3A_605, %add3A_724] : memref<256x64xf32, #tpu.memory_space<vmem>>[vector<16xi32>, vector<16xi32>], vector<16xf32>,
        %mul3A_742 = arith.mulf %mul3A_729, %gather3A_741 : vector<16xf32>
        %add3A_743 = arith.addf %add3A_716, %mul3A_742 : vector<16xf32>
        %mul3A_744 = arith.constant 4 : i32
        %mul3A_745 = arith.muli %scan3A_658, %mul3A_744 : i32
        %add3A_746 = arith.constant 3 : i32
        %add3A_747 = arith.addi %mul3A_745, %add3A_746 : i32
        %broadcast_in_dim3A_748 = arith.constant 0 : i32
        %broadcast_in_dim3A_749 = vector.broadcast %broadcast_in_dim3A_748 : i32 to vector<16xi32>
        %add3A_750 = vector.broadcast %add3A_747 : i32 to vector<16xi32>
        %add3A_751 = arith.addi %broadcast_in_dim3A_749, %add3A_750 : vector<16xi32>
        %gather3A_752 = tpu.vector_load_idx %arg8[%add3A_605, %add3A_751] : memref<256x64xf32, #tpu.memory_space<vmem>>[vector<16xi32>, vector<16xi32>], vector<16xf32>,
        %gather3A_753 = tpu.vector_load_idx %arg9[%add3A_605, %add3A_751] : memref<256x64xf32, #tpu.memory_space<vmem>>[vector<16xi32>, vector<16xi32>], vector<16xf32>,
        %gather3A_754 = tpu.vector_load_idx %arg10[%add3A_605, %add3A_751] : memref<256x64xf32, #tpu.memory_space<vmem>>[vector<16xi32>, vector<16xi32>], vector<16xf32>,
        %mul3A_755 = arith.mulf %gather3A_752, %gather3A_753 : vector<16xf32>
        %mul3A_756 = arith.mulf %gather3A_753, %gather3A_754 : vector<16xf32>
        %mul3A_757 = arith.mulf %mul3A_755, %gather3A_754 : vector<16xf32>
        %add3A_758 = arith.addf %add3A_731, %mul3A_757 : vector<16xf32>
        %gather3A_759 = tpu.vector_load_idx %arg11[%add3A_605, %add3A_751] : memref<256x64xf32, #tpu.memory_space<vmem>>[vector<16xi32>, vector<16xi32>], vector<16xf32>,
        %mul3A_760 = arith.mulf %mul3A_755, %gather3A_759 : vector<16xf32>
        %add3A_761 = arith.addf %add3A_734, %mul3A_760 : vector<16xf32>
        %gather3A_762 = tpu.vector_load_idx %arg12[%add3A_605, %add3A_751] : memref<256x64xf32, #tpu.memory_space<vmem>>[vector<16xi32>, vector<16xi32>], vector<16xf32>,
        %mul3A_763 = arith.mulf %mul3A_755, %gather3A_762 : vector<16xf32>
        %add3A_764 = arith.addf %add3A_737, %mul3A_763 : vector<16xf32>
        %gather3A_765 = tpu.vector_load_idx %arg13[%add3A_605, %add3A_751] : memref<256x64xf32, #tpu.memory_space<vmem>>[vector<16xi32>, vector<16xi32>], vector<16xf32>,
        %mul3A_766 = arith.mulf %mul3A_756, %gather3A_765 : vector<16xf32>
        %add3A_767 = arith.addf %add3A_740, %mul3A_766 : vector<16xf32>
        %gather3A_768 = tpu.vector_load_idx %arg14[%add3A_605, %add3A_751] : memref<256x64xf32, #tpu.memory_space<vmem>>[vector<16xi32>, vector<16xi32>], vector<16xf32>,
        %mul3A_769 = arith.mulf %mul3A_756, %gather3A_768 : vector<16xf32>
        %add3A_770 = arith.addf %add3A_743, %mul3A_769 : vector<16xf32>
        scf.yield %add3A_758, %add3A_761, %add3A_764, %add3A_767, %add3A_770 : vector<16xf32>, vector<16xf32>, vector<16xf32>, vector<16xf32>, vector<16xf32>
      }
      %scan3A_611 = arith.constant 16 : i32
      %mul3A_612 = arith.constant 16 : i32
      %mul3A_613 = arith.muli %scan3A_596, %mul3A_612 : i32
      %add3A_614 = arith.constant 0 : i32
      %add3A_615 = arith.addi %add3A_614, %mul3A_613 : i32
      %swap3A_616 = arith.index_cast %add3A_615 : i32 to index
      %swap3A_617 = tpu.vector_load %arg15[%swap3A_616] {strides = array<i32>} : memref<512xf32, #tpu.memory_space<vmem>>, vector<16xf32>,
      tpu.vector_store %arg15[%swap3A_616], %scan3A_610#0 {strides = array<i32>} : memref<512xf32, #tpu.memory_space<vmem>>, vector<16xf32>,
      %neg3A = arith.constant 0.000000e+00 : f32
      %neg3A_618 = vector.broadcast %neg3A : f32 to vector<16xf32>
      %neg3A_619 = arith.subf %neg3A_618, %scan3A_610#0 : vector<16xf32>
      %exp3A = math.exp %neg3A_619 : vector<16xf32>
      %add3A_620 = arith.constant 1.000000e+00 : f32
      %add3A_621 = vector.broadcast %add3A_620 : f32 to vector<16xf32>
      %add3A_622 = arith.addf %add3A_621, %exp3A : vector<16xf32>
      %div3A = arith.constant 1.000000e+00 : f32
      %div3A_623 = vector.broadcast %div3A : f32 to vector<16xf32>
      %div3A_624 = arith.divf %div3A_623, %add3A_622 : vector<16xf32>
      %add3A_625 = arith.addf %scan3A_597, %div3A_624 : vector<16xf32>
      %exp3A_626 = math.exp %scan3A_610#1 : vector<16xf32>
      %add3A_627 = arith.constant 1.000000e+00 : f32
      %add3A_628 = vector.broadcast %add3A_627 : f32 to vector<16xf32>
      %add3A_629 = arith.addf %add3A_628, %exp3A_626 : vector<16xf32>
      %div3A_630 = arith.constant 1.000000e+00 : f32
      %div3A_631 = vector.broadcast %div3A_630 : f32 to vector<16xf32>
      %div3A_632 = arith.divf %div3A_631, %add3A_629 : vector<16xf32>
      %add3A_633 = arith.addf %scan3A_598, %div3A_632 : vector<16xf32>
      %exp3A_634 = math.exp %scan3A_610#2 : vector<16xf32>
      %add3A_635 = arith.constant 1.000000e+00 : f32
      %add3A_636 = vector.broadcast %add3A_635 : f32 to vector<16xf32>
      %add3A_637 = arith.addf %add3A_636, %exp3A_634 : vector<16xf32>
      %div3A_638 = arith.constant 1.000000e+00 : f32
      %div3A_639 = vector.broadcast %div3A_638 : f32 to vector<16xf32>
      %div3A_640 = arith.divf %div3A_639, %add3A_637 : vector<16xf32>
      %add3A_641 = arith.addf %add3A_633, %div3A_640 : vector<16xf32>
      %exp3A_642 = math.exp %scan3A_610#3 : vector<16xf32>
      %add3A_643 = arith.constant 1.000000e+00 : f32
      %add3A_644 = vector.broadcast %add3A_643 : f32 to vector<16xf32>
      %add3A_645 = arith.addf %add3A_644, %exp3A_642 : vector<16xf32>
      %div3A_646 = arith.constant 1.000000e+00 : f32
      %div3A_647 = vector.broadcast %div3A_646 : f32 to vector<16xf32>
      %div3A_648 = arith.divf %div3A_647, %add3A_645 : vector<16xf32>
      %add3A_649 = arith.addf %scan3A_599, %div3A_648 : vector<16xf32>
      %exp3A_650 = math.exp %scan3A_610#4 : vector<16xf32>
      %add3A_651 = arith.constant 1.000000e+00 : f32
      %add3A_652 = vector.broadcast %add3A_651 : f32 to vector<16xf32>
      %add3A_653 = arith.addf %add3A_652, %exp3A_650 : vector<16xf32>
      %div3A_654 = arith.constant 1.000000e+00 : f32
      %div3A_655 = vector.broadcast %div3A_654 : f32 to vector<16xf32>
      %div3A_656 = arith.divf %div3A_655, %add3A_653 : vector<16xf32>
      %add3A_657 = arith.addf %add3A_649, %div3A_656 : vector<16xf32>
      scf.yield %add3A_625, %add3A_641, %add3A_657 : vector<16xf32>, vector<16xf32>, vector<16xf32>
    }
    %scan3A_214 = arith.constant 8 : i32
    %dma_start3A_215 = arith.constant 2 : i32
    %dma_start3A_216 = arith.constant 0 : i32
    %dma_start3A_217 = arith.constant 0 : i32
    %dma_start3A_218 = tpu.memref_slice %arg8[%dma_start3A_216, %dma_start3A_217] : memref<256x64xf32, #tpu.memory_space<vmem>> -> memref<128x64xf32, #tpu.memory_space<vmem>>
    %dma_start3A_219 = arith.constant 0 : i32
    %dma_start3A_220 = tpu.memref_slice %arg7[%dma_start3A_215, %dma_start3A_219] : memref<28x128xi32, #tpu.memory_space<vmem>> -> memref<1x128xi32, #tpu.memory_space<vmem>>
    %dma_start3A_221 = tpu.memref_squeeze %dma_start3A_220 : memref<1x128xi32, #tpu.memory_space<vmem>> -> memref<128xi32, #tpu.memory_space<vmem>>
    %dma_start3A_222 = arith.constant 0 : i32
    %dma_start3A_223 = arith.constant 0 : i32
    %dma_start3A_224 = tpu.memref_slice %arg3[%dma_start3A_222, %dma_start3A_223] : memref<1000000x64xf32, #tpu.memory_space<hbm>> -> memref<1000000x64xf32, #tpu.memory_space<hbm>>
    tpu.enqueue_indirect_dma source(%dma_start3A_224 : memref<1000000x64xf32, #tpu.memory_space<hbm>>) target(%dma_start3A_218 : memref<128x64xf32, #tpu.memory_space<vmem>>) offsets(%dma_start3A_221 : memref<128xi32, #tpu.memory_space<vmem>>) semaphore(%arg17 : memref<!tpu.dma_semaphore, #tpu.memory_space<semaphore_mem>>)
    %dma_start3A_225 = arith.constant 6 : i32
    %dma_start3A_226 = arith.constant 0 : i32
    %dma_start3A_227 = arith.constant 0 : i32
    %dma_start3A_228 = tpu.memref_slice %arg9[%dma_start3A_226, %dma_start3A_227] : memref<256x64xf32, #tpu.memory_space<vmem>> -> memref<128x64xf32, #tpu.memory_space<vmem>>
    %dma_start3A_229 = arith.constant 0 : i32
    %dma_start3A_230 = tpu.memref_slice %arg7[%dma_start3A_225, %dma_start3A_229] : memref<28x128xi32, #tpu.memory_space<vmem>> -> memref<1x128xi32, #tpu.memory_space<vmem>>
    %dma_start3A_231 = tpu.memref_squeeze %dma_start3A_230 : memref<1x128xi32, #tpu.memory_space<vmem>> -> memref<128xi32, #tpu.memory_space<vmem>>
    %dma_start3A_232 = arith.constant 0 : i32
    %dma_start3A_233 = arith.constant 0 : i32
    %dma_start3A_234 = tpu.memref_slice %arg4[%dma_start3A_232, %dma_start3A_233] : memref<1000x64xf32, #tpu.memory_space<hbm>> -> memref<1000x64xf32, #tpu.memory_space<hbm>>
    tpu.enqueue_indirect_dma source(%dma_start3A_234 : memref<1000x64xf32, #tpu.memory_space<hbm>>) target(%dma_start3A_228 : memref<128x64xf32, #tpu.memory_space<vmem>>) offsets(%dma_start3A_231 : memref<128xi32, #tpu.memory_space<vmem>>) semaphore(%arg17 : memref<!tpu.dma_semaphore, #tpu.memory_space<semaphore_mem>>)
    %dma_start3A_235 = arith.constant 10 : i32
    %dma_start3A_236 = arith.constant 0 : i32
    %dma_start3A_237 = arith.constant 0 : i32
    %dma_start3A_238 = tpu.memref_slice %arg10[%dma_start3A_236, %dma_start3A_237] : memref<256x64xf32, #tpu.memory_space<vmem>> -> memref<128x64xf32, #tpu.memory_space<vmem>>
    %dma_start3A_239 = arith.constant 0 : i32
    %dma_start3A_240 = tpu.memref_slice %arg7[%dma_start3A_235, %dma_start3A_239] : memref<28x128xi32, #tpu.memory_space<vmem>> -> memref<1x128xi32, #tpu.memory_space<vmem>>
    %dma_start3A_241 = tpu.memref_squeeze %dma_start3A_240 : memref<1x128xi32, #tpu.memory_space<vmem>> -> memref<128xi32, #tpu.memory_space<vmem>>
    %dma_start3A_242 = arith.constant 0 : i32
    %dma_start3A_243 = arith.constant 0 : i32
    %dma_start3A_244 = tpu.memref_slice %arg3[%dma_start3A_242, %dma_start3A_243] : memref<1000000x64xf32, #tpu.memory_space<hbm>> -> memref<1000000x64xf32, #tpu.memory_space<hbm>>
    tpu.enqueue_indirect_dma source(%dma_start3A_244 : memref<1000000x64xf32, #tpu.memory_space<hbm>>) target(%dma_start3A_238 : memref<128x64xf32, #tpu.memory_space<vmem>>) offsets(%dma_start3A_241 : memref<128xi32, #tpu.memory_space<vmem>>) semaphore(%arg17 : memref<!tpu.dma_semaphore, #tpu.memory_space<semaphore_mem>>)
    %dma_start3A_245 = arith.constant 14 : i32
    %dma_start3A_246 = arith.constant 0 : i32
    %dma_start3A_247 = arith.constant 0 : i32
    %dma_start3A_248 = tpu.memref_slice %arg11[%dma_start3A_246, %dma_start3A_247] : memref<256x64xf32, #tpu.memory_space<vmem>> -> memref<128x64xf32, #tpu.memory_space<vmem>>
    %dma_start3A_249 = arith.constant 0 : i32
    %dma_start3A_250 = tpu.memref_slice %arg7[%dma_start3A_245, %dma_start3A_249] : memref<28x128xi32, #tpu.memory_space<vmem>> -> memref<1x128xi32, #tpu.memory_space<vmem>>
    %dma_start3A_251 = tpu.memref_squeeze %dma_start3A_250 : memref<1x128xi32, #tpu.memory_space<vmem>> -> memref<128xi32, #tpu.memory_space<vmem>>
    %dma_start3A_252 = arith.constant 0 : i32
    %dma_start3A_253 = arith.constant 0 : i32
    %dma_start3A_254 = tpu.memref_slice %arg3[%dma_start3A_252, %dma_start3A_253] : memref<1000000x64xf32, #tpu.memory_space<hbm>> -> memref<1000000x64xf32, #tpu.memory_space<hbm>>
    tpu.enqueue_indirect_dma source(%dma_start3A_254 : memref<1000000x64xf32, #tpu.memory_space<hbm>>) target(%dma_start3A_248 : memref<128x64xf32, #tpu.memory_space<vmem>>) offsets(%dma_start3A_251 : memref<128xi32, #tpu.memory_space<vmem>>) semaphore(%arg17 : memref<!tpu.dma_semaphore, #tpu.memory_space<semaphore_mem>>)
    %dma_start3A_255 = arith.constant 18 : i32
    %dma_start3A_256 = arith.constant 0 : i32
    %dma_start3A_257 = arith.constant 0 : i32
    %dma_start3A_258 = tpu.memref_slice %arg12[%dma_start3A_256, %dma_start3A_257] : memref<256x64xf32, #tpu.memory_space<vmem>> -> memref<128x64xf32, #tpu.memory_space<vmem>>
    %dma_start3A_259 = arith.constant 0 : i32
    %dma_start3A_260 = tpu.memref_slice %arg7[%dma_start3A_255, %dma_start3A_259] : memref<28x128xi32, #tpu.memory_space<vmem>> -> memref<1x128xi32, #tpu.memory_space<vmem>>
    %dma_start3A_261 = tpu.memref_squeeze %dma_start3A_260 : memref<1x128xi32, #tpu.memory_space<vmem>> -> memref<128xi32, #tpu.memory_space<vmem>>
    %dma_start3A_262 = arith.constant 0 : i32
    %dma_start3A_263 = arith.constant 0 : i32
    %dma_start3A_264 = tpu.memref_slice %arg3[%dma_start3A_262, %dma_start3A_263] : memref<1000000x64xf32, #tpu.memory_space<hbm>> -> memref<1000000x64xf32, #tpu.memory_space<hbm>>
    tpu.enqueue_indirect_dma source(%dma_start3A_264 : memref<1000000x64xf32, #tpu.memory_space<hbm>>) target(%dma_start3A_258 : memref<128x64xf32, #tpu.memory_space<vmem>>) offsets(%dma_start3A_261 : memref<128xi32, #tpu.memory_space<vmem>>) semaphore(%arg17 : memref<!tpu.dma_semaphore, #tpu.memory_space<semaphore_mem>>)
    %dma_start3A_265 = arith.constant 22 : i32
    %dma_start3A_266 = arith.constant 0 : i32
    %dma_start3A_267 = arith.constant 0 : i32
    %dma_start3A_268 = tpu.memref_slice %arg13[%dma_start3A_266, %dma_start3A_267] : memref<256x64xf32, #tpu.memory_space<vmem>> -> memref<128x64xf32, #tpu.memory_space<vmem>>
    %dma_start3A_269 = arith.constant 0 : i32
    %dma_start3A_270 = tpu.memref_slice %arg7[%dma_start3A_265, %dma_start3A_269] : memref<28x128xi32, #tpu.memory_space<vmem>> -> memref<1x128xi32, #tpu.memory_space<vmem>>
    %dma_start3A_271 = tpu.memref_squeeze %dma_start3A_270 : memref<1x128xi32, #tpu.memory_space<vmem>> -> memref<128xi32, #tpu.memory_space<vmem>>
    %dma_start3A_272 = arith.constant 0 : i32
    %dma_start3A_273 = arith.constant 0 : i32
    %dma_start3A_274 = tpu.memref_slice %arg3[%dma_start3A_272, %dma_start3A_273] : memref<1000000x64xf32, #tpu.memory_space<hbm>> -> memref<1000000x64xf32, #tpu.memory_space<hbm>>
    tpu.enqueue_indirect_dma source(%dma_start3A_274 : memref<1000000x64xf32, #tpu.memory_space<hbm>>) target(%dma_start3A_268 : memref<128x64xf32, #tpu.memory_space<vmem>>) offsets(%dma_start3A_271 : memref<128xi32, #tpu.memory_space<vmem>>) semaphore(%arg17 : memref<!tpu.dma_semaphore, #tpu.memory_space<semaphore_mem>>)
    %dma_start3A_275 = arith.constant 26 : i32
    %dma_start3A_276 = arith.constant 0 : i32
    %dma_start3A_277 = arith.constant 0 : i32
    %dma_start3A_278 = tpu.memref_slice %arg14[%dma_start3A_276, %dma_start3A_277] : memref<256x64xf32, #tpu.memory_space<vmem>> -> memref<128x64xf32, #tpu.memory_space<vmem>>
    %dma_start3A_279 = arith.constant 0 : i32
    %dma_start3A_280 = tpu.memref_slice %arg7[%dma_start3A_275, %dma_start3A_279] : memref<28x128xi32, #tpu.memory_space<vmem>> -> memref<1x128xi32, #tpu.memory_space<vmem>>
    %dma_start3A_281 = tpu.memref_squeeze %dma_start3A_280 : memref<1x128xi32, #tpu.memory_space<vmem>> -> memref<128xi32, #tpu.memory_space<vmem>>
    %dma_start3A_282 = arith.constant 0 : i32
    %dma_start3A_283 = arith.constant 0 : i32
    %dma_start3A_284 = tpu.memref_slice %arg3[%dma_start3A_282, %dma_start3A_283] : memref<1000000x64xf32, #tpu.memory_space<hbm>> -> memref<1000000x64xf32, #tpu.memory_space<hbm>>
    tpu.enqueue_indirect_dma source(%dma_start3A_284 : memref<1000000x64xf32, #tpu.memory_space<hbm>>) target(%dma_start3A_278 : memref<128x64xf32, #tpu.memory_space<vmem>>) offsets(%dma_start3A_281 : memref<128xi32, #tpu.memory_space<vmem>>) semaphore(%arg17 : memref<!tpu.dma_semaphore, #tpu.memory_space<semaphore_mem>>)
    %dma_wait3A_285 = arith.constant 1 : i32
    %dma_wait3A_286 = arith.constant 128 : i32
    %dma_wait3A_287 = arith.constant 0 : i32
    %dma_wait3A_288 = tpu.memref_slice %arg8[%dma_wait3A_286, %dma_wait3A_287] : memref<256x64xf32, #tpu.memory_space<vmem>> -> memref<128x64xf32, #tpu.memory_space<vmem>>
    %dma_wait3A_289 = arith.constant 0 : i32
    %dma_wait3A_290 = tpu.memref_slice %arg7[%dma_wait3A_285, %dma_wait3A_289] : memref<28x128xi32, #tpu.memory_space<vmem>> -> memref<1x128xi32, #tpu.memory_space<vmem>>
    %dma_wait3A_291 = tpu.memref_squeeze %dma_wait3A_290 : memref<1x128xi32, #tpu.memory_space<vmem>> -> memref<128xi32, #tpu.memory_space<vmem>>
    %dma_wait3A_292 = arith.constant 0 : i32
    %dma_wait3A_293 = arith.constant 0 : i32
    %dma_wait3A_294 = tpu.memref_slice %arg3[%dma_wait3A_292, %dma_wait3A_293] : memref<1000000x64xf32, #tpu.memory_space<hbm>> -> memref<1000000x64xf32, #tpu.memory_space<hbm>>
    tpu.wait_indirect_dma semaphore(%arg18 : memref<!tpu.dma_semaphore, #tpu.memory_space<semaphore_mem>>) src(%dma_wait3A_294 : memref<1000000x64xf32, #tpu.memory_space<hbm>>) dst(%dma_wait3A_288 : memref<128x64xf32, #tpu.memory_space<vmem>>)
    %dma_wait3A_295 = arith.constant 5 : i32
    %dma_wait3A_296 = arith.constant 128 : i32
    %dma_wait3A_297 = arith.constant 0 : i32
    %dma_wait3A_298 = tpu.memref_slice %arg9[%dma_wait3A_296, %dma_wait3A_297] : memref<256x64xf32, #tpu.memory_space<vmem>> -> memref<128x64xf32, #tpu.memory_space<vmem>>
    %dma_wait3A_299 = arith.constant 0 : i32
    %dma_wait3A_300 = tpu.memref_slice %arg7[%dma_wait3A_295, %dma_wait3A_299] : memref<28x128xi32, #tpu.memory_space<vmem>> -> memref<1x128xi32, #tpu.memory_space<vmem>>
    %dma_wait3A_301 = tpu.memref_squeeze %dma_wait3A_300 : memref<1x128xi32, #tpu.memory_space<vmem>> -> memref<128xi32, #tpu.memory_space<vmem>>
    %dma_wait3A_302 = arith.constant 0 : i32
    %dma_wait3A_303 = arith.constant 0 : i32
    %dma_wait3A_304 = tpu.memref_slice %arg4[%dma_wait3A_302, %dma_wait3A_303] : memref<1000x64xf32, #tpu.memory_space<hbm>> -> memref<1000x64xf32, #tpu.memory_space<hbm>>
    tpu.wait_indirect_dma semaphore(%arg18 : memref<!tpu.dma_semaphore, #tpu.memory_space<semaphore_mem>>) src(%dma_wait3A_304 : memref<1000x64xf32, #tpu.memory_space<hbm>>) dst(%dma_wait3A_298 : memref<128x64xf32, #tpu.memory_space<vmem>>)
    %dma_wait3A_305 = arith.constant 9 : i32
    %dma_wait3A_306 = arith.constant 128 : i32
    %dma_wait3A_307 = arith.constant 0 : i32
    %dma_wait3A_308 = tpu.memref_slice %arg10[%dma_wait3A_306, %dma_wait3A_307] : memref<256x64xf32, #tpu.memory_space<vmem>> -> memref<128x64xf32, #tpu.memory_space<vmem>>
    %dma_wait3A_309 = arith.constant 0 : i32
    %dma_wait3A_310 = tpu.memref_slice %arg7[%dma_wait3A_305, %dma_wait3A_309] : memref<28x128xi32, #tpu.memory_space<vmem>> -> memref<1x128xi32, #tpu.memory_space<vmem>>
    %dma_wait3A_311 = tpu.memref_squeeze %dma_wait3A_310 : memref<1x128xi32, #tpu.memory_space<vmem>> -> memref<128xi32, #tpu.memory_space<vmem>>
    %dma_wait3A_312 = arith.constant 0 : i32
    %dma_wait3A_313 = arith.constant 0 : i32
    %dma_wait3A_314 = tpu.memref_slice %arg3[%dma_wait3A_312, %dma_wait3A_313] : memref<1000000x64xf32, #tpu.memory_space<hbm>> -> memref<1000000x64xf32, #tpu.memory_space<hbm>>
    tpu.wait_indirect_dma semaphore(%arg18 : memref<!tpu.dma_semaphore, #tpu.memory_space<semaphore_mem>>) src(%dma_wait3A_314 : memref<1000000x64xf32, #tpu.memory_space<hbm>>) dst(%dma_wait3A_308 : memref<128x64xf32, #tpu.memory_space<vmem>>)
    %dma_wait3A_315 = arith.constant 13 : i32
    %dma_wait3A_316 = arith.constant 128 : i32
    %dma_wait3A_317 = arith.constant 0 : i32
    %dma_wait3A_318 = tpu.memref_slice %arg11[%dma_wait3A_316, %dma_wait3A_317] : memref<256x64xf32, #tpu.memory_space<vmem>> -> memref<128x64xf32, #tpu.memory_space<vmem>>
    %dma_wait3A_319 = arith.constant 0 : i32
    %dma_wait3A_320 = tpu.memref_slice %arg7[%dma_wait3A_315, %dma_wait3A_319] : memref<28x128xi32, #tpu.memory_space<vmem>> -> memref<1x128xi32, #tpu.memory_space<vmem>>
    %dma_wait3A_321 = tpu.memref_squeeze %dma_wait3A_320 : memref<1x128xi32, #tpu.memory_space<vmem>> -> memref<128xi32, #tpu.memory_space<vmem>>
    %dma_wait3A_322 = arith.constant 0 : i32
    %dma_wait3A_323 = arith.constant 0 : i32
    %dma_wait3A_324 = tpu.memref_slice %arg3[%dma_wait3A_322, %dma_wait3A_323] : memref<1000000x64xf32, #tpu.memory_space<hbm>> -> memref<1000000x64xf32, #tpu.memory_space<hbm>>
    tpu.wait_indirect_dma semaphore(%arg18 : memref<!tpu.dma_semaphore, #tpu.memory_space<semaphore_mem>>) src(%dma_wait3A_324 : memref<1000000x64xf32, #tpu.memory_space<hbm>>) dst(%dma_wait3A_318 : memref<128x64xf32, #tpu.memory_space<vmem>>)
    %dma_wait3A_325 = arith.constant 17 : i32
    %dma_wait3A_326 = arith.constant 128 : i32
    %dma_wait3A_327 = arith.constant 0 : i32
    %dma_wait3A_328 = tpu.memref_slice %arg12[%dma_wait3A_326, %dma_wait3A_327] : memref<256x64xf32, #tpu.memory_space<vmem>> -> memref<128x64xf32, #tpu.memory_space<vmem>>
    %dma_wait3A_329 = arith.constant 0 : i32
    %dma_wait3A_330 = tpu.memref_slice %arg7[%dma_wait3A_325, %dma_wait3A_329] : memref<28x128xi32, #tpu.memory_space<vmem>> -> memref<1x128xi32, #tpu.memory_space<vmem>>
    %dma_wait3A_331 = tpu.memref_squeeze %dma_wait3A_330 : memref<1x128xi32, #tpu.memory_space<vmem>> -> memref<128xi32, #tpu.memory_space<vmem>>
    %dma_wait3A_332 = arith.constant 0 : i32
    %dma_wait3A_333 = arith.constant 0 : i32
    %dma_wait3A_334 = tpu.memref_slice %arg3[%dma_wait3A_332, %dma_wait3A_333] : memref<1000000x64xf32, #tpu.memory_space<hbm>> -> memref<1000000x64xf32, #tpu.memory_space<hbm>>
    tpu.wait_indirect_dma semaphore(%arg18 : memref<!tpu.dma_semaphore, #tpu.memory_space<semaphore_mem>>) src(%dma_wait3A_334 : memref<1000000x64xf32, #tpu.memory_space<hbm>>) dst(%dma_wait3A_328 : memref<128x64xf32, #tpu.memory_space<vmem>>)
    %dma_wait3A_335 = arith.constant 21 : i32
    %dma_wait3A_336 = arith.constant 128 : i32
    %dma_wait3A_337 = arith.constant 0 : i32
    %dma_wait3A_338 = tpu.memref_slice %arg13[%dma_wait3A_336, %dma_wait3A_337] : memref<256x64xf32, #tpu.memory_space<vmem>> -> memref<128x64xf32, #tpu.memory_space<vmem>>
    %dma_wait3A_339 = arith.constant 0 : i32
    %dma_wait3A_340 = tpu.memref_slice %arg7[%dma_wait3A_335, %dma_wait3A_339] : memref<28x128xi32, #tpu.memory_space<vmem>> -> memref<1x128xi32, #tpu.memory_space<vmem>>
    %dma_wait3A_341 = tpu.memref_squeeze %dma_wait3A_340 : memref<1x128xi32, #tpu.memory_space<vmem>> -> memref<128xi32, #tpu.memory_space<vmem>>
    %dma_wait3A_342 = arith.constant 0 : i32
    %dma_wait3A_343 = arith.constant 0 : i32
    %dma_wait3A_344 = tpu.memref_slice %arg3[%dma_wait3A_342, %dma_wait3A_343] : memref<1000000x64xf32, #tpu.memory_space<hbm>> -> memref<1000000x64xf32, #tpu.memory_space<hbm>>
    tpu.wait_indirect_dma semaphore(%arg18 : memref<!tpu.dma_semaphore, #tpu.memory_space<semaphore_mem>>) src(%dma_wait3A_344 : memref<1000000x64xf32, #tpu.memory_space<hbm>>) dst(%dma_wait3A_338 : memref<128x64xf32, #tpu.memory_space<vmem>>)
    %dma_wait3A_345 = arith.constant 25 : i32
    %dma_wait3A_346 = arith.constant 128 : i32
    %dma_wait3A_347 = arith.constant 0 : i32
    %dma_wait3A_348 = tpu.memref_slice %arg14[%dma_wait3A_346, %dma_wait3A_347] : memref<256x64xf32, #tpu.memory_space<vmem>> -> memref<128x64xf32, #tpu.memory_space<vmem>>
    %dma_wait3A_349 = arith.constant 0 : i32
    %dma_wait3A_350 = tpu.memref_slice %arg7[%dma_wait3A_345, %dma_wait3A_349] : memref<28x128xi32, #tpu.memory_space<vmem>> -> memref<1x128xi32, #tpu.memory_space<vmem>>
    %dma_wait3A_351 = tpu.memref_squeeze %dma_wait3A_350 : memref<1x128xi32, #tpu.memory_space<vmem>> -> memref<128xi32, #tpu.memory_space<vmem>>
    %dma_wait3A_352 = arith.constant 0 : i32
    %dma_wait3A_353 = arith.constant 0 : i32
    %dma_wait3A_354 = tpu.memref_slice %arg3[%dma_wait3A_352, %dma_wait3A_353] : memref<1000000x64xf32, #tpu.memory_space<hbm>> -> memref<1000000x64xf32, #tpu.memory_space<hbm>>
    tpu.wait_indirect_dma semaphore(%arg18 : memref<!tpu.dma_semaphore, #tpu.memory_space<semaphore_mem>>) src(%dma_wait3A_354 : memref<1000000x64xf32, #tpu.memory_space<hbm>>) dst(%dma_wait3A_348 : memref<128x64xf32, #tpu.memory_space<vmem>>)
    %scan3A_355 = arith.constant 0 : i32
    %scan3A_356 = arith.constant 8 : i32
    %scan3A_357 = arith.addi %scan3A_355, %scan3A_356 : i32
    %scan3A_358 = arith.constant 1 : i32
    %scan3A_359:3 = scf.for %scan3A_596 = %scan3A_355 to %scan3A_357 step %scan3A_358 iter_args(%scan3A_597 = %scan3A_213#0, %scan3A_598 = %scan3A_213#1, %scan3A_599 = %scan3A_213#2) -> (vector<16xf32>, vector<16xf32>, vector<16xf32>)  : i32 {
      %mul3A_600 = arith.constant 16 : i32
      %mul3A_601 = arith.muli %scan3A_596, %mul3A_600 : i32
      %add3A_602 = arith.constant 128 : i32
      %add3A_603 = arith.addi %add3A_602, %mul3A_601 : i32
      %add3A_604 = vector.broadcast %add3A_603 : i32 to vector<16xi32>
      %add3A_605 = arith.addi %add3A_604, %iota3A : vector<16xi32>
      %scan3A_606 = arith.constant 0 : i32
      %scan3A_607 = arith.constant 16 : i32
      %scan3A_608 = arith.addi %scan3A_606, %scan3A_607 : i32
      %scan3A_609 = arith.constant 1 : i32
      %scan3A_610:5 = scf.for %scan3A_658 = %scan3A_606 to %scan3A_608 step %scan3A_609 iter_args(%scan3A_659 = %broadcast_in_dim3A_1, %scan3A_660 = %broadcast_in_dim3A_1, %scan3A_661 = %broadcast_in_dim3A_1, %scan3A_662 = %broadcast_in_dim3A_1, %scan3A_663 = %broadcast_in_dim3A_1) -> (vector<16xf32>, vector<16xf32>, vector<16xf32>, vector<16xf32>, vector<16xf32>)  : i32 {
        %mul3A_664 = arith.constant 4 : i32
        %mul3A_665 = arith.muli %scan3A_658, %mul3A_664 : i32
        %add3A_666 = arith.constant 0 : i32
        %add3A_667 = arith.addi %mul3A_665, %add3A_666 : i32
        %broadcast_in_dim3A_668 = arith.constant 0 : i32
        %broadcast_in_dim3A_669 = vector.broadcast %broadcast_in_dim3A_668 : i32 to vector<16xi32>
        %add3A_670 = vector.broadcast %add3A_667 : i32 to vector<16xi32>
        %add3A_671 = arith.addi %broadcast_in_dim3A_669, %add3A_670 : vector<16xi32>
        %gather3A = tpu.vector_load_idx %arg8[%add3A_605, %add3A_671] : memref<256x64xf32, #tpu.memory_space<vmem>>[vector<16xi32>, vector<16xi32>], vector<16xf32>,
        %gather3A_672 = tpu.vector_load_idx %arg9[%add3A_605, %add3A_671] : memref<256x64xf32, #tpu.memory_space<vmem>>[vector<16xi32>, vector<16xi32>], vector<16xf32>,
        %gather3A_673 = tpu.vector_load_idx %arg10[%add3A_605, %add3A_671] : memref<256x64xf32, #tpu.memory_space<vmem>>[vector<16xi32>, vector<16xi32>], vector<16xf32>,
        %mul3A_674 = arith.mulf %gather3A, %gather3A_672 : vector<16xf32>
        %mul3A_675 = arith.mulf %gather3A_672, %gather3A_673 : vector<16xf32>
        %mul3A_676 = arith.mulf %mul3A_674, %gather3A_673 : vector<16xf32>
        %add3A_677 = arith.addf %scan3A_659, %mul3A_676 : vector<16xf32>
        %gather3A_678 = tpu.vector_load_idx %arg11[%add3A_605, %add3A_671] : memref<256x64xf32, #tpu.memory_space<vmem>>[vector<16xi32>, vector<16xi32>], vector<16xf32>,
        %mul3A_679 = arith.mulf %mul3A_674, %gather3A_678 : vector<16xf32>
        %add3A_680 = arith.addf %scan3A_660, %mul3A_679 : vector<16xf32>
        %gather3A_681 = tpu.vector_load_idx %arg12[%add3A_605, %add3A_671] : memref<256x64xf32, #tpu.memory_space<vmem>>[vector<16xi32>, vector<16xi32>], vector<16xf32>,
        %mul3A_682 = arith.mulf %mul3A_674, %gather3A_681 : vector<16xf32>
        %add3A_683 = arith.addf %scan3A_661, %mul3A_682 : vector<16xf32>
        %gather3A_684 = tpu.vector_load_idx %arg13[%add3A_605, %add3A_671] : memref<256x64xf32, #tpu.memory_space<vmem>>[vector<16xi32>, vector<16xi32>], vector<16xf32>,
        %mul3A_685 = arith.mulf %mul3A_675, %gather3A_684 : vector<16xf32>
        %add3A_686 = arith.addf %scan3A_662, %mul3A_685 : vector<16xf32>
        %gather3A_687 = tpu.vector_load_idx %arg14[%add3A_605, %add3A_671] : memref<256x64xf32, #tpu.memory_space<vmem>>[vector<16xi32>, vector<16xi32>], vector<16xf32>,
        %mul3A_688 = arith.mulf %mul3A_675, %gather3A_687 : vector<16xf32>
        %add3A_689 = arith.addf %scan3A_663, %mul3A_688 : vector<16xf32>
        %mul3A_690 = arith.constant 4 : i32
        %mul3A_691 = arith.muli %scan3A_658, %mul3A_690 : i32
        %add3A_692 = arith.constant 1 : i32
        %add3A_693 = arith.addi %mul3A_691, %add3A_692 : i32
        %broadcast_in_dim3A_694 = arith.constant 0 : i32
        %broadcast_in_dim3A_695 = vector.broadcast %broadcast_in_dim3A_694 : i32 to vector<16xi32>
        %add3A_696 = vector.broadcast %add3A_693 : i32 to vector<16xi32>
        %add3A_697 = arith.addi %broadcast_in_dim3A_695, %add3A_696 : vector<16xi32>
        %gather3A_698 = tpu.vector_load_idx %arg8[%add3A_605, %add3A_697] : memref<256x64xf32, #tpu.memory_space<vmem>>[vector<16xi32>, vector<16xi32>], vector<16xf32>,
        %gather3A_699 = tpu.vector_load_idx %arg9[%add3A_605, %add3A_697] : memref<256x64xf32, #tpu.memory_space<vmem>>[vector<16xi32>, vector<16xi32>], vector<16xf32>,
        %gather3A_700 = tpu.vector_load_idx %arg10[%add3A_605, %add3A_697] : memref<256x64xf32, #tpu.memory_space<vmem>>[vector<16xi32>, vector<16xi32>], vector<16xf32>,
        %mul3A_701 = arith.mulf %gather3A_698, %gather3A_699 : vector<16xf32>
        %mul3A_702 = arith.mulf %gather3A_699, %gather3A_700 : vector<16xf32>
        %mul3A_703 = arith.mulf %mul3A_701, %gather3A_700 : vector<16xf32>
        %add3A_704 = arith.addf %add3A_677, %mul3A_703 : vector<16xf32>
        %gather3A_705 = tpu.vector_load_idx %arg11[%add3A_605, %add3A_697] : memref<256x64xf32, #tpu.memory_space<vmem>>[vector<16xi32>, vector<16xi32>], vector<16xf32>,
        %mul3A_706 = arith.mulf %mul3A_701, %gather3A_705 : vector<16xf32>
        %add3A_707 = arith.addf %add3A_680, %mul3A_706 : vector<16xf32>
        %gather3A_708 = tpu.vector_load_idx %arg12[%add3A_605, %add3A_697] : memref<256x64xf32, #tpu.memory_space<vmem>>[vector<16xi32>, vector<16xi32>], vector<16xf32>,
        %mul3A_709 = arith.mulf %mul3A_701, %gather3A_708 : vector<16xf32>
        %add3A_710 = arith.addf %add3A_683, %mul3A_709 : vector<16xf32>
        %gather3A_711 = tpu.vector_load_idx %arg13[%add3A_605, %add3A_697] : memref<256x64xf32, #tpu.memory_space<vmem>>[vector<16xi32>, vector<16xi32>], vector<16xf32>,
        %mul3A_712 = arith.mulf %mul3A_702, %gather3A_711 : vector<16xf32>
        %add3A_713 = arith.addf %add3A_686, %mul3A_712 : vector<16xf32>
        %gather3A_714 = tpu.vector_load_idx %arg14[%add3A_605, %add3A_697] : memref<256x64xf32, #tpu.memory_space<vmem>>[vector<16xi32>, vector<16xi32>], vector<16xf32>,
        %mul3A_715 = arith.mulf %mul3A_702, %gather3A_714 : vector<16xf32>
        %add3A_716 = arith.addf %add3A_689, %mul3A_715 : vector<16xf32>
        %mul3A_717 = arith.constant 4 : i32
        %mul3A_718 = arith.muli %scan3A_658, %mul3A_717 : i32
        %add3A_719 = arith.constant 2 : i32
        %add3A_720 = arith.addi %mul3A_718, %add3A_719 : i32
        %broadcast_in_dim3A_721 = arith.constant 0 : i32
        %broadcast_in_dim3A_722 = vector.broadcast %broadcast_in_dim3A_721 : i32 to vector<16xi32>
        %add3A_723 = vector.broadcast %add3A_720 : i32 to vector<16xi32>
        %add3A_724 = arith.addi %broadcast_in_dim3A_722, %add3A_723 : vector<16xi32>
        %gather3A_725 = tpu.vector_load_idx %arg8[%add3A_605, %add3A_724] : memref<256x64xf32, #tpu.memory_space<vmem>>[vector<16xi32>, vector<16xi32>], vector<16xf32>,
        %gather3A_726 = tpu.vector_load_idx %arg9[%add3A_605, %add3A_724] : memref<256x64xf32, #tpu.memory_space<vmem>>[vector<16xi32>, vector<16xi32>], vector<16xf32>,
        %gather3A_727 = tpu.vector_load_idx %arg10[%add3A_605, %add3A_724] : memref<256x64xf32, #tpu.memory_space<vmem>>[vector<16xi32>, vector<16xi32>], vector<16xf32>,
        %mul3A_728 = arith.mulf %gather3A_725, %gather3A_726 : vector<16xf32>
        %mul3A_729 = arith.mulf %gather3A_726, %gather3A_727 : vector<16xf32>
        %mul3A_730 = arith.mulf %mul3A_728, %gather3A_727 : vector<16xf32>
        %add3A_731 = arith.addf %add3A_704, %mul3A_730 : vector<16xf32>
        %gather3A_732 = tpu.vector_load_idx %arg11[%add3A_605, %add3A_724] : memref<256x64xf32, #tpu.memory_space<vmem>>[vector<16xi32>, vector<16xi32>], vector<16xf32>,
        %mul3A_733 = arith.mulf %mul3A_728, %gather3A_732 : vector<16xf32>
        %add3A_734 = arith.addf %add3A_707, %mul3A_733 : vector<16xf32>
        %gather3A_735 = tpu.vector_load_idx %arg12[%add3A_605, %add3A_724] : memref<256x64xf32, #tpu.memory_space<vmem>>[vector<16xi32>, vector<16xi32>], vector<16xf32>,
        %mul3A_736 = arith.mulf %mul3A_728, %gather3A_735 : vector<16xf32>
        %add3A_737 = arith.addf %add3A_710, %mul3A_736 : vector<16xf32>
        %gather3A_738 = tpu.vector_load_idx %arg13[%add3A_605, %add3A_724] : memref<256x64xf32, #tpu.memory_space<vmem>>[vector<16xi32>, vector<16xi32>], vector<16xf32>,
        %mul3A_739 = arith.mulf %mul3A_729, %gather3A_738 : vector<16xf32>
        %add3A_740 = arith.addf %add3A_713, %mul3A_739 : vector<16xf32>
        %gather3A_741 = tpu.vector_load_idx %arg14[%add3A_605, %add3A_724] : memref<256x64xf32, #tpu.memory_space<vmem>>[vector<16xi32>, vector<16xi32>], vector<16xf32>,
        %mul3A_742 = arith.mulf %mul3A_729, %gather3A_741 : vector<16xf32>
        %add3A_743 = arith.addf %add3A_716, %mul3A_742 : vector<16xf32>
        %mul3A_744 = arith.constant 4 : i32
        %mul3A_745 = arith.muli %scan3A_658, %mul3A_744 : i32
        %add3A_746 = arith.constant 3 : i32
        %add3A_747 = arith.addi %mul3A_745, %add3A_746 : i32
        %broadcast_in_dim3A_748 = arith.constant 0 : i32
        %broadcast_in_dim3A_749 = vector.broadcast %broadcast_in_dim3A_748 : i32 to vector<16xi32>
        %add3A_750 = vector.broadcast %add3A_747 : i32 to vector<16xi32>
        %add3A_751 = arith.addi %broadcast_in_dim3A_749, %add3A_750 : vector<16xi32>
        %gather3A_752 = tpu.vector_load_idx %arg8[%add3A_605, %add3A_751] : memref<256x64xf32, #tpu.memory_space<vmem>>[vector<16xi32>, vector<16xi32>], vector<16xf32>,
        %gather3A_753 = tpu.vector_load_idx %arg9[%add3A_605, %add3A_751] : memref<256x64xf32, #tpu.memory_space<vmem>>[vector<16xi32>, vector<16xi32>], vector<16xf32>,
        %gather3A_754 = tpu.vector_load_idx %arg10[%add3A_605, %add3A_751] : memref<256x64xf32, #tpu.memory_space<vmem>>[vector<16xi32>, vector<16xi32>], vector<16xf32>,
        %mul3A_755 = arith.mulf %gather3A_752, %gather3A_753 : vector<16xf32>
        %mul3A_756 = arith.mulf %gather3A_753, %gather3A_754 : vector<16xf32>
        %mul3A_757 = arith.mulf %mul3A_755, %gather3A_754 : vector<16xf32>
        %add3A_758 = arith.addf %add3A_731, %mul3A_757 : vector<16xf32>
        %gather3A_759 = tpu.vector_load_idx %arg11[%add3A_605, %add3A_751] : memref<256x64xf32, #tpu.memory_space<vmem>>[vector<16xi32>, vector<16xi32>], vector<16xf32>,
        %mul3A_760 = arith.mulf %mul3A_755, %gather3A_759 : vector<16xf32>
        %add3A_761 = arith.addf %add3A_734, %mul3A_760 : vector<16xf32>
        %gather3A_762 = tpu.vector_load_idx %arg12[%add3A_605, %add3A_751] : memref<256x64xf32, #tpu.memory_space<vmem>>[vector<16xi32>, vector<16xi32>], vector<16xf32>,
        %mul3A_763 = arith.mulf %mul3A_755, %gather3A_762 : vector<16xf32>
        %add3A_764 = arith.addf %add3A_737, %mul3A_763 : vector<16xf32>
        %gather3A_765 = tpu.vector_load_idx %arg13[%add3A_605, %add3A_751] : memref<256x64xf32, #tpu.memory_space<vmem>>[vector<16xi32>, vector<16xi32>], vector<16xf32>,
        %mul3A_766 = arith.mulf %mul3A_756, %gather3A_765 : vector<16xf32>
        %add3A_767 = arith.addf %add3A_740, %mul3A_766 : vector<16xf32>
        %gather3A_768 = tpu.vector_load_idx %arg14[%add3A_605, %add3A_751] : memref<256x64xf32, #tpu.memory_space<vmem>>[vector<16xi32>, vector<16xi32>], vector<16xf32>,
        %mul3A_769 = arith.mulf %mul3A_756, %gather3A_768 : vector<16xf32>
        %add3A_770 = arith.addf %add3A_743, %mul3A_769 : vector<16xf32>
        scf.yield %add3A_758, %add3A_761, %add3A_764, %add3A_767, %add3A_770 : vector<16xf32>, vector<16xf32>, vector<16xf32>, vector<16xf32>, vector<16xf32>
      }
      %scan3A_611 = arith.constant 16 : i32
      %mul3A_612 = arith.constant 16 : i32
      %mul3A_613 = arith.muli %scan3A_596, %mul3A_612 : i32
      %add3A_614 = arith.constant 128 : i32
      %add3A_615 = arith.addi %add3A_614, %mul3A_613 : i32
      %swap3A_616 = arith.index_cast %add3A_615 : i32 to index
      %swap3A_617 = tpu.vector_load %arg15[%swap3A_616] {strides = array<i32>} : memref<512xf32, #tpu.memory_space<vmem>>, vector<16xf32>,
      tpu.vector_store %arg15[%swap3A_616], %scan3A_610#0 {strides = array<i32>} : memref<512xf32, #tpu.memory_space<vmem>>, vector<16xf32>,
      %neg3A = arith.constant 0.000000e+00 : f32
      %neg3A_618 = vector.broadcast %neg3A : f32 to vector<16xf32>
      %neg3A_619 = arith.subf %neg3A_618, %scan3A_610#0 : vector<16xf32>
      %exp3A = math.exp %neg3A_619 : vector<16xf32>
      %add3A_620 = arith.constant 1.000000e+00 : f32
      %add3A_621 = vector.broadcast %add3A_620 : f32 to vector<16xf32>
      %add3A_622 = arith.addf %add3A_621, %exp3A : vector<16xf32>
      %div3A = arith.constant 1.000000e+00 : f32
      %div3A_623 = vector.broadcast %div3A : f32 to vector<16xf32>
      %div3A_624 = arith.divf %div3A_623, %add3A_622 : vector<16xf32>
      %add3A_625 = arith.addf %scan3A_597, %div3A_624 : vector<16xf32>
      %exp3A_626 = math.exp %scan3A_610#1 : vector<16xf32>
      %add3A_627 = arith.constant 1.000000e+00 : f32
      %add3A_628 = vector.broadcast %add3A_627 : f32 to vector<16xf32>
      %add3A_629 = arith.addf %add3A_628, %exp3A_626 : vector<16xf32>
      %div3A_630 = arith.constant 1.000000e+00 : f32
      %div3A_631 = vector.broadcast %div3A_630 : f32 to vector<16xf32>
      %div3A_632 = arith.divf %div3A_631, %add3A_629 : vector<16xf32>
      %add3A_633 = arith.addf %scan3A_598, %div3A_632 : vector<16xf32>
      %exp3A_634 = math.exp %scan3A_610#2 : vector<16xf32>
      %add3A_635 = arith.constant 1.000000e+00 : f32
      %add3A_636 = vector.broadcast %add3A_635 : f32 to vector<16xf32>
      %add3A_637 = arith.addf %add3A_636, %exp3A_634 : vector<16xf32>
      %div3A_638 = arith.constant 1.000000e+00 : f32
      %div3A_639 = vector.broadcast %div3A_638 : f32 to vector<16xf32>
      %div3A_640 = arith.divf %div3A_639, %add3A_637 : vector<16xf32>
      %add3A_641 = arith.addf %add3A_633, %div3A_640 : vector<16xf32>
      %exp3A_642 = math.exp %scan3A_610#3 : vector<16xf32>
      %add3A_643 = arith.constant 1.000000e+00 : f32
      %add3A_644 = vector.broadcast %add3A_643 : f32 to vector<16xf32>
      %add3A_645 = arith.addf %add3A_644, %exp3A_642 : vector<16xf32>
      %div3A_646 = arith.constant 1.000000e+00 : f32
      %div3A_647 = vector.broadcast %div3A_646 : f32 to vector<16xf32>
      %div3A_648 = arith.divf %div3A_647, %add3A_645 : vector<16xf32>
      %add3A_649 = arith.addf %scan3A_599, %div3A_648 : vector<16xf32>
      %exp3A_650 = math.exp %scan3A_610#4 : vector<16xf32>
      %add3A_651 = arith.constant 1.000000e+00 : f32
      %add3A_652 = vector.broadcast %add3A_651 : f32 to vector<16xf32>
      %add3A_653 = arith.addf %add3A_652, %exp3A_650 : vector<16xf32>
      %div3A_654 = arith.constant 1.000000e+00 : f32
      %div3A_655 = vector.broadcast %div3A_654 : f32 to vector<16xf32>
      %div3A_656 = arith.divf %div3A_655, %add3A_653 : vector<16xf32>
      %add3A_657 = arith.addf %add3A_649, %div3A_656 : vector<16xf32>
      scf.yield %add3A_625, %add3A_641, %add3A_657 : vector<16xf32>, vector<16xf32>, vector<16xf32>
    }
    %scan3A_360 = arith.constant 8 : i32
    %dma_start3A_361 = arith.constant 3 : i32
    %dma_start3A_362 = arith.constant 128 : i32
    %dma_start3A_363 = arith.constant 0 : i32
    %dma_start3A_364 = tpu.memref_slice %arg8[%dma_start3A_362, %dma_start3A_363] : memref<256x64xf32, #tpu.memory_space<vmem>> -> memref<128x64xf32, #tpu.memory_space<vmem>>
    %dma_start3A_365 = arith.constant 0 : i32
    %dma_start3A_366 = tpu.memref_slice %arg7[%dma_start3A_361, %dma_start3A_365] : memref<28x128xi32, #tpu.memory_space<vmem>> -> memref<1x128xi32, #tpu.memory_space<vmem>>
    %dma_start3A_367 = tpu.memref_squeeze %dma_start3A_366 : memref<1x128xi32, #tpu.memory_space<vmem>> -> memref<128xi32, #tpu.memory_space<vmem>>
    %dma_start3A_368 = arith.constant 0 : i32
    %dma_start3A_369 = arith.constant 0 : i32
    %dma_start3A_370 = tpu.memref_slice %arg3[%dma_start3A_368, %dma_start3A_369] : memref<1000000x64xf32, #tpu.memory_space<hbm>> -> memref<1000000x64xf32, #tpu.memory_space<hbm>>
    tpu.enqueue_indirect_dma source(%dma_start3A_370 : memref<1000000x64xf32, #tpu.memory_space<hbm>>) target(%dma_start3A_364 : memref<128x64xf32, #tpu.memory_space<vmem>>) offsets(%dma_start3A_367 : memref<128xi32, #tpu.memory_space<vmem>>) semaphore(%arg18 : memref<!tpu.dma_semaphore, #tpu.memory_space<semaphore_mem>>)
    %dma_start3A_371 = arith.constant 7 : i32
    %dma_start3A_372 = arith.constant 128 : i32
    %dma_start3A_373 = arith.constant 0 : i32
    %dma_start3A_374 = tpu.memref_slice %arg9[%dma_start3A_372, %dma_start3A_373] : memref<256x64xf32, #tpu.memory_space<vmem>> -> memref<128x64xf32, #tpu.memory_space<vmem>>
    %dma_start3A_375 = arith.constant 0 : i32
    %dma_start3A_376 = tpu.memref_slice %arg7[%dma_start3A_371, %dma_start3A_375] : memref<28x128xi32, #tpu.memory_space<vmem>> -> memref<1x128xi32, #tpu.memory_space<vmem>>
    %dma_start3A_377 = tpu.memref_squeeze %dma_start3A_376 : memref<1x128xi32, #tpu.memory_space<vmem>> -> memref<128xi32, #tpu.memory_space<vmem>>
    %dma_start3A_378 = arith.constant 0 : i32
    %dma_start3A_379 = arith.constant 0 : i32
    %dma_start3A_380 = tpu.memref_slice %arg4[%dma_start3A_378, %dma_start3A_379] : memref<1000x64xf32, #tpu.memory_space<hbm>> -> memref<1000x64xf32, #tpu.memory_space<hbm>>
    tpu.enqueue_indirect_dma source(%dma_start3A_380 : memref<1000x64xf32, #tpu.memory_space<hbm>>) target(%dma_start3A_374 : memref<128x64xf32, #tpu.memory_space<vmem>>) offsets(%dma_start3A_377 : memref<128xi32, #tpu.memory_space<vmem>>) semaphore(%arg18 : memref<!tpu.dma_semaphore, #tpu.memory_space<semaphore_mem>>)
    %dma_start3A_381 = arith.constant 11 : i32
    %dma_start3A_382 = arith.constant 128 : i32
    %dma_start3A_383 = arith.constant 0 : i32
    %dma_start3A_384 = tpu.memref_slice %arg10[%dma_start3A_382, %dma_start3A_383] : memref<256x64xf32, #tpu.memory_space<vmem>> -> memref<128x64xf32, #tpu.memory_space<vmem>>
    %dma_start3A_385 = arith.constant 0 : i32
    %dma_start3A_386 = tpu.memref_slice %arg7[%dma_start3A_381, %dma_start3A_385] : memref<28x128xi32, #tpu.memory_space<vmem>> -> memref<1x128xi32, #tpu.memory_space<vmem>>
    %dma_start3A_387 = tpu.memref_squeeze %dma_start3A_386 : memref<1x128xi32, #tpu.memory_space<vmem>> -> memref<128xi32, #tpu.memory_space<vmem>>
    %dma_start3A_388 = arith.constant 0 : i32
    %dma_start3A_389 = arith.constant 0 : i32
    %dma_start3A_390 = tpu.memref_slice %arg3[%dma_start3A_388, %dma_start3A_389] : memref<1000000x64xf32, #tpu.memory_space<hbm>> -> memref<1000000x64xf32, #tpu.memory_space<hbm>>
    tpu.enqueue_indirect_dma source(%dma_start3A_390 : memref<1000000x64xf32, #tpu.memory_space<hbm>>) target(%dma_start3A_384 : memref<128x64xf32, #tpu.memory_space<vmem>>) offsets(%dma_start3A_387 : memref<128xi32, #tpu.memory_space<vmem>>) semaphore(%arg18 : memref<!tpu.dma_semaphore, #tpu.memory_space<semaphore_mem>>)
    %dma_start3A_391 = arith.constant 15 : i32
    %dma_start3A_392 = arith.constant 128 : i32
    %dma_start3A_393 = arith.constant 0 : i32
    %dma_start3A_394 = tpu.memref_slice %arg11[%dma_start3A_392, %dma_start3A_393] : memref<256x64xf32, #tpu.memory_space<vmem>> -> memref<128x64xf32, #tpu.memory_space<vmem>>
    %dma_start3A_395 = arith.constant 0 : i32
    %dma_start3A_396 = tpu.memref_slice %arg7[%dma_start3A_391, %dma_start3A_395] : memref<28x128xi32, #tpu.memory_space<vmem>> -> memref<1x128xi32, #tpu.memory_space<vmem>>
    %dma_start3A_397 = tpu.memref_squeeze %dma_start3A_396 : memref<1x128xi32, #tpu.memory_space<vmem>> -> memref<128xi32, #tpu.memory_space<vmem>>
    %dma_start3A_398 = arith.constant 0 : i32
    %dma_start3A_399 = arith.constant 0 : i32
    %dma_start3A_400 = tpu.memref_slice %arg3[%dma_start3A_398, %dma_start3A_399] : memref<1000000x64xf32, #tpu.memory_space<hbm>> -> memref<1000000x64xf32, #tpu.memory_space<hbm>>
    tpu.enqueue_indirect_dma source(%dma_start3A_400 : memref<1000000x64xf32, #tpu.memory_space<hbm>>) target(%dma_start3A_394 : memref<128x64xf32, #tpu.memory_space<vmem>>) offsets(%dma_start3A_397 : memref<128xi32, #tpu.memory_space<vmem>>) semaphore(%arg18 : memref<!tpu.dma_semaphore, #tpu.memory_space<semaphore_mem>>)
    %dma_start3A_401 = arith.constant 19 : i32
    %dma_start3A_402 = arith.constant 128 : i32
    %dma_start3A_403 = arith.constant 0 : i32
    %dma_start3A_404 = tpu.memref_slice %arg12[%dma_start3A_402, %dma_start3A_403] : memref<256x64xf32, #tpu.memory_space<vmem>> -> memref<128x64xf32, #tpu.memory_space<vmem>>
    %dma_start3A_405 = arith.constant 0 : i32
    %dma_start3A_406 = tpu.memref_slice %arg7[%dma_start3A_401, %dma_start3A_405] : memref<28x128xi32, #tpu.memory_space<vmem>> -> memref<1x128xi32, #tpu.memory_space<vmem>>
    %dma_start3A_407 = tpu.memref_squeeze %dma_start3A_406 : memref<1x128xi32, #tpu.memory_space<vmem>> -> memref<128xi32, #tpu.memory_space<vmem>>
    %dma_start3A_408 = arith.constant 0 : i32
    %dma_start3A_409 = arith.constant 0 : i32
    %dma_start3A_410 = tpu.memref_slice %arg3[%dma_start3A_408, %dma_start3A_409] : memref<1000000x64xf32, #tpu.memory_space<hbm>> -> memref<1000000x64xf32, #tpu.memory_space<hbm>>
    tpu.enqueue_indirect_dma source(%dma_start3A_410 : memref<1000000x64xf32, #tpu.memory_space<hbm>>) target(%dma_start3A_404 : memref<128x64xf32, #tpu.memory_space<vmem>>) offsets(%dma_start3A_407 : memref<128xi32, #tpu.memory_space<vmem>>) semaphore(%arg18 : memref<!tpu.dma_semaphore, #tpu.memory_space<semaphore_mem>>)
    %dma_start3A_411 = arith.constant 23 : i32
    %dma_start3A_412 = arith.constant 128 : i32
    %dma_start3A_413 = arith.constant 0 : i32
    %dma_start3A_414 = tpu.memref_slice %arg13[%dma_start3A_412, %dma_start3A_413] : memref<256x64xf32, #tpu.memory_space<vmem>> -> memref<128x64xf32, #tpu.memory_space<vmem>>
    %dma_start3A_415 = arith.constant 0 : i32
    %dma_start3A_416 = tpu.memref_slice %arg7[%dma_start3A_411, %dma_start3A_415] : memref<28x128xi32, #tpu.memory_space<vmem>> -> memref<1x128xi32, #tpu.memory_space<vmem>>
    %dma_start3A_417 = tpu.memref_squeeze %dma_start3A_416 : memref<1x128xi32, #tpu.memory_space<vmem>> -> memref<128xi32, #tpu.memory_space<vmem>>
    %dma_start3A_418 = arith.constant 0 : i32
    %dma_start3A_419 = arith.constant 0 : i32
    %dma_start3A_420 = tpu.memref_slice %arg3[%dma_start3A_418, %dma_start3A_419] : memref<1000000x64xf32, #tpu.memory_space<hbm>> -> memref<1000000x64xf32, #tpu.memory_space<hbm>>
    tpu.enqueue_indirect_dma source(%dma_start3A_420 : memref<1000000x64xf32, #tpu.memory_space<hbm>>) target(%dma_start3A_414 : memref<128x64xf32, #tpu.memory_space<vmem>>) offsets(%dma_start3A_417 : memref<128xi32, #tpu.memory_space<vmem>>) semaphore(%arg18 : memref<!tpu.dma_semaphore, #tpu.memory_space<semaphore_mem>>)
    %dma_start3A_421 = arith.constant 27 : i32
    %dma_start3A_422 = arith.constant 128 : i32
    %dma_start3A_423 = arith.constant 0 : i32
    %dma_start3A_424 = tpu.memref_slice %arg14[%dma_start3A_422, %dma_start3A_423] : memref<256x64xf32, #tpu.memory_space<vmem>> -> memref<128x64xf32, #tpu.memory_space<vmem>>
    %dma_start3A_425 = arith.constant 0 : i32
    %dma_start3A_426 = tpu.memref_slice %arg7[%dma_start3A_421, %dma_start3A_425] : memref<28x128xi32, #tpu.memory_space<vmem>> -> memref<1x128xi32, #tpu.memory_space<vmem>>
    %dma_start3A_427 = tpu.memref_squeeze %dma_start3A_426 : memref<1x128xi32, #tpu.memory_space<vmem>> -> memref<128xi32, #tpu.memory_space<vmem>>
    %dma_start3A_428 = arith.constant 0 : i32
    %dma_start3A_429 = arith.constant 0 : i32
    %dma_start3A_430 = tpu.memref_slice %arg3[%dma_start3A_428, %dma_start3A_429] : memref<1000000x64xf32, #tpu.memory_space<hbm>> -> memref<1000000x64xf32, #tpu.memory_space<hbm>>
    tpu.enqueue_indirect_dma source(%dma_start3A_430 : memref<1000000x64xf32, #tpu.memory_space<hbm>>) target(%dma_start3A_424 : memref<128x64xf32, #tpu.memory_space<vmem>>) offsets(%dma_start3A_427 : memref<128xi32, #tpu.memory_space<vmem>>) semaphore(%arg18 : memref<!tpu.dma_semaphore, #tpu.memory_space<semaphore_mem>>)
    %dma_wait3A_431 = arith.constant 2 : i32
    %dma_wait3A_432 = arith.constant 0 : i32
    %dma_wait3A_433 = arith.constant 0 : i32
    %dma_wait3A_434 = tpu.memref_slice %arg8[%dma_wait3A_432, %dma_wait3A_433] : memref<256x64xf32, #tpu.memory_space<vmem>> -> memref<128x64xf32, #tpu.memory_space<vmem>>
    %dma_wait3A_435 = arith.constant 0 : i32
    %dma_wait3A_436 = tpu.memref_slice %arg7[%dma_wait3A_431, %dma_wait3A_435] : memref<28x128xi32, #tpu.memory_space<vmem>> -> memref<1x128xi32, #tpu.memory_space<vmem>>
    %dma_wait3A_437 = tpu.memref_squeeze %dma_wait3A_436 : memref<1x128xi32, #tpu.memory_space<vmem>> -> memref<128xi32, #tpu.memory_space<vmem>>
    %dma_wait3A_438 = arith.constant 0 : i32
    %dma_wait3A_439 = arith.constant 0 : i32
    %dma_wait3A_440 = tpu.memref_slice %arg3[%dma_wait3A_438, %dma_wait3A_439] : memref<1000000x64xf32, #tpu.memory_space<hbm>> -> memref<1000000x64xf32, #tpu.memory_space<hbm>>
    tpu.wait_indirect_dma semaphore(%arg17 : memref<!tpu.dma_semaphore, #tpu.memory_space<semaphore_mem>>) src(%dma_wait3A_440 : memref<1000000x64xf32, #tpu.memory_space<hbm>>) dst(%dma_wait3A_434 : memref<128x64xf32, #tpu.memory_space<vmem>>)
    %dma_wait3A_441 = arith.constant 6 : i32
    %dma_wait3A_442 = arith.constant 0 : i32
    %dma_wait3A_443 = arith.constant 0 : i32
    %dma_wait3A_444 = tpu.memref_slice %arg9[%dma_wait3A_442, %dma_wait3A_443] : memref<256x64xf32, #tpu.memory_space<vmem>> -> memref<128x64xf32, #tpu.memory_space<vmem>>
    %dma_wait3A_445 = arith.constant 0 : i32
    %dma_wait3A_446 = tpu.memref_slice %arg7[%dma_wait3A_441, %dma_wait3A_445] : memref<28x128xi32, #tpu.memory_space<vmem>> -> memref<1x128xi32, #tpu.memory_space<vmem>>
    %dma_wait3A_447 = tpu.memref_squeeze %dma_wait3A_446 : memref<1x128xi32, #tpu.memory_space<vmem>> -> memref<128xi32, #tpu.memory_space<vmem>>
    %dma_wait3A_448 = arith.constant 0 : i32
    %dma_wait3A_449 = arith.constant 0 : i32
    %dma_wait3A_450 = tpu.memref_slice %arg4[%dma_wait3A_448, %dma_wait3A_449] : memref<1000x64xf32, #tpu.memory_space<hbm>> -> memref<1000x64xf32, #tpu.memory_space<hbm>>
    tpu.wait_indirect_dma semaphore(%arg17 : memref<!tpu.dma_semaphore, #tpu.memory_space<semaphore_mem>>) src(%dma_wait3A_450 : memref<1000x64xf32, #tpu.memory_space<hbm>>) dst(%dma_wait3A_444 : memref<128x64xf32, #tpu.memory_space<vmem>>)
    %dma_wait3A_451 = arith.constant 10 : i32
    %dma_wait3A_452 = arith.constant 0 : i32
    %dma_wait3A_453 = arith.constant 0 : i32
    %dma_wait3A_454 = tpu.memref_slice %arg10[%dma_wait3A_452, %dma_wait3A_453] : memref<256x64xf32, #tpu.memory_space<vmem>> -> memref<128x64xf32, #tpu.memory_space<vmem>>
    %dma_wait3A_455 = arith.constant 0 : i32
    %dma_wait3A_456 = tpu.memref_slice %arg7[%dma_wait3A_451, %dma_wait3A_455] : memref<28x128xi32, #tpu.memory_space<vmem>> -> memref<1x128xi32, #tpu.memory_space<vmem>>
    %dma_wait3A_457 = tpu.memref_squeeze %dma_wait3A_456 : memref<1x128xi32, #tpu.memory_space<vmem>> -> memref<128xi32, #tpu.memory_space<vmem>>
    %dma_wait3A_458 = arith.constant 0 : i32
    %dma_wait3A_459 = arith.constant 0 : i32
    %dma_wait3A_460 = tpu.memref_slice %arg3[%dma_wait3A_458, %dma_wait3A_459] : memref<1000000x64xf32, #tpu.memory_space<hbm>> -> memref<1000000x64xf32, #tpu.memory_space<hbm>>
    tpu.wait_indirect_dma semaphore(%arg17 : memref<!tpu.dma_semaphore, #tpu.memory_space<semaphore_mem>>) src(%dma_wait3A_460 : memref<1000000x64xf32, #tpu.memory_space<hbm>>) dst(%dma_wait3A_454 : memref<128x64xf32, #tpu.memory_space<vmem>>)
    %dma_wait3A_461 = arith.constant 14 : i32
    %dma_wait3A_462 = arith.constant 0 : i32
    %dma_wait3A_463 = arith.constant 0 : i32
    %dma_wait3A_464 = tpu.memref_slice %arg11[%dma_wait3A_462, %dma_wait3A_463] : memref<256x64xf32, #tpu.memory_space<vmem>> -> memref<128x64xf32, #tpu.memory_space<vmem>>
    %dma_wait3A_465 = arith.constant 0 : i32
    %dma_wait3A_466 = tpu.memref_slice %arg7[%dma_wait3A_461, %dma_wait3A_465] : memref<28x128xi32, #tpu.memory_space<vmem>> -> memref<1x128xi32, #tpu.memory_space<vmem>>
    %dma_wait3A_467 = tpu.memref_squeeze %dma_wait3A_466 : memref<1x128xi32, #tpu.memory_space<vmem>> -> memref<128xi32, #tpu.memory_space<vmem>>
    %dma_wait3A_468 = arith.constant 0 : i32
    %dma_wait3A_469 = arith.constant 0 : i32
    %dma_wait3A_470 = tpu.memref_slice %arg3[%dma_wait3A_468, %dma_wait3A_469] : memref<1000000x64xf32, #tpu.memory_space<hbm>> -> memref<1000000x64xf32, #tpu.memory_space<hbm>>
    tpu.wait_indirect_dma semaphore(%arg17 : memref<!tpu.dma_semaphore, #tpu.memory_space<semaphore_mem>>) src(%dma_wait3A_470 : memref<1000000x64xf32, #tpu.memory_space<hbm>>) dst(%dma_wait3A_464 : memref<128x64xf32, #tpu.memory_space<vmem>>)
    %dma_wait3A_471 = arith.constant 18 : i32
    %dma_wait3A_472 = arith.constant 0 : i32
    %dma_wait3A_473 = arith.constant 0 : i32
    %dma_wait3A_474 = tpu.memref_slice %arg12[%dma_wait3A_472, %dma_wait3A_473] : memref<256x64xf32, #tpu.memory_space<vmem>> -> memref<128x64xf32, #tpu.memory_space<vmem>>
    %dma_wait3A_475 = arith.constant 0 : i32
    %dma_wait3A_476 = tpu.memref_slice %arg7[%dma_wait3A_471, %dma_wait3A_475] : memref<28x128xi32, #tpu.memory_space<vmem>> -> memref<1x128xi32, #tpu.memory_space<vmem>>
    %dma_wait3A_477 = tpu.memref_squeeze %dma_wait3A_476 : memref<1x128xi32, #tpu.memory_space<vmem>> -> memref<128xi32, #tpu.memory_space<vmem>>
    %dma_wait3A_478 = arith.constant 0 : i32
    %dma_wait3A_479 = arith.constant 0 : i32
    %dma_wait3A_480 = tpu.memref_slice %arg3[%dma_wait3A_478, %dma_wait3A_479] : memref<1000000x64xf32, #tpu.memory_space<hbm>> -> memref<1000000x64xf32, #tpu.memory_space<hbm>>
    tpu.wait_indirect_dma semaphore(%arg17 : memref<!tpu.dma_semaphore, #tpu.memory_space<semaphore_mem>>) src(%dma_wait3A_480 : memref<1000000x64xf32, #tpu.memory_space<hbm>>) dst(%dma_wait3A_474 : memref<128x64xf32, #tpu.memory_space<vmem>>)
    %dma_wait3A_481 = arith.constant 22 : i32
    %dma_wait3A_482 = arith.constant 0 : i32
    %dma_wait3A_483 = arith.constant 0 : i32
    %dma_wait3A_484 = tpu.memref_slice %arg13[%dma_wait3A_482, %dma_wait3A_483] : memref<256x64xf32, #tpu.memory_space<vmem>> -> memref<128x64xf32, #tpu.memory_space<vmem>>
    %dma_wait3A_485 = arith.constant 0 : i32
    %dma_wait3A_486 = tpu.memref_slice %arg7[%dma_wait3A_481, %dma_wait3A_485] : memref<28x128xi32, #tpu.memory_space<vmem>> -> memref<1x128xi32, #tpu.memory_space<vmem>>
    %dma_wait3A_487 = tpu.memref_squeeze %dma_wait3A_486 : memref<1x128xi32, #tpu.memory_space<vmem>> -> memref<128xi32, #tpu.memory_space<vmem>>
    %dma_wait3A_488 = arith.constant 0 : i32
    %dma_wait3A_489 = arith.constant 0 : i32
    %dma_wait3A_490 = tpu.memref_slice %arg3[%dma_wait3A_488, %dma_wait3A_489] : memref<1000000x64xf32, #tpu.memory_space<hbm>> -> memref<1000000x64xf32, #tpu.memory_space<hbm>>
    tpu.wait_indirect_dma semaphore(%arg17 : memref<!tpu.dma_semaphore, #tpu.memory_space<semaphore_mem>>) src(%dma_wait3A_490 : memref<1000000x64xf32, #tpu.memory_space<hbm>>) dst(%dma_wait3A_484 : memref<128x64xf32, #tpu.memory_space<vmem>>)
    %dma_wait3A_491 = arith.constant 26 : i32
    %dma_wait3A_492 = arith.constant 0 : i32
    %dma_wait3A_493 = arith.constant 0 : i32
    %dma_wait3A_494 = tpu.memref_slice %arg14[%dma_wait3A_492, %dma_wait3A_493] : memref<256x64xf32, #tpu.memory_space<vmem>> -> memref<128x64xf32, #tpu.memory_space<vmem>>
    %dma_wait3A_495 = arith.constant 0 : i32
    %dma_wait3A_496 = tpu.memref_slice %arg7[%dma_wait3A_491, %dma_wait3A_495] : memref<28x128xi32, #tpu.memory_space<vmem>> -> memref<1x128xi32, #tpu.memory_space<vmem>>
    %dma_wait3A_497 = tpu.memref_squeeze %dma_wait3A_496 : memref<1x128xi32, #tpu.memory_space<vmem>> -> memref<128xi32, #tpu.memory_space<vmem>>
    %dma_wait3A_498 = arith.constant 0 : i32
    %dma_wait3A_499 = arith.constant 0 : i32
    %dma_wait3A_500 = tpu.memref_slice %arg3[%dma_wait3A_498, %dma_wait3A_499] : memref<1000000x64xf32, #tpu.memory_space<hbm>> -> memref<1000000x64xf32, #tpu.memory_space<hbm>>
    tpu.wait_indirect_dma semaphore(%arg17 : memref<!tpu.dma_semaphore, #tpu.memory_space<semaphore_mem>>) src(%dma_wait3A_500 : memref<1000000x64xf32, #tpu.memory_space<hbm>>) dst(%dma_wait3A_494 : memref<128x64xf32, #tpu.memory_space<vmem>>)
    %scan3A_501 = arith.constant 0 : i32
    %scan3A_502 = arith.constant 8 : i32
    %scan3A_503 = arith.addi %scan3A_501, %scan3A_502 : i32
    %scan3A_504 = arith.constant 1 : i32
    %scan3A_505:3 = scf.for %scan3A_596 = %scan3A_501 to %scan3A_503 step %scan3A_504 iter_args(%scan3A_597 = %scan3A_359#0, %scan3A_598 = %scan3A_359#1, %scan3A_599 = %scan3A_359#2) -> (vector<16xf32>, vector<16xf32>, vector<16xf32>)  : i32 {
      %mul3A_600 = arith.constant 16 : i32
      %mul3A_601 = arith.muli %scan3A_596, %mul3A_600 : i32
      %add3A_602 = arith.constant 0 : i32
      %add3A_603 = arith.addi %add3A_602, %mul3A_601 : i32
      %add3A_604 = vector.broadcast %add3A_603 : i32 to vector<16xi32>
      %add3A_605 = arith.addi %add3A_604, %iota3A : vector<16xi32>
      %scan3A_606 = arith.constant 0 : i32
      %scan3A_607 = arith.constant 16 : i32
      %scan3A_608 = arith.addi %scan3A_606, %scan3A_607 : i32
      %scan3A_609 = arith.constant 1 : i32
      %scan3A_610:5 = scf.for %scan3A_658 = %scan3A_606 to %scan3A_608 step %scan3A_609 iter_args(%scan3A_659 = %broadcast_in_dim3A_1, %scan3A_660 = %broadcast_in_dim3A_1, %scan3A_661 = %broadcast_in_dim3A_1, %scan3A_662 = %broadcast_in_dim3A_1, %scan3A_663 = %broadcast_in_dim3A_1) -> (vector<16xf32>, vector<16xf32>, vector<16xf32>, vector<16xf32>, vector<16xf32>)  : i32 {
        %mul3A_664 = arith.constant 4 : i32
        %mul3A_665 = arith.muli %scan3A_658, %mul3A_664 : i32
        %add3A_666 = arith.constant 0 : i32
        %add3A_667 = arith.addi %mul3A_665, %add3A_666 : i32
        %broadcast_in_dim3A_668 = arith.constant 0 : i32
        %broadcast_in_dim3A_669 = vector.broadcast %broadcast_in_dim3A_668 : i32 to vector<16xi32>
        %add3A_670 = vector.broadcast %add3A_667 : i32 to vector<16xi32>
        %add3A_671 = arith.addi %broadcast_in_dim3A_669, %add3A_670 : vector<16xi32>
        %gather3A = tpu.vector_load_idx %arg8[%add3A_605, %add3A_671] : memref<256x64xf32, #tpu.memory_space<vmem>>[vector<16xi32>, vector<16xi32>], vector<16xf32>,
        %gather3A_672 = tpu.vector_load_idx %arg9[%add3A_605, %add3A_671] : memref<256x64xf32, #tpu.memory_space<vmem>>[vector<16xi32>, vector<16xi32>], vector<16xf32>,
        %gather3A_673 = tpu.vector_load_idx %arg10[%add3A_605, %add3A_671] : memref<256x64xf32, #tpu.memory_space<vmem>>[vector<16xi32>, vector<16xi32>], vector<16xf32>,
        %mul3A_674 = arith.mulf %gather3A, %gather3A_672 : vector<16xf32>
        %mul3A_675 = arith.mulf %gather3A_672, %gather3A_673 : vector<16xf32>
        %mul3A_676 = arith.mulf %mul3A_674, %gather3A_673 : vector<16xf32>
        %add3A_677 = arith.addf %scan3A_659, %mul3A_676 : vector<16xf32>
        %gather3A_678 = tpu.vector_load_idx %arg11[%add3A_605, %add3A_671] : memref<256x64xf32, #tpu.memory_space<vmem>>[vector<16xi32>, vector<16xi32>], vector<16xf32>,
        %mul3A_679 = arith.mulf %mul3A_674, %gather3A_678 : vector<16xf32>
        %add3A_680 = arith.addf %scan3A_660, %mul3A_679 : vector<16xf32>
        %gather3A_681 = tpu.vector_load_idx %arg12[%add3A_605, %add3A_671] : memref<256x64xf32, #tpu.memory_space<vmem>>[vector<16xi32>, vector<16xi32>], vector<16xf32>,
        %mul3A_682 = arith.mulf %mul3A_674, %gather3A_681 : vector<16xf32>
        %add3A_683 = arith.addf %scan3A_661, %mul3A_682 : vector<16xf32>
        %gather3A_684 = tpu.vector_load_idx %arg13[%add3A_605, %add3A_671] : memref<256x64xf32, #tpu.memory_space<vmem>>[vector<16xi32>, vector<16xi32>], vector<16xf32>,
        %mul3A_685 = arith.mulf %mul3A_675, %gather3A_684 : vector<16xf32>
        %add3A_686 = arith.addf %scan3A_662, %mul3A_685 : vector<16xf32>
        %gather3A_687 = tpu.vector_load_idx %arg14[%add3A_605, %add3A_671] : memref<256x64xf32, #tpu.memory_space<vmem>>[vector<16xi32>, vector<16xi32>], vector<16xf32>,
        %mul3A_688 = arith.mulf %mul3A_675, %gather3A_687 : vector<16xf32>
        %add3A_689 = arith.addf %scan3A_663, %mul3A_688 : vector<16xf32>
        %mul3A_690 = arith.constant 4 : i32
        %mul3A_691 = arith.muli %scan3A_658, %mul3A_690 : i32
        %add3A_692 = arith.constant 1 : i32
        %add3A_693 = arith.addi %mul3A_691, %add3A_692 : i32
        %broadcast_in_dim3A_694 = arith.constant 0 : i32
        %broadcast_in_dim3A_695 = vector.broadcast %broadcast_in_dim3A_694 : i32 to vector<16xi32>
        %add3A_696 = vector.broadcast %add3A_693 : i32 to vector<16xi32>
        %add3A_697 = arith.addi %broadcast_in_dim3A_695, %add3A_696 : vector<16xi32>
        %gather3A_698 = tpu.vector_load_idx %arg8[%add3A_605, %add3A_697] : memref<256x64xf32, #tpu.memory_space<vmem>>[vector<16xi32>, vector<16xi32>], vector<16xf32>,
        %gather3A_699 = tpu.vector_load_idx %arg9[%add3A_605, %add3A_697] : memref<256x64xf32, #tpu.memory_space<vmem>>[vector<16xi32>, vector<16xi32>], vector<16xf32>,
        %gather3A_700 = tpu.vector_load_idx %arg10[%add3A_605, %add3A_697] : memref<256x64xf32, #tpu.memory_space<vmem>>[vector<16xi32>, vector<16xi32>], vector<16xf32>,
        %mul3A_701 = arith.mulf %gather3A_698, %gather3A_699 : vector<16xf32>
        %mul3A_702 = arith.mulf %gather3A_699, %gather3A_700 : vector<16xf32>
        %mul3A_703 = arith.mulf %mul3A_701, %gather3A_700 : vector<16xf32>
        %add3A_704 = arith.addf %add3A_677, %mul3A_703 : vector<16xf32>
        %gather3A_705 = tpu.vector_load_idx %arg11[%add3A_605, %add3A_697] : memref<256x64xf32, #tpu.memory_space<vmem>>[vector<16xi32>, vector<16xi32>], vector<16xf32>,
        %mul3A_706 = arith.mulf %mul3A_701, %gather3A_705 : vector<16xf32>
        %add3A_707 = arith.addf %add3A_680, %mul3A_706 : vector<16xf32>
        %gather3A_708 = tpu.vector_load_idx %arg12[%add3A_605, %add3A_697] : memref<256x64xf32, #tpu.memory_space<vmem>>[vector<16xi32>, vector<16xi32>], vector<16xf32>,
        %mul3A_709 = arith.mulf %mul3A_701, %gather3A_708 : vector<16xf32>
        %add3A_710 = arith.addf %add3A_683, %mul3A_709 : vector<16xf32>
        %gather3A_711 = tpu.vector_load_idx %arg13[%add3A_605, %add3A_697] : memref<256x64xf32, #tpu.memory_space<vmem>>[vector<16xi32>, vector<16xi32>], vector<16xf32>,
        %mul3A_712 = arith.mulf %mul3A_702, %gather3A_711 : vector<16xf32>
        %add3A_713 = arith.addf %add3A_686, %mul3A_712 : vector<16xf32>
        %gather3A_714 = tpu.vector_load_idx %arg14[%add3A_605, %add3A_697] : memref<256x64xf32, #tpu.memory_space<vmem>>[vector<16xi32>, vector<16xi32>], vector<16xf32>,
        %mul3A_715 = arith.mulf %mul3A_702, %gather3A_714 : vector<16xf32>
        %add3A_716 = arith.addf %add3A_689, %mul3A_715 : vector<16xf32>
        %mul3A_717 = arith.constant 4 : i32
        %mul3A_718 = arith.muli %scan3A_658, %mul3A_717 : i32
        %add3A_719 = arith.constant 2 : i32
        %add3A_720 = arith.addi %mul3A_718, %add3A_719 : i32
        %broadcast_in_dim3A_721 = arith.constant 0 : i32
        %broadcast_in_dim3A_722 = vector.broadcast %broadcast_in_dim3A_721 : i32 to vector<16xi32>
        %add3A_723 = vector.broadcast %add3A_720 : i32 to vector<16xi32>
        %add3A_724 = arith.addi %broadcast_in_dim3A_722, %add3A_723 : vector<16xi32>
        %gather3A_725 = tpu.vector_load_idx %arg8[%add3A_605, %add3A_724] : memref<256x64xf32, #tpu.memory_space<vmem>>[vector<16xi32>, vector<16xi32>], vector<16xf32>,
        %gather3A_726 = tpu.vector_load_idx %arg9[%add3A_605, %add3A_724] : memref<256x64xf32, #tpu.memory_space<vmem>>[vector<16xi32>, vector<16xi32>], vector<16xf32>,
        %gather3A_727 = tpu.vector_load_idx %arg10[%add3A_605, %add3A_724] : memref<256x64xf32, #tpu.memory_space<vmem>>[vector<16xi32>, vector<16xi32>], vector<16xf32>,
        %mul3A_728 = arith.mulf %gather3A_725, %gather3A_726 : vector<16xf32>
        %mul3A_729 = arith.mulf %gather3A_726, %gather3A_727 : vector<16xf32>
        %mul3A_730 = arith.mulf %mul3A_728, %gather3A_727 : vector<16xf32>
        %add3A_731 = arith.addf %add3A_704, %mul3A_730 : vector<16xf32>
        %gather3A_732 = tpu.vector_load_idx %arg11[%add3A_605, %add3A_724] : memref<256x64xf32, #tpu.memory_space<vmem>>[vector<16xi32>, vector<16xi32>], vector<16xf32>,
        %mul3A_733 = arith.mulf %mul3A_728, %gather3A_732 : vector<16xf32>
        %add3A_734 = arith.addf %add3A_707, %mul3A_733 : vector<16xf32>
        %gather3A_735 = tpu.vector_load_idx %arg12[%add3A_605, %add3A_724] : memref<256x64xf32, #tpu.memory_space<vmem>>[vector<16xi32>, vector<16xi32>], vector<16xf32>,
        %mul3A_736 = arith.mulf %mul3A_728, %gather3A_735 : vector<16xf32>
        %add3A_737 = arith.addf %add3A_710, %mul3A_736 : vector<16xf32>
        %gather3A_738 = tpu.vector_load_idx %arg13[%add3A_605, %add3A_724] : memref<256x64xf32, #tpu.memory_space<vmem>>[vector<16xi32>, vector<16xi32>], vector<16xf32>,
        %mul3A_739 = arith.mulf %mul3A_729, %gather3A_738 : vector<16xf32>
        %add3A_740 = arith.addf %add3A_713, %mul3A_739 : vector<16xf32>
        %gather3A_741 = tpu.vector_load_idx %arg14[%add3A_605, %add3A_724] : memref<256x64xf32, #tpu.memory_space<vmem>>[vector<16xi32>, vector<16xi32>], vector<16xf32>,
        %mul3A_742 = arith.mulf %mul3A_729, %gather3A_741 : vector<16xf32>
        %add3A_743 = arith.addf %add3A_716, %mul3A_742 : vector<16xf32>
        %mul3A_744 = arith.constant 4 : i32
        %mul3A_745 = arith.muli %scan3A_658, %mul3A_744 : i32
        %add3A_746 = arith.constant 3 : i32
        %add3A_747 = arith.addi %mul3A_745, %add3A_746 : i32
        %broadcast_in_dim3A_748 = arith.constant 0 : i32
        %broadcast_in_dim3A_749 = vector.broadcast %broadcast_in_dim3A_748 : i32 to vector<16xi32>
        %add3A_750 = vector.broadcast %add3A_747 : i32 to vector<16xi32>
        %add3A_751 = arith.addi %broadcast_in_dim3A_749, %add3A_750 : vector<16xi32>
        %gather3A_752 = tpu.vector_load_idx %arg8[%add3A_605, %add3A_751] : memref<256x64xf32, #tpu.memory_space<vmem>>[vector<16xi32>, vector<16xi32>], vector<16xf32>,
        %gather3A_753 = tpu.vector_load_idx %arg9[%add3A_605, %add3A_751] : memref<256x64xf32, #tpu.memory_space<vmem>>[vector<16xi32>, vector<16xi32>], vector<16xf32>,
        %gather3A_754 = tpu.vector_load_idx %arg10[%add3A_605, %add3A_751] : memref<256x64xf32, #tpu.memory_space<vmem>>[vector<16xi32>, vector<16xi32>], vector<16xf32>,
        %mul3A_755 = arith.mulf %gather3A_752, %gather3A_753 : vector<16xf32>
        %mul3A_756 = arith.mulf %gather3A_753, %gather3A_754 : vector<16xf32>
        %mul3A_757 = arith.mulf %mul3A_755, %gather3A_754 : vector<16xf32>
        %add3A_758 = arith.addf %add3A_731, %mul3A_757 : vector<16xf32>
        %gather3A_759 = tpu.vector_load_idx %arg11[%add3A_605, %add3A_751] : memref<256x64xf32, #tpu.memory_space<vmem>>[vector<16xi32>, vector<16xi32>], vector<16xf32>,
        %mul3A_760 = arith.mulf %mul3A_755, %gather3A_759 : vector<16xf32>
        %add3A_761 = arith.addf %add3A_734, %mul3A_760 : vector<16xf32>
        %gather3A_762 = tpu.vector_load_idx %arg12[%add3A_605, %add3A_751] : memref<256x64xf32, #tpu.memory_space<vmem>>[vector<16xi32>, vector<16xi32>], vector<16xf32>,
        %mul3A_763 = arith.mulf %mul3A_755, %gather3A_762 : vector<16xf32>
        %add3A_764 = arith.addf %add3A_737, %mul3A_763 : vector<16xf32>
        %gather3A_765 = tpu.vector_load_idx %arg13[%add3A_605, %add3A_751] : memref<256x64xf32, #tpu.memory_space<vmem>>[vector<16xi32>, vector<16xi32>], vector<16xf32>,
        %mul3A_766 = arith.mulf %mul3A_756, %gather3A_765 : vector<16xf32>
        %add3A_767 = arith.addf %add3A_740, %mul3A_766 : vector<16xf32>
        %gather3A_768 = tpu.vector_load_idx %arg14[%add3A_605, %add3A_751] : memref<256x64xf32, #tpu.memory_space<vmem>>[vector<16xi32>, vector<16xi32>], vector<16xf32>,
        %mul3A_769 = arith.mulf %mul3A_756, %gather3A_768 : vector<16xf32>
        %add3A_770 = arith.addf %add3A_743, %mul3A_769 : vector<16xf32>
        scf.yield %add3A_758, %add3A_761, %add3A_764, %add3A_767, %add3A_770 : vector<16xf32>, vector<16xf32>, vector<16xf32>, vector<16xf32>, vector<16xf32>
      }
      %scan3A_611 = arith.constant 16 : i32
      %mul3A_612 = arith.constant 16 : i32
      %mul3A_613 = arith.muli %scan3A_596, %mul3A_612 : i32
      %add3A_614 = arith.constant 256 : i32
      %add3A_615 = arith.addi %add3A_614, %mul3A_613 : i32
      %swap3A_616 = arith.index_cast %add3A_615 : i32 to index
      %swap3A_617 = tpu.vector_load %arg15[%swap3A_616] {strides = array<i32>} : memref<512xf32, #tpu.memory_space<vmem>>, vector<16xf32>,
      tpu.vector_store %arg15[%swap3A_616], %scan3A_610#0 {strides = array<i32>} : memref<512xf32, #tpu.memory_space<vmem>>, vector<16xf32>,
      %neg3A = arith.constant 0.000000e+00 : f32
      %neg3A_618 = vector.broadcast %neg3A : f32 to vector<16xf32>
      %neg3A_619 = arith.subf %neg3A_618, %scan3A_610#0 : vector<16xf32>
      %exp3A = math.exp %neg3A_619 : vector<16xf32>
      %add3A_620 = arith.constant 1.000000e+00 : f32
      %add3A_621 = vector.broadcast %add3A_620 : f32 to vector<16xf32>
      %add3A_622 = arith.addf %add3A_621, %exp3A : vector<16xf32>
      %div3A = arith.constant 1.000000e+00 : f32
      %div3A_623 = vector.broadcast %div3A : f32 to vector<16xf32>
      %div3A_624 = arith.divf %div3A_623, %add3A_622 : vector<16xf32>
      %add3A_625 = arith.addf %scan3A_597, %div3A_624 : vector<16xf32>
      %exp3A_626 = math.exp %scan3A_610#1 : vector<16xf32>
      %add3A_627 = arith.constant 1.000000e+00 : f32
      %add3A_628 = vector.broadcast %add3A_627 : f32 to vector<16xf32>
      %add3A_629 = arith.addf %add3A_628, %exp3A_626 : vector<16xf32>
      %div3A_630 = arith.constant 1.000000e+00 : f32
      %div3A_631 = vector.broadcast %div3A_630 : f32 to vector<16xf32>
      %div3A_632 = arith.divf %div3A_631, %add3A_629 : vector<16xf32>
      %add3A_633 = arith.addf %scan3A_598, %div3A_632 : vector<16xf32>
      %exp3A_634 = math.exp %scan3A_610#2 : vector<16xf32>
      %add3A_635 = arith.constant 1.000000e+00 : f32
      %add3A_636 = vector.broadcast %add3A_635 : f32 to vector<16xf32>
      %add3A_637 = arith.addf %add3A_636, %exp3A_634 : vector<16xf32>
      %div3A_638 = arith.constant 1.000000e+00 : f32
      %div3A_639 = vector.broadcast %div3A_638 : f32 to vector<16xf32>
      %div3A_640 = arith.divf %div3A_639, %add3A_637 : vector<16xf32>
      %add3A_641 = arith.addf %add3A_633, %div3A_640 : vector<16xf32>
      %exp3A_642 = math.exp %scan3A_610#3 : vector<16xf32>
      %add3A_643 = arith.constant 1.000000e+00 : f32
      %add3A_644 = vector.broadcast %add3A_643 : f32 to vector<16xf32>
      %add3A_645 = arith.addf %add3A_644, %exp3A_642 : vector<16xf32>
      %div3A_646 = arith.constant 1.000000e+00 : f32
      %div3A_647 = vector.broadcast %div3A_646 : f32 to vector<16xf32>
      %div3A_648 = arith.divf %div3A_647, %add3A_645 : vector<16xf32>
      %add3A_649 = arith.addf %scan3A_599, %div3A_648 : vector<16xf32>
      %exp3A_650 = math.exp %scan3A_610#4 : vector<16xf32>
      %add3A_651 = arith.constant 1.000000e+00 : f32
      %add3A_652 = vector.broadcast %add3A_651 : f32 to vector<16xf32>
      %add3A_653 = arith.addf %add3A_652, %exp3A_650 : vector<16xf32>
      %div3A_654 = arith.constant 1.000000e+00 : f32
      %div3A_655 = vector.broadcast %div3A_654 : f32 to vector<16xf32>
      %div3A_656 = arith.divf %div3A_655, %add3A_653 : vector<16xf32>
      %add3A_657 = arith.addf %add3A_649, %div3A_656 : vector<16xf32>
      scf.yield %add3A_625, %add3A_641, %add3A_657 : vector<16xf32>, vector<16xf32>, vector<16xf32>
    }
    %scan3A_506 = arith.constant 8 : i32
    %dma_wait3A_507 = arith.constant 3 : i32
    %dma_wait3A_508 = arith.constant 128 : i32
    %dma_wait3A_509 = arith.constant 0 : i32
    %dma_wait3A_510 = tpu.memref_slice %arg8[%dma_wait3A_508, %dma_wait3A_509] : memref<256x64xf32, #tpu.memory_space<vmem>> -> memref<128x64xf32, #tpu.memory_space<vmem>>
    %dma_wait3A_511 = arith.constant 0 : i32
    %dma_wait3A_512 = tpu.memref_slice %arg7[%dma_wait3A_507, %dma_wait3A_511] : memref<28x128xi32, #tpu.memory_space<vmem>> -> memref<1x128xi32, #tpu.memory_space<vmem>>
    %dma_wait3A_513 = tpu.memref_squeeze %dma_wait3A_512 : memref<1x128xi32, #tpu.memory_space<vmem>> -> memref<128xi32, #tpu.memory_space<vmem>>
    %dma_wait3A_514 = arith.constant 0 : i32
    %dma_wait3A_515 = arith.constant 0 : i32
    %dma_wait3A_516 = tpu.memref_slice %arg3[%dma_wait3A_514, %dma_wait3A_515] : memref<1000000x64xf32, #tpu.memory_space<hbm>> -> memref<1000000x64xf32, #tpu.memory_space<hbm>>
    tpu.wait_indirect_dma semaphore(%arg18 : memref<!tpu.dma_semaphore, #tpu.memory_space<semaphore_mem>>) src(%dma_wait3A_516 : memref<1000000x64xf32, #tpu.memory_space<hbm>>) dst(%dma_wait3A_510 : memref<128x64xf32, #tpu.memory_space<vmem>>)
    %dma_wait3A_517 = arith.constant 7 : i32
    %dma_wait3A_518 = arith.constant 128 : i32
    %dma_wait3A_519 = arith.constant 0 : i32
    %dma_wait3A_520 = tpu.memref_slice %arg9[%dma_wait3A_518, %dma_wait3A_519] : memref<256x64xf32, #tpu.memory_space<vmem>> -> memref<128x64xf32, #tpu.memory_space<vmem>>
    %dma_wait3A_521 = arith.constant 0 : i32
    %dma_wait3A_522 = tpu.memref_slice %arg7[%dma_wait3A_517, %dma_wait3A_521] : memref<28x128xi32, #tpu.memory_space<vmem>> -> memref<1x128xi32, #tpu.memory_space<vmem>>
    %dma_wait3A_523 = tpu.memref_squeeze %dma_wait3A_522 : memref<1x128xi32, #tpu.memory_space<vmem>> -> memref<128xi32, #tpu.memory_space<vmem>>
    %dma_wait3A_524 = arith.constant 0 : i32
    %dma_wait3A_525 = arith.constant 0 : i32
    %dma_wait3A_526 = tpu.memref_slice %arg4[%dma_wait3A_524, %dma_wait3A_525] : memref<1000x64xf32, #tpu.memory_space<hbm>> -> memref<1000x64xf32, #tpu.memory_space<hbm>>
    tpu.wait_indirect_dma semaphore(%arg18 : memref<!tpu.dma_semaphore, #tpu.memory_space<semaphore_mem>>) src(%dma_wait3A_526 : memref<1000x64xf32, #tpu.memory_space<hbm>>) dst(%dma_wait3A_520 : memref<128x64xf32, #tpu.memory_space<vmem>>)
    %dma_wait3A_527 = arith.constant 11 : i32
    %dma_wait3A_528 = arith.constant 128 : i32
    %dma_wait3A_529 = arith.constant 0 : i32
    %dma_wait3A_530 = tpu.memref_slice %arg10[%dma_wait3A_528, %dma_wait3A_529] : memref<256x64xf32, #tpu.memory_space<vmem>> -> memref<128x64xf32, #tpu.memory_space<vmem>>
    %dma_wait3A_531 = arith.constant 0 : i32
    %dma_wait3A_532 = tpu.memref_slice %arg7[%dma_wait3A_527, %dma_wait3A_531] : memref<28x128xi32, #tpu.memory_space<vmem>> -> memref<1x128xi32, #tpu.memory_space<vmem>>
    %dma_wait3A_533 = tpu.memref_squeeze %dma_wait3A_532 : memref<1x128xi32, #tpu.memory_space<vmem>> -> memref<128xi32, #tpu.memory_space<vmem>>
    %dma_wait3A_534 = arith.constant 0 : i32
    %dma_wait3A_535 = arith.constant 0 : i32
    %dma_wait3A_536 = tpu.memref_slice %arg3[%dma_wait3A_534, %dma_wait3A_535] : memref<1000000x64xf32, #tpu.memory_space<hbm>> -> memref<1000000x64xf32, #tpu.memory_space<hbm>>
    tpu.wait_indirect_dma semaphore(%arg18 : memref<!tpu.dma_semaphore, #tpu.memory_space<semaphore_mem>>) src(%dma_wait3A_536 : memref<1000000x64xf32, #tpu.memory_space<hbm>>) dst(%dma_wait3A_530 : memref<128x64xf32, #tpu.memory_space<vmem>>)
    %dma_wait3A_537 = arith.constant 15 : i32
    %dma_wait3A_538 = arith.constant 128 : i32
    %dma_wait3A_539 = arith.constant 0 : i32
    %dma_wait3A_540 = tpu.memref_slice %arg11[%dma_wait3A_538, %dma_wait3A_539] : memref<256x64xf32, #tpu.memory_space<vmem>> -> memref<128x64xf32, #tpu.memory_space<vmem>>
    %dma_wait3A_541 = arith.constant 0 : i32
    %dma_wait3A_542 = tpu.memref_slice %arg7[%dma_wait3A_537, %dma_wait3A_541] : memref<28x128xi32, #tpu.memory_space<vmem>> -> memref<1x128xi32, #tpu.memory_space<vmem>>
    %dma_wait3A_543 = tpu.memref_squeeze %dma_wait3A_542 : memref<1x128xi32, #tpu.memory_space<vmem>> -> memref<128xi32, #tpu.memory_space<vmem>>
    %dma_wait3A_544 = arith.constant 0 : i32
    %dma_wait3A_545 = arith.constant 0 : i32
    %dma_wait3A_546 = tpu.memref_slice %arg3[%dma_wait3A_544, %dma_wait3A_545] : memref<1000000x64xf32, #tpu.memory_space<hbm>> -> memref<1000000x64xf32, #tpu.memory_space<hbm>>
    tpu.wait_indirect_dma semaphore(%arg18 : memref<!tpu.dma_semaphore, #tpu.memory_space<semaphore_mem>>) src(%dma_wait3A_546 : memref<1000000x64xf32, #tpu.memory_space<hbm>>) dst(%dma_wait3A_540 : memref<128x64xf32, #tpu.memory_space<vmem>>)
    %dma_wait3A_547 = arith.constant 19 : i32
    %dma_wait3A_548 = arith.constant 128 : i32
    %dma_wait3A_549 = arith.constant 0 : i32
    %dma_wait3A_550 = tpu.memref_slice %arg12[%dma_wait3A_548, %dma_wait3A_549] : memref<256x64xf32, #tpu.memory_space<vmem>> -> memref<128x64xf32, #tpu.memory_space<vmem>>
    %dma_wait3A_551 = arith.constant 0 : i32
    %dma_wait3A_552 = tpu.memref_slice %arg7[%dma_wait3A_547, %dma_wait3A_551] : memref<28x128xi32, #tpu.memory_space<vmem>> -> memref<1x128xi32, #tpu.memory_space<vmem>>
    %dma_wait3A_553 = tpu.memref_squeeze %dma_wait3A_552 : memref<1x128xi32, #tpu.memory_space<vmem>> -> memref<128xi32, #tpu.memory_space<vmem>>
    %dma_wait3A_554 = arith.constant 0 : i32
    %dma_wait3A_555 = arith.constant 0 : i32
    %dma_wait3A_556 = tpu.memref_slice %arg3[%dma_wait3A_554, %dma_wait3A_555] : memref<1000000x64xf32, #tpu.memory_space<hbm>> -> memref<1000000x64xf32, #tpu.memory_space<hbm>>
    tpu.wait_indirect_dma semaphore(%arg18 : memref<!tpu.dma_semaphore, #tpu.memory_space<semaphore_mem>>) src(%dma_wait3A_556 : memref<1000000x64xf32, #tpu.memory_space<hbm>>) dst(%dma_wait3A_550 : memref<128x64xf32, #tpu.memory_space<vmem>>)
    %dma_wait3A_557 = arith.constant 23 : i32
    %dma_wait3A_558 = arith.constant 128 : i32
    %dma_wait3A_559 = arith.constant 0 : i32
    %dma_wait3A_560 = tpu.memref_slice %arg13[%dma_wait3A_558, %dma_wait3A_559] : memref<256x64xf32, #tpu.memory_space<vmem>> -> memref<128x64xf32, #tpu.memory_space<vmem>>
    %dma_wait3A_561 = arith.constant 0 : i32
    %dma_wait3A_562 = tpu.memref_slice %arg7[%dma_wait3A_557, %dma_wait3A_561] : memref<28x128xi32, #tpu.memory_space<vmem>> -> memref<1x128xi32, #tpu.memory_space<vmem>>
    %dma_wait3A_563 = tpu.memref_squeeze %dma_wait3A_562 : memref<1x128xi32, #tpu.memory_space<vmem>> -> memref<128xi32, #tpu.memory_space<vmem>>
    %dma_wait3A_564 = arith.constant 0 : i32
    %dma_wait3A_565 = arith.constant 0 : i32
    %dma_wait3A_566 = tpu.memref_slice %arg3[%dma_wait3A_564, %dma_wait3A_565] : memref<1000000x64xf32, #tpu.memory_space<hbm>> -> memref<1000000x64xf32, #tpu.memory_space<hbm>>
    tpu.wait_indirect_dma semaphore(%arg18 : memref<!tpu.dma_semaphore, #tpu.memory_space<semaphore_mem>>) src(%dma_wait3A_566 : memref<1000000x64xf32, #tpu.memory_space<hbm>>) dst(%dma_wait3A_560 : memref<128x64xf32, #tpu.memory_space<vmem>>)
    %dma_wait3A_567 = arith.constant 27 : i32
    %dma_wait3A_568 = arith.constant 128 : i32
    %dma_wait3A_569 = arith.constant 0 : i32
    %dma_wait3A_570 = tpu.memref_slice %arg14[%dma_wait3A_568, %dma_wait3A_569] : memref<256x64xf32, #tpu.memory_space<vmem>> -> memref<128x64xf32, #tpu.memory_space<vmem>>
    %dma_wait3A_571 = arith.constant 0 : i32
    %dma_wait3A_572 = tpu.memref_slice %arg7[%dma_wait3A_567, %dma_wait3A_571] : memref<28x128xi32, #tpu.memory_space<vmem>> -> memref<1x128xi32, #tpu.memory_space<vmem>>
    %dma_wait3A_573 = tpu.memref_squeeze %dma_wait3A_572 : memref<1x128xi32, #tpu.memory_space<vmem>> -> memref<128xi32, #tpu.memory_space<vmem>>
    %dma_wait3A_574 = arith.constant 0 : i32
    %dma_wait3A_575 = arith.constant 0 : i32
    %dma_wait3A_576 = tpu.memref_slice %arg3[%dma_wait3A_574, %dma_wait3A_575] : memref<1000000x64xf32, #tpu.memory_space<hbm>> -> memref<1000000x64xf32, #tpu.memory_space<hbm>>
    tpu.wait_indirect_dma semaphore(%arg18 : memref<!tpu.dma_semaphore, #tpu.memory_space<semaphore_mem>>) src(%dma_wait3A_576 : memref<1000000x64xf32, #tpu.memory_space<hbm>>) dst(%dma_wait3A_570 : memref<128x64xf32, #tpu.memory_space<vmem>>)
    %scan3A_577 = arith.constant 0 : i32
    %scan3A_578 = arith.constant 8 : i32
    %scan3A_579 = arith.addi %scan3A_577, %scan3A_578 : i32
    %scan3A_580 = arith.constant 1 : i32
    %scan3A_581:3 = scf.for %scan3A_596 = %scan3A_577 to %scan3A_579 step %scan3A_580 iter_args(%scan3A_597 = %scan3A_505#0, %scan3A_598 = %scan3A_505#1, %scan3A_599 = %scan3A_505#2) -> (vector<16xf32>, vector<16xf32>, vector<16xf32>)  : i32 {
      %mul3A_600 = arith.constant 16 : i32
      %mul3A_601 = arith.muli %scan3A_596, %mul3A_600 : i32
      %add3A_602 = arith.constant 128 : i32
      %add3A_603 = arith.addi %add3A_602, %mul3A_601 : i32
      %add3A_604 = vector.broadcast %add3A_603 : i32 to vector<16xi32>
      %add3A_605 = arith.addi %add3A_604, %iota3A : vector<16xi32>
      %scan3A_606 = arith.constant 0 : i32
      %scan3A_607 = arith.constant 16 : i32
      %scan3A_608 = arith.addi %scan3A_606, %scan3A_607 : i32
      %scan3A_609 = arith.constant 1 : i32
      %scan3A_610:5 = scf.for %scan3A_658 = %scan3A_606 to %scan3A_608 step %scan3A_609 iter_args(%scan3A_659 = %broadcast_in_dim3A_1, %scan3A_660 = %broadcast_in_dim3A_1, %scan3A_661 = %broadcast_in_dim3A_1, %scan3A_662 = %broadcast_in_dim3A_1, %scan3A_663 = %broadcast_in_dim3A_1) -> (vector<16xf32>, vector<16xf32>, vector<16xf32>, vector<16xf32>, vector<16xf32>)  : i32 {
        %mul3A_664 = arith.constant 4 : i32
        %mul3A_665 = arith.muli %scan3A_658, %mul3A_664 : i32
        %add3A_666 = arith.constant 0 : i32
        %add3A_667 = arith.addi %mul3A_665, %add3A_666 : i32
        %broadcast_in_dim3A_668 = arith.constant 0 : i32
        %broadcast_in_dim3A_669 = vector.broadcast %broadcast_in_dim3A_668 : i32 to vector<16xi32>
        %add3A_670 = vector.broadcast %add3A_667 : i32 to vector<16xi32>
        %add3A_671 = arith.addi %broadcast_in_dim3A_669, %add3A_670 : vector<16xi32>
        %gather3A = tpu.vector_load_idx %arg8[%add3A_605, %add3A_671] : memref<256x64xf32, #tpu.memory_space<vmem>>[vector<16xi32>, vector<16xi32>], vector<16xf32>,
        %gather3A_672 = tpu.vector_load_idx %arg9[%add3A_605, %add3A_671] : memref<256x64xf32, #tpu.memory_space<vmem>>[vector<16xi32>, vector<16xi32>], vector<16xf32>,
        %gather3A_673 = tpu.vector_load_idx %arg10[%add3A_605, %add3A_671] : memref<256x64xf32, #tpu.memory_space<vmem>>[vector<16xi32>, vector<16xi32>], vector<16xf32>,
        %mul3A_674 = arith.mulf %gather3A, %gather3A_672 : vector<16xf32>
        %mul3A_675 = arith.mulf %gather3A_672, %gather3A_673 : vector<16xf32>
        %mul3A_676 = arith.mulf %mul3A_674, %gather3A_673 : vector<16xf32>
        %add3A_677 = arith.addf %scan3A_659, %mul3A_676 : vector<16xf32>
        %gather3A_678 = tpu.vector_load_idx %arg11[%add3A_605, %add3A_671] : memref<256x64xf32, #tpu.memory_space<vmem>>[vector<16xi32>, vector<16xi32>], vector<16xf32>,
        %mul3A_679 = arith.mulf %mul3A_674, %gather3A_678 : vector<16xf32>
        %add3A_680 = arith.addf %scan3A_660, %mul3A_679 : vector<16xf32>
        %gather3A_681 = tpu.vector_load_idx %arg12[%add3A_605, %add3A_671] : memref<256x64xf32, #tpu.memory_space<vmem>>[vector<16xi32>, vector<16xi32>], vector<16xf32>,
        %mul3A_682 = arith.mulf %mul3A_674, %gather3A_681 : vector<16xf32>
        %add3A_683 = arith.addf %scan3A_661, %mul3A_682 : vector<16xf32>
        %gather3A_684 = tpu.vector_load_idx %arg13[%add3A_605, %add3A_671] : memref<256x64xf32, #tpu.memory_space<vmem>>[vector<16xi32>, vector<16xi32>], vector<16xf32>,
        %mul3A_685 = arith.mulf %mul3A_675, %gather3A_684 : vector<16xf32>
        %add3A_686 = arith.addf %scan3A_662, %mul3A_685 : vector<16xf32>
        %gather3A_687 = tpu.vector_load_idx %arg14[%add3A_605, %add3A_671] : memref<256x64xf32, #tpu.memory_space<vmem>>[vector<16xi32>, vector<16xi32>], vector<16xf32>,
        %mul3A_688 = arith.mulf %mul3A_675, %gather3A_687 : vector<16xf32>
        %add3A_689 = arith.addf %scan3A_663, %mul3A_688 : vector<16xf32>
        %mul3A_690 = arith.constant 4 : i32
        %mul3A_691 = arith.muli %scan3A_658, %mul3A_690 : i32
        %add3A_692 = arith.constant 1 : i32
        %add3A_693 = arith.addi %mul3A_691, %add3A_692 : i32
        %broadcast_in_dim3A_694 = arith.constant 0 : i32
        %broadcast_in_dim3A_695 = vector.broadcast %broadcast_in_dim3A_694 : i32 to vector<16xi32>
        %add3A_696 = vector.broadcast %add3A_693 : i32 to vector<16xi32>
        %add3A_697 = arith.addi %broadcast_in_dim3A_695, %add3A_696 : vector<16xi32>
        %gather3A_698 = tpu.vector_load_idx %arg8[%add3A_605, %add3A_697] : memref<256x64xf32, #tpu.memory_space<vmem>>[vector<16xi32>, vector<16xi32>], vector<16xf32>,
        %gather3A_699 = tpu.vector_load_idx %arg9[%add3A_605, %add3A_697] : memref<256x64xf32, #tpu.memory_space<vmem>>[vector<16xi32>, vector<16xi32>], vector<16xf32>,
        %gather3A_700 = tpu.vector_load_idx %arg10[%add3A_605, %add3A_697] : memref<256x64xf32, #tpu.memory_space<vmem>>[vector<16xi32>, vector<16xi32>], vector<16xf32>,
        %mul3A_701 = arith.mulf %gather3A_698, %gather3A_699 : vector<16xf32>
        %mul3A_702 = arith.mulf %gather3A_699, %gather3A_700 : vector<16xf32>
        %mul3A_703 = arith.mulf %mul3A_701, %gather3A_700 : vector<16xf32>
        %add3A_704 = arith.addf %add3A_677, %mul3A_703 : vector<16xf32>
        %gather3A_705 = tpu.vector_load_idx %arg11[%add3A_605, %add3A_697] : memref<256x64xf32, #tpu.memory_space<vmem>>[vector<16xi32>, vector<16xi32>], vector<16xf32>,
        %mul3A_706 = arith.mulf %mul3A_701, %gather3A_705 : vector<16xf32>
        %add3A_707 = arith.addf %add3A_680, %mul3A_706 : vector<16xf32>
        %gather3A_708 = tpu.vector_load_idx %arg12[%add3A_605, %add3A_697] : memref<256x64xf32, #tpu.memory_space<vmem>>[vector<16xi32>, vector<16xi32>], vector<16xf32>,
        %mul3A_709 = arith.mulf %mul3A_701, %gather3A_708 : vector<16xf32>
        %add3A_710 = arith.addf %add3A_683, %mul3A_709 : vector<16xf32>
        %gather3A_711 = tpu.vector_load_idx %arg13[%add3A_605, %add3A_697] : memref<256x64xf32, #tpu.memory_space<vmem>>[vector<16xi32>, vector<16xi32>], vector<16xf32>,
        %mul3A_712 = arith.mulf %mul3A_702, %gather3A_711 : vector<16xf32>
        %add3A_713 = arith.addf %add3A_686, %mul3A_712 : vector<16xf32>
        %gather3A_714 = tpu.vector_load_idx %arg14[%add3A_605, %add3A_697] : memref<256x64xf32, #tpu.memory_space<vmem>>[vector<16xi32>, vector<16xi32>], vector<16xf32>,
        %mul3A_715 = arith.mulf %mul3A_702, %gather3A_714 : vector<16xf32>
        %add3A_716 = arith.addf %add3A_689, %mul3A_715 : vector<16xf32>
        %mul3A_717 = arith.constant 4 : i32
        %mul3A_718 = arith.muli %scan3A_658, %mul3A_717 : i32
        %add3A_719 = arith.constant 2 : i32
        %add3A_720 = arith.addi %mul3A_718, %add3A_719 : i32
        %broadcast_in_dim3A_721 = arith.constant 0 : i32
        %broadcast_in_dim3A_722 = vector.broadcast %broadcast_in_dim3A_721 : i32 to vector<16xi32>
        %add3A_723 = vector.broadcast %add3A_720 : i32 to vector<16xi32>
        %add3A_724 = arith.addi %broadcast_in_dim3A_722, %add3A_723 : vector<16xi32>
        %gather3A_725 = tpu.vector_load_idx %arg8[%add3A_605, %add3A_724] : memref<256x64xf32, #tpu.memory_space<vmem>>[vector<16xi32>, vector<16xi32>], vector<16xf32>,
        %gather3A_726 = tpu.vector_load_idx %arg9[%add3A_605, %add3A_724] : memref<256x64xf32, #tpu.memory_space<vmem>>[vector<16xi32>, vector<16xi32>], vector<16xf32>,
        %gather3A_727 = tpu.vector_load_idx %arg10[%add3A_605, %add3A_724] : memref<256x64xf32, #tpu.memory_space<vmem>>[vector<16xi32>, vector<16xi32>], vector<16xf32>,
        %mul3A_728 = arith.mulf %gather3A_725, %gather3A_726 : vector<16xf32>
        %mul3A_729 = arith.mulf %gather3A_726, %gather3A_727 : vector<16xf32>
        %mul3A_730 = arith.mulf %mul3A_728, %gather3A_727 : vector<16xf32>
        %add3A_731 = arith.addf %add3A_704, %mul3A_730 : vector<16xf32>
        %gather3A_732 = tpu.vector_load_idx %arg11[%add3A_605, %add3A_724] : memref<256x64xf32, #tpu.memory_space<vmem>>[vector<16xi32>, vector<16xi32>], vector<16xf32>,
        %mul3A_733 = arith.mulf %mul3A_728, %gather3A_732 : vector<16xf32>
        %add3A_734 = arith.addf %add3A_707, %mul3A_733 : vector<16xf32>
        %gather3A_735 = tpu.vector_load_idx %arg12[%add3A_605, %add3A_724] : memref<256x64xf32, #tpu.memory_space<vmem>>[vector<16xi32>, vector<16xi32>], vector<16xf32>,
        %mul3A_736 = arith.mulf %mul3A_728, %gather3A_735 : vector<16xf32>
        %add3A_737 = arith.addf %add3A_710, %mul3A_736 : vector<16xf32>
        %gather3A_738 = tpu.vector_load_idx %arg13[%add3A_605, %add3A_724] : memref<256x64xf32, #tpu.memory_space<vmem>>[vector<16xi32>, vector<16xi32>], vector<16xf32>,
        %mul3A_739 = arith.mulf %mul3A_729, %gather3A_738 : vector<16xf32>
        %add3A_740 = arith.addf %add3A_713, %mul3A_739 : vector<16xf32>
        %gather3A_741 = tpu.vector_load_idx %arg14[%add3A_605, %add3A_724] : memref<256x64xf32, #tpu.memory_space<vmem>>[vector<16xi32>, vector<16xi32>], vector<16xf32>,
        %mul3A_742 = arith.mulf %mul3A_729, %gather3A_741 : vector<16xf32>
        %add3A_743 = arith.addf %add3A_716, %mul3A_742 : vector<16xf32>
        %mul3A_744 = arith.constant 4 : i32
        %mul3A_745 = arith.muli %scan3A_658, %mul3A_744 : i32
        %add3A_746 = arith.constant 3 : i32
        %add3A_747 = arith.addi %mul3A_745, %add3A_746 : i32
        %broadcast_in_dim3A_748 = arith.constant 0 : i32
        %broadcast_in_dim3A_749 = vector.broadcast %broadcast_in_dim3A_748 : i32 to vector<16xi32>
        %add3A_750 = vector.broadcast %add3A_747 : i32 to vector<16xi32>
        %add3A_751 = arith.addi %broadcast_in_dim3A_749, %add3A_750 : vector<16xi32>
        %gather3A_752 = tpu.vector_load_idx %arg8[%add3A_605, %add3A_751] : memref<256x64xf32, #tpu.memory_space<vmem>>[vector<16xi32>, vector<16xi32>], vector<16xf32>,
        %gather3A_753 = tpu.vector_load_idx %arg9[%add3A_605, %add3A_751] : memref<256x64xf32, #tpu.memory_space<vmem>>[vector<16xi32>, vector<16xi32>], vector<16xf32>,
        %gather3A_754 = tpu.vector_load_idx %arg10[%add3A_605, %add3A_751] : memref<256x64xf32, #tpu.memory_space<vmem>>[vector<16xi32>, vector<16xi32>], vector<16xf32>,
        %mul3A_755 = arith.mulf %gather3A_752, %gather3A_753 : vector<16xf32>
        %mul3A_756 = arith.mulf %gather3A_753, %gather3A_754 : vector<16xf32>
        %mul3A_757 = arith.mulf %mul3A_755, %gather3A_754 : vector<16xf32>
        %add3A_758 = arith.addf %add3A_731, %mul3A_757 : vector<16xf32>
        %gather3A_759 = tpu.vector_load_idx %arg11[%add3A_605, %add3A_751] : memref<256x64xf32, #tpu.memory_space<vmem>>[vector<16xi32>, vector<16xi32>], vector<16xf32>,
        %mul3A_760 = arith.mulf %mul3A_755, %gather3A_759 : vector<16xf32>
        %add3A_761 = arith.addf %add3A_734, %mul3A_760 : vector<16xf32>
        %gather3A_762 = tpu.vector_load_idx %arg12[%add3A_605, %add3A_751] : memref<256x64xf32, #tpu.memory_space<vmem>>[vector<16xi32>, vector<16xi32>], vector<16xf32>,
        %mul3A_763 = arith.mulf %mul3A_755, %gather3A_762 : vector<16xf32>
        %add3A_764 = arith.addf %add3A_737, %mul3A_763 : vector<16xf32>
        %gather3A_765 = tpu.vector_load_idx %arg13[%add3A_605, %add3A_751] : memref<256x64xf32, #tpu.memory_space<vmem>>[vector<16xi32>, vector<16xi32>], vector<16xf32>,
        %mul3A_766 = arith.mulf %mul3A_756, %gather3A_765 : vector<16xf32>
        %add3A_767 = arith.addf %add3A_740, %mul3A_766 : vector<16xf32>
        %gather3A_768 = tpu.vector_load_idx %arg14[%add3A_605, %add3A_751] : memref<256x64xf32, #tpu.memory_space<vmem>>[vector<16xi32>, vector<16xi32>], vector<16xf32>,
        %mul3A_769 = arith.mulf %mul3A_756, %gather3A_768 : vector<16xf32>
        %add3A_770 = arith.addf %add3A_743, %mul3A_769 : vector<16xf32>
        scf.yield %add3A_758, %add3A_761, %add3A_764, %add3A_767, %add3A_770 : vector<16xf32>, vector<16xf32>, vector<16xf32>, vector<16xf32>, vector<16xf32>
      }
      %scan3A_611 = arith.constant 16 : i32
      %mul3A_612 = arith.constant 16 : i32
      %mul3A_613 = arith.muli %scan3A_596, %mul3A_612 : i32
      %add3A_614 = arith.constant 384 : i32
      %add3A_615 = arith.addi %add3A_614, %mul3A_613 : i32
      %swap3A_616 = arith.index_cast %add3A_615 : i32 to index
      %swap3A_617 = tpu.vector_load %arg15[%swap3A_616] {strides = array<i32>} : memref<512xf32, #tpu.memory_space<vmem>>, vector<16xf32>,
      tpu.vector_store %arg15[%swap3A_616], %scan3A_610#0 {strides = array<i32>} : memref<512xf32, #tpu.memory_space<vmem>>, vector<16xf32>,
      %neg3A = arith.constant 0.000000e+00 : f32
      %neg3A_618 = vector.broadcast %neg3A : f32 to vector<16xf32>
      %neg3A_619 = arith.subf %neg3A_618, %scan3A_610#0 : vector<16xf32>
      %exp3A = math.exp %neg3A_619 : vector<16xf32>
      %add3A_620 = arith.constant 1.000000e+00 : f32
      %add3A_621 = vector.broadcast %add3A_620 : f32 to vector<16xf32>
      %add3A_622 = arith.addf %add3A_621, %exp3A : vector<16xf32>
      %div3A = arith.constant 1.000000e+00 : f32
      %div3A_623 = vector.broadcast %div3A : f32 to vector<16xf32>
      %div3A_624 = arith.divf %div3A_623, %add3A_622 : vector<16xf32>
      %add3A_625 = arith.addf %scan3A_597, %div3A_624 : vector<16xf32>
      %exp3A_626 = math.exp %scan3A_610#1 : vector<16xf32>
      %add3A_627 = arith.constant 1.000000e+00 : f32
      %add3A_628 = vector.broadcast %add3A_627 : f32 to vector<16xf32>
      %add3A_629 = arith.addf %add3A_628, %exp3A_626 : vector<16xf32>
      %div3A_630 = arith.constant 1.000000e+00 : f32
      %div3A_631 = vector.broadcast %div3A_630 : f32 to vector<16xf32>
      %div3A_632 = arith.divf %div3A_631, %add3A_629 : vector<16xf32>
      %add3A_633 = arith.addf %scan3A_598, %div3A_632 : vector<16xf32>
      %exp3A_634 = math.exp %scan3A_610#2 : vector<16xf32>
      %add3A_635 = arith.constant 1.000000e+00 : f32
      %add3A_636 = vector.broadcast %add3A_635 : f32 to vector<16xf32>
      %add3A_637 = arith.addf %add3A_636, %exp3A_634 : vector<16xf32>
      %div3A_638 = arith.constant 1.000000e+00 : f32
      %div3A_639 = vector.broadcast %div3A_638 : f32 to vector<16xf32>
      %div3A_640 = arith.divf %div3A_639, %add3A_637 : vector<16xf32>
      %add3A_641 = arith.addf %add3A_633, %div3A_640 : vector<16xf32>
      %exp3A_642 = math.exp %scan3A_610#3 : vector<16xf32>
      %add3A_643 = arith.constant 1.000000e+00 : f32
      %add3A_644 = vector.broadcast %add3A_643 : f32 to vector<16xf32>
      %add3A_645 = arith.addf %add3A_644, %exp3A_642 : vector<16xf32>
      %div3A_646 = arith.constant 1.000000e+00 : f32
      %div3A_647 = vector.broadcast %div3A_646 : f32 to vector<16xf32>
      %div3A_648 = arith.divf %div3A_647, %add3A_645 : vector<16xf32>
      %add3A_649 = arith.addf %scan3A_599, %div3A_648 : vector<16xf32>
      %exp3A_650 = math.exp %scan3A_610#4 : vector<16xf32>
      %add3A_651 = arith.constant 1.000000e+00 : f32
      %add3A_652 = vector.broadcast %add3A_651 : f32 to vector<16xf32>
      %add3A_653 = arith.addf %add3A_652, %exp3A_650 : vector<16xf32>
      %div3A_654 = arith.constant 1.000000e+00 : f32
      %div3A_655 = vector.broadcast %div3A_654 : f32 to vector<16xf32>
      %div3A_656 = arith.divf %div3A_655, %add3A_653 : vector<16xf32>
      %add3A_657 = arith.addf %add3A_649, %div3A_656 : vector<16xf32>
      scf.yield %add3A_625, %add3A_641, %add3A_657 : vector<16xf32>, vector<16xf32>, vector<16xf32>
    }
    %scan3A_582 = arith.constant 8 : i32
    %swap3A = arith.constant 0 : i32
    %swap3A_583 = arith.index_cast %swap3A : i32 to index
    %swap3A_584 = arith.constant 0 : index
    %swap3A_585 = tpu.vector_load %arg16[%swap3A_583, %swap3A_584] {strides = array<i32>} : memref<3x16xf32, #tpu.memory_space<vmem>>, vector<16xf32>,
    tpu.vector_store %arg16[%swap3A_583, %swap3A_584], %scan3A_581#0 {strides = array<i32>} : memref<3x16xf32, #tpu.memory_space<vmem>>, vector<16xf32>,
    %swap3A_586 = arith.constant 1 : i32
    %swap3A_587 = arith.index_cast %swap3A_586 : i32 to index
    %swap3A_588 = arith.constant 0 : index
    %swap3A_589 = tpu.vector_load %arg16[%swap3A_587, %swap3A_588] {strides = array<i32>} : memref<3x16xf32, #tpu.memory_space<vmem>>, vector<16xf32>,
    tpu.vector_store %arg16[%swap3A_587, %swap3A_588], %scan3A_581#1 {strides = array<i32>} : memref<3x16xf32, #tpu.memory_space<vmem>>, vector<16xf32>,
    %swap3A_590 = arith.constant 2 : i32
    %swap3A_591 = arith.index_cast %swap3A_590 : i32 to index
    %swap3A_592 = arith.constant 0 : index
    %swap3A_593 = tpu.vector_load %arg16[%swap3A_591, %swap3A_592] {strides = array<i32>} : memref<3x16xf32, #tpu.memory_space<vmem>>, vector<16xf32>,
    tpu.vector_store %arg16[%swap3A_591, %swap3A_592], %scan3A_581#2 {strides = array<i32>} : memref<3x16xf32, #tpu.memory_space<vmem>>, vector<16xf32>,
    %mul3A_594 = arith.constant 512 : i32
    %mul3A_595 = arith.muli %add3A, %mul3A_594 : i32
    "tpu.region"() ({
      %run_scoped3A = tpu.sem_alloc : memref<!tpu.dma_semaphore, #tpu.memory_space<semaphore_mem>>
      %dma_start3A_596 = tpu.memref_slice %arg5[%mul3A_595] : memref<16384xf32, #tpu.memory_space<hbm>> -> memref<512xf32, #tpu.memory_space<hbm>>
      %dma_start3A_597 = tpu.memref_slice %arg5[%mul3A_595] : memref<16384xf32, #tpu.memory_space<hbm>> -> memref<512xf32, #tpu.memory_space<hbm>>
      tpu.enqueue_dma source(%arg15 : memref<512xf32, #tpu.memory_space<vmem>>) target(%dma_start3A_597 : memref<512xf32, #tpu.memory_space<hbm>>) target_semaphore(%run_scoped3A : memref<!tpu.dma_semaphore, #tpu.memory_space<semaphore_mem>>)
      %dma_wait3A_598 = tpu.memref_slice %arg5[%mul3A_595] : memref<16384xf32, #tpu.memory_space<hbm>> -> memref<512xf32, #tpu.memory_space<hbm>>
      %dma_wait3A_599 = tpu.memref_slice %arg5[%mul3A_595] : memref<16384xf32, #tpu.memory_space<hbm>> -> memref<512xf32, #tpu.memory_space<hbm>>
      tpu.wait_dma2 semaphore(%run_scoped3A : memref<!tpu.dma_semaphore, #tpu.memory_space<semaphore_mem>>) src(%arg15 : memref<512xf32, #tpu.memory_space<vmem>>) dst(%dma_wait3A_599 : memref<512xf32, #tpu.memory_space<hbm>>)
      tpu.yield
    }) : () -> ()
    "tpu.region"() ({
      %run_scoped3A = tpu.sem_alloc : memref<!tpu.dma_semaphore, #tpu.memory_space<semaphore_mem>>
      %dma_start3A_596 = arith.constant 0 : i32
      %dma_start3A_597 = arith.constant 0 : i32
      %dma_start3A_598 = tpu.memref_slice %arg6[%add3A, %dma_start3A_596, %dma_start3A_597] : memref<32x3x16xf32, #tpu.memory_space<hbm>> -> memref<1x3x16xf32, #tpu.memory_space<hbm>>
      %dma_start3A_599 = tpu.memref_squeeze %dma_start3A_598 : memref<1x3x16xf32, #tpu.memory_space<hbm>> -> memref<3x16xf32, #tpu.memory_space<hbm>>
      %dma_start3A_600 = arith.constant 0 : i32
      %dma_start3A_601 = arith.constant 0 : i32
      %dma_start3A_602 = tpu.memref_slice %arg6[%add3A, %dma_start3A_600, %dma_start3A_601] : memref<32x3x16xf32, #tpu.memory_space<hbm>> -> memref<1x3x16xf32, #tpu.memory_space<hbm>>
      %dma_start3A_603 = tpu.memref_squeeze %dma_start3A_602 : memref<1x3x16xf32, #tpu.memory_space<hbm>> -> memref<3x16xf32, #tpu.memory_space<hbm>>
      tpu.enqueue_dma source(%arg16 : memref<3x16xf32, #tpu.memory_space<vmem>>) target(%dma_start3A_603 : memref<3x16xf32, #tpu.memory_space<hbm>>) target_semaphore(%run_scoped3A : memref<!tpu.dma_semaphore, #tpu.memory_space<semaphore_mem>>)
      %dma_wait3A_604 = arith.constant 0 : i32
      %dma_wait3A_605 = arith.constant 0 : i32
      %dma_wait3A_606 = tpu.memref_slice %arg6[%add3A, %dma_wait3A_604, %dma_wait3A_605] : memref<32x3x16xf32, #tpu.memory_space<hbm>> -> memref<1x3x16xf32, #tpu.memory_space<hbm>>
      %dma_wait3A_607 = tpu.memref_squeeze %dma_wait3A_606 : memref<1x3x16xf32, #tpu.memory_space<hbm>> -> memref<3x16xf32, #tpu.memory_space<hbm>>
      %dma_wait3A_608 = arith.constant 0 : i32
      %dma_wait3A_609 = arith.constant 0 : i32
      %dma_wait3A_610 = tpu.memref_slice %arg6[%add3A, %dma_wait3A_608, %dma_wait3A_609] : memref<32x3x16xf32, #tpu.memory_space<hbm>> -> memref<1x3x16xf32, #tpu.memory_space<hbm>>
      %dma_wait3A_611 = tpu.memref_squeeze %dma_wait3A_610 : memref<1x3x16xf32, #tpu.memory_space<hbm>> -> memref<3x16xf32, #tpu.memory_space<hbm>>
      tpu.wait_dma2 semaphore(%run_scoped3A : memref<!tpu.dma_semaphore, #tpu.memory_space<semaphore_mem>>) src(%arg16 : memref<3x16xf32, #tpu.memory_space<vmem>>) dst(%dma_wait3A_611 : memref<3x16xf32, #tpu.memory_space<hbm>>)
      tpu.yield
    }) : () -> ()
    return
  }
}

</mosaic_0001>

<sc_bundles>
// kernel: kernel.3.cloned.1.call-start
scs
__scs_entry_jumppad:
0x0: {  	(pc) =	sbr.rel $0x88, $3  }
0x1: {  	(tag) =	ssettag $0x0;
	lr =	simm.s32 $0x1  }
0x2: {  	[smem:$0x3F9E] =	sst lr;
	_ =	strace $0xD0000000  }
0x3: {  	_ = 	snop  }
0x4: {  	_ = 	snop  }
0x5: {  	_ = 	snop  }
0x6: {  	_ = 	snop  }
0x7: {  	_ = 	snop  }
__scs_overlays_trampoline_lowered:
0x8: {  	[smem:$0x3FAD] =	sst s0  }
0x9: {  	[smem:$0x3FAE] =	sst s1  }
0xa: {  	[smem:$0x3FAF] =	sst s2  }
0xb: {  	[smem:$0x3FB0] =	sst s3  }
0xc: {  	[smem:$0x3FB1] =	sst s4  }
0xd: {  	[smem:$0x3FB2] =	sst s5  }
0xe: {  	[smem:$0x3FB3] =	sst s6  }
0xf: {  	[smem:$0x3FB4] =	sst s7  }
0x10: {  	[smem:$0x3FB5] =	sst s8  }
0x11: {  	[smem:$0x3FB6] =	sst s9;
	s0 =	simm.s32 @!p0 $0x0  }
0x12: {  	s1 =	sld [smem:$0x3F9C];
	s0 =	simm.s32 @p0 $0x1  }
0x13: {  	[smem:$0x3FB7] =	sst s0;
	s0 =	simm.s32 @!p1 $0x0  }
0x14: {  	s2 =	sld [smem:$0x3F9B];
	s0 =	simm.s32 @p1 $0x1  }
0x15: {  	[smem:$0x3FB8] =	sst s0;
	s0 =	simm.s32 @!p2 $0x0  }
0x16: {  	s3 =	sld [smem:$0x3FDB];
	s0 =	simm.s32 @p2 $0x1  }
0x17: {  	s4 =	simm.s32 $0x1BF5;
	[smem:$0x3FBA] =	sst s0  }
0x18: {  	s0 =	sld [smem:$0x3F9D];
	_ =	swait.ge [sflag:s4], $0x0  }
0x19: {  	s7 =	sld [smem:$0x3F9E]  }
0x1a: {  	s8 =	sadd.s32 $0xFFFFE003, lr  }
0x1b: {  	s9 =	sadd.s32 $0xFFFFFEF7, lr;
	s5 =	simm.s32 $0xFFFFFFFF;
	p2 =	slt.u32 s8, $0xFFFFF086  }
0x1c: {  	p1 =	slt.u32 s9, $0xF7A;
	s5 =	simm.s32 @!p2 $0x0  }
0x1d: {  	s5 =	simm.s32 @p1 $0x1;
	p0 =	seq.s32 s7, s2  }
0x1e: {  	s7 =	smul.u32 @!p0 $0xF7A, s2;
	p2 =	seq.s32 @!p0 s5, $0x0  }
0x1f: {  	s9 =	smul.u32 $0xF7A, s1;
	s8 =	simm.s32 @!p0 $0x1BF5;
	p2 =	por !p2, p0  }
0x20: {  	[sflag:s8] =	ssyncset.s32 @!p0 $0xFFFFF086;
	s6 =	sadd.s32 @!p0 s3, s7;
	s7 =	simm.s32 @!p0 $0x108  }
0x21: {  	s3 =	sadd.s32 s3, s9;
	s6 =	sadd.s32 @!p0 $0x88, s6;
	s7 =	simm.s32 @p2 $0x1082  }
0x22: {  	[simem:s7], [sflag:s8] =	dma.local @!p0 [hbm:s6], $0xF7A  }
0x23: {  	s9 =	sor.u32 $0xD0000000, s2;
	s6 =	simm.s32 $0x108;
	_ =	swait.ge @!p0 [sflag:s8], $0x0  }
0x24: {  	s3 =	sadd.s32 $0x88, s3;
	s6 =	simm.s32 @!p1 $0x1082;
	[sflag:s4] =	ssyncset.s32 $0xFFFFF086  }
0x25: {  	[simem:s6], [sflag:s4] =	dma.local [hbm:s3], $0xF7A  }
0x26: {  	[smem:$0x3F9E] =	sst s1;
	(tag) =	ssettag s2;
	_ =	strace s9  }
0x27: {  	s1 =	sld [smem:$0x3FAE]  }
0x28: {  	s2 =	sld [smem:$0x3FAF]  }
0x29: {  	s4 =	sld [smem:$0x3FB1]  }
0x2a: {  	p0 =	seq.s32 s5, $0x0;
	s5 =	sld [smem:$0x3FB2]  }
0x2b: {  	s6 =	sld [smem:$0x3FB3]  }
0x2c: {  	s7 =	sld [smem:$0x3FB4]  }
0x2d: {  	s3 =	simm.s32 $0x108;
	s8 =	sld [smem:$0x3FB5]  }
0x2e: {  	s3 =	simm.s32 @!p0 $0x1082;
	s9 =	sld [smem:$0x3FB6]  }
0x2f: {  	lr =	sadd.s32 s0, s3;
	s0 =	sld [smem:$0x3FAD]  }
0x30: {  	s3 =	sld [smem:$0x3FB0]  }
0x31: {  	[smem:$0x3FB9] =	sst s10  }
0x32: {  	s10 =	sld [smem:$0x3FB7];
	_ =	sdelay $0x3  }
0x33: {  	p0 =	seq.s32 s10, $0x1;
	s10 =	sld [smem:$0x3FB9];
	_ =	sdelay $0x3  }
0x34: {  	[smem:$0x3FB9] =	sst s10  }
0x35: {  	s10 =	sld [smem:$0x3FB8];
	_ =	sdelay $0x3  }
0x36: {  	p1 =	seq.s32 s10, $0x1;
	s10 =	sld [smem:$0x3FB9];
	_ =	sdelay $0x3  }
0x37: {  	[smem:$0x3FB9] =	sst s10  }
0x38: {  	s10 =	sld [smem:$0x3FBA]  }
0x39: {  	_ = 	snop;
	(pc) =	sbr.ind lr, $3  }
0x3a: {  	_ = 	snop  }
0x3b: {  	_ = 	snop  }
0x3c: {  	p2 =	seq.s32 s10, $0x1;
	s10 =	sld [smem:$0x3FB9]  }
0x3d: {  	_ =	shalt  }
0x3e: {  	_ =	shalt  }
0x3f: {  	_ =	shalt  }
0x40: {  	_ =	shalt  }
0x41: {  	_ =	shalt  }
0x42: {  	_ =	shalt  }
0x43: {  	_ =	shalt  }
0x44: {  	_ =	shalt  }
0x45: {  	_ =	shalt  }
0x46: {  	_ =	shalt  }
0x47: {  	_ =	shalt  }
0x48: {  	_ =	shalt  }
0x49: {  	_ =	shalt  }
0x4a: {  	_ =	shalt  }
0x4b: {  	_ =	shalt  }
0x4c: {  	_ =	shalt  }
0x4d: {  	_ =	shalt  }
0x4e: {  	_ =	shalt  }
0x4f: {  	_ =	shalt  }
0x50: {  	_ =	shalt  }
0x51: {  	_ =	shalt  }
0x52: {  	_ =	shalt  }
0x53: {  	_ =	shalt  }
0x54: {  	_ =	shalt  }
0x55: {  	_ =	shalt  }
0x56: {  	_ =	shalt  }
0x57: {  	_ =	shalt  }
0x58: {  	_ =	shalt  }
0x59: {  	_ =	shalt  }
0x5a: {  	_ =	shalt  }
0x5b: {  	_ =	shalt  }
0x5c: {  	_ =	shalt  }
0x5d: {  	_ =	shalt  }
0x5e: {  	_ =	shalt  }
0x5f: {  	_ =	shalt  }
0x60: {  	_ =	shalt  }
0x61: {  	_ =	shalt  }
0x62: {  	_ =	shalt  }
0x63: {  	_ =	shalt  }
0x64: {  	_ =	shalt  }
0x65: {  	_ =	shalt  }
0x66: {  	_ =	shalt  }
0x67: {  	_ =	shalt  }
0x68: {  	_ =	shalt  }
0x69: {  	_ =	shalt  }
0x6a: {  	_ =	shalt  }
0x6b: {  	_ =	shalt  }
0x6c: {  	_ =	shalt  }
0x6d: {  	_ =	shalt  }
0x6e: {  	_ =	shalt  }
0x6f: {  	_ =	shalt  }
0x70: {  	_ =	shalt  }
0x71: {  	_ =	shalt  }
0x72: {  	_ =	shalt  }
0x73: {  	_ =	shalt  }
0x74: {  	_ =	shalt  }
0x75: {  	_ =	shalt  }
0x76: {  	_ =	shalt  }
0x77: {  	_ =	shalt  }
0x78: {  	_ =	shalt  }
0x79: {  	_ =	shalt  }
0x7a: {  	_ =	shalt  }
0x7b: {  	_ =	shalt  }
0x7c: {  	_ =	shalt  }
0x7d: {  	_ =	shalt  }
0x7e: {  	_ =	shalt  }
0x7f: {  	_ =	shalt  }
0x80: {  	_ =	shalt  }
0x81: {  	_ =	shalt  }
0x82: {  	_ =	shalt  }
0x83: {  	_ =	shalt  }
0x84: {  	_ =	shalt  }
0x85: {  	_ =	shalt  }
0x86: {  	_ =	shalt  }
0x87: {  	_ =	shalt  }
.Lfunc_end0:
.L_simem_size_0:
called_computation_lowered:
.L_overlay_start_0:
0x88: {  	s2 =	sld [smem:$0x3FD9]  }
0x89: {  	s3 =	sld [smem:$0x3FFE];
	_ =	sdelay $0x1  }
0x8a: {  	s1 =	srdreg.scid  }
0x8b: {  	s0 =	sand.u32 $0x1, s1  }
0x8c: {  	s14 =	sshll.u32 s0, $0xA;
	s2 =	sadd.s32 s3, s2  }
0x8d: {  	s2 =	sadd.s32 s2, s14  }
0x8e: {  	[smem:$0x3FC5] =	sst s2  }
0x8f: {  	_ = 	snop  }
0x90: {  	s2 =	sld [smem:$0x3FD0];
	_ =	sdelay $0x2  }
0x91: {  	s15 =	simm.s32 $0xA;
	s4 =	simm.s32 $0x10  }
0x92: {  	[smem:s4], [sflag:s15] =	dma.local [hbm:s2], $0x1  }
0x93: {  	_ =	swait.eq [sflag:s15], $0x1  }
0x94: {  	[sflag:s15] =	ssyncset.done $0x0  }
0x95: {  	[sflag:s15] =	ssyncadd.s32 $0xFFFFFFFF  }
0x96: {  	s16 =	sld [smem:$0x10];
	(tm) =	ssettm $0x1  }
0x97: {  	s17 =	sld [smem:$0x3FFB];
	_ =	sdelay $0x3  }
0x98: {  	_ =	strace s17  }
0x99: {  	s3 =	sld [smem:$0x3FFC];
	_ =	sdelay $0x3  }
0x9a: {  	_ =	strace s3  }
0x9b: {  	s3 =	sld [smem:$0x3FFD];
	_ =	sdelay $0x3  }
0x9c: {  	_ =	strace s3  }
0x9d: {  	_ =	strace $0x8FFFFFFF  }
0x9e: {  	s18 =	sld [smem:$0x3FDB];
	_ =	sdelay $0x1  }
0x9f: {  	s19 =	simm.s32 $_scs_section_size  }
0xa0: {  	s5 =	simm.s32 $_size__tile_overlayer_lowered;
	s6 =	simm.s32 $_tile_overlayer_lowered  }
0xa1: {  	s22 =	simm.s32 $0x1BFF;
	s21 =	sshll.u32 s6, $0x1;
	s3 =	sadd.s32 s19, s18  }
0xa2: {  	s7 =	simm.s32 $0x0;
	s20 =	sshll.u32 s5, $0x1;
	s5 =	sadd.s32 s21, s3  }
0xa3: {  	[timem:s7], [sflag:s22] =	dma.local [hbm:s5], s20  }
0xa4: {  	_ =	swait.ge [sflag:s22], s20  }
0xa5: {  	s4 =	ssub.s32 $0x0, s20;
	[sflag:s22] =	ssyncset.done $0x0  }
0xa6: {  	[sflag:s22] =	ssyncadd.s32 s4;
	_ =	sdelay $0x1  }
0xa7: {  	s23 =	simm.s32 $0x1B8B  }
0xa8: {  	_ =	swait.ge [sflag:s23], $0x1  }
0xa9: {  	[sflag:s23] =	ssyncset.done $0x0  }
0xaa: {  	s25 =	simm.s32 $0x1B8E;
	s24 =	sld [smem:$0x3FFE];
	[sflag:s23] =	ssyncadd.s32 $0xFFFFFFFF  }
0xab: {  	s26 =	simm.s32 $execute0_lowered;
	[smem:$0x3FD2] =	sst s25  }
0xac: {  	s5 =	sshll.u32 s26, $0x1;
	_ =	strace $0x80000046;
	[dreg:$0x1] =	wrdreg $0xFFFFFFFF  }
0xad: {  	s28 =	simm.s32 $_size_execute0_lowered;
	s3 =	sadd.s32 s3, s5;
	[dreg:$0x0] =	wrdreg $0x0  }
0xae: {  	s5 =	sshll.u32 s28, $0x1;
	[dreg:$0x2] =	wrdreg s3  }
0xaf: {  	[dreg:$0x3] =	wrdreg s5  }
0xb0: {  	[dreg:$0x4] =	wrdreg $0xC0  }
0xb1: {  	_ =	task [dreg:s7], $0x5FFFF  }
0xb2: {  	[dreg:$0x1] =	wrdreg $0xFFFFFFFF  }
0xb3: {  	[dreg:$0x0] =	wrdreg $0x60  }
0xb4: {  	[dreg:$0x2] =	wrdreg s24  }
0xb5: {  	[dreg:$0x3] =	wrdreg s16  }
0xb6: {  	[dreg:$0x4] =	wrdreg $0x9  }
0xb7: {  	_ =	task.clear_ibuf [dreg:s7], $0x5FFFF;
	_ =	strace $0x90000046  }
0xb8: {  	s29 =	simm.s32 $0x9;
	_ =	strace $0x80000048  }
0xb9: {  	_ =	swait.ge [sflag:s29], $0x1  }
0xba: {  	[sflag:s29] =	ssyncadd.s32 $0xFFFFFFFF  }
0xbb: {  	_ =	strace $0x90000048  }
0xbc: {  	_ =	sfence  }
0xbd: {  	s30 =	sld [smem:$0x0];
	_ =	sdelay $0x2  }
0xbe: {  	s31 =	sshll.u32 s1, $0xD;
	s1 =	sshrl.u32 s1, $0x2  }
0xbf: {  	s3 =	sand.u32 $0x4000, s31;
	s1 =	sadd.s32 s1, s30  }
0xc0: {  	s0 =	sor.u32 s3, s0;
	s1 =	sshll.u32 s1, $0x11  }
0xc1: {  	s0 =	sor.u32 s1, s0  }
0xc2: {  	s0 =	sadd.s32 $0x8F2B, s0  }
0xc3: {  	[sflag:s0] =	ssyncadd.remote.s32 $0x1  }
0xc4: {  	_ =	sfence.sel $0xFFFF  }
0xc5: {  	[dreg:$0x0] =	wrdreg $0xFFFFFFFF;
	(pc) =	sbr.abs _section_cstart, $3  }
0xc6: {  	[dreg:$0x1] =	wrdreg $0xFFFFFFFF  }
0xc7: {  	_ =	task.clear_ibuf [dreg:s7], $0x2FFFF;
	_ =	strace $0x9FFFFFFF  }
0xc8: {  	(tm) =	ssettm $0x7FFFFFFF  }
0xc9: {  	_ =	shalt  }
tec
execute0_lowered:
.L_overlay_start_1:
0x0: {  	(tag) =	ssettag $0x1  }
0x1: {  	s0 =	rddreg [dreg:$0x0];
	s1 =	srdreg.scid  }
0x2: {  	s2 =	stileid.u32;
	s6 =	rddreg [dreg:$0x1]  }
0x3: {  	s10 =	simm.s32 $0x80;
	s11 =	simm.s32 $0xE00;
	s13 =	simm.s32 $0x4E00  }
0x4: {  	s15 =	simm.s32 $0x8E00;
	s17 =	simm.s32 $0xCE00;
	s19 =	simm.s32 $0x10E00  }
0x5: {  	s21 =	simm.s32 $0x14E00;
	s23 =	simm.s32 $0x18E00;
	s26 =	simm.s32 $0x6E00  }
0x6: {  	s29 =	simm.s32 $0xAE00;
	s31 =	simm.s32 $0xEE00;
	s14 =	simm.s32 $0x16E00  }
0x7: {  	s18 =	simm.s32 $0x1AE00;
	s20 =	simm.s32 $0x1;
	s22 =	simm.s32 $0x2  }
0x8: {  	s1 =	sand.u32 $0x1, s1;
	s3 =	sshll.u32 s2, $0x1;
	s2 =	simm.s32 $0x0  }
0x9: {  	s4 =	sadd.s32 $0x4C00, s0;
	s5 =	sor.u32 s1, s3;
	[smem:$0x7FF] =	sst s2  }
0xa: {  	s1 =	ssub.s32 $0x2, s1;
	s3 =	smul.u32 $0x1C0, s5;
	_ =	strace $0x80000047  }
0xb: {  	s8 =	smul.u32 $0x6, s5;
	s9 =	sshrl.u32 s1, $0x1;
	s28 =	sshll.u32 s5, $0x6  }
0xc: {  	s1 =	ssub.s32 s1, s9;
	s6 =	sadd.s32 s6, s28;
	s9 =	simm.s32 $0x3  }
0xd: {  	s7 =	sadd.s32 s3, s0;
	s3 =	sadd.s32 $0xF47000, s0;
	s0 =	sadd.s32 s8, s0  }
0xe: {  	v0 =	vlaneseq.u32;
	s8 =	smax.u32 s1, $0x1;
	s1 =	simm.s32 $0x0;
	s30 =	sadd.s32 $0x1400, s7  }
0xf: {  	v0 =	vmul.u32 $0x40, v0;
	s7 =	sadd.s32 $0x6C00, s0;
	s0 =	simm.s32 $0x12E00;
	[dreg:$0x3] =	wrdreg s30  }
.LBB2_1:
0x10: {  	s5 =	rddreg [dreg:$0x3]  }
0x11: {  	[tilespmem:s2], [sflag:$0x3] =	stream.linear.gather [hbm4b:s5+s2], $0xE00, $0x38;
	[tilespmem:$0x1D030] =	vst v63  }
0x12: {  	_ =	swait.ge [sflag:s9], $0xE00  }
0x13: {  	[sflag:s9] =	ssyncset.done $0x0  }
0x14: {  	[sflag:s9] =	ssyncadd.s32 $0xFFFFF200  }
0x15: {  	[tilespmem:s11], [sflag:$0x1] =	stream.indirect.gather [hbm4b:s3+s10], $0x40, s2, s10, $0xb8;
	[tilespmem:$0x1D030] =	vst v63  }
0x16: {  	s30 =	simm.s32 $0x200  }
0x17: {  	[tilespmem:s13], [sflag:$0x1] =	stream.indirect.gather [hbm4b:s4+s10], $0x40, s30, s10, $0xb8;
	[tilespmem:$0x1D030] =	vst v63  }
0x18: {  	s12 =	simm.s32 $0x400  }
0x19: {  	[tilespmem:s15], [sflag:$0x1] =	stream.indirect.gather [hbm4b:s3+s10], $0x40, s12, s10, $0xb8;
	[tilespmem:$0x1D030] =	vst v63  }
0x1a: {  	s16 =	simm.s32 $0x600  }
0x1b: {  	[tilespmem:s17], [sflag:$0x1] =	stream.indirect.gather [hbm4b:s3+s10], $0x40, s16, s10, $0xb8;
	[tilespmem:$0x1D030] =	vst v63  }
0x1c: {  	s24 =	simm.s32 $0x800  }
0x1d: {  	[tilespmem:s19], [sflag:$0x1] =	stream.indirect.gather [hbm4b:s3+s10], $0x40, s24, s10, $0xb8;
	[tilespmem:$0x1D030] =	vst v63  }
0x1e: {  	s25 =	simm.s32 $0xA00  }
0x1f: {  	[tilespmem:s21], [sflag:$0x1] =	stream.indirect.gather [hbm4b:s3+s10], $0x40, s25, s10, $0xb8;
	[tilespmem:$0x1D030] =	vst v63  }
0x20: {  	s28 =	simm.s32 $0xC00  }
0x21: {  	[tilespmem:s23], [sflag:$0x1] =	stream.indirect.gather [hbm4b:s3+s10], $0x40, s28, s10, $0xb8;
	[tilespmem:$0x1D030] =	vst v63  }
0x22: {  	s30 =	simm.s32 $0x2E00  }
0x23: {  	[tilespmem:s30], [sflag:$0x2] =	stream.indirect.gather [hbm4b:s3+s10], $0x40, s10, s10, $0xb8;
	[tilespmem:$0x1D030] =	vst v63  }
0x24: {  	s12 =	simm.s32 $0x280  }
0x25: {  	[tilespmem:s26], [sflag:$0x2] =	stream.indirect.gather [hbm4b:s4+s10], $0x40, s12, s10, $0xb8;
	[tilespmem:$0x1D030] =	vst v63  }
0x26: {  	s16 =	simm.s32 $0x480  }
0x27: {  	[tilespmem:s29], [sflag:$0x2] =	stream.indirect.gather [hbm4b:s3+s10], $0x40, s16, s10, $0xb8;
	[tilespmem:$0x1D030] =	vst v63  }
0x28: {  	s24 =	simm.s32 $0x680  }
0x29: {  	[tilespmem:s31], [sflag:$0x2] =	stream.indirect.gather [hbm4b:s3+s10], $0x40, s24, s10, $0xb8;
	[tilespmem:$0x1D030] =	vst v63  }
0x2a: {  	s25 =	simm.s32 $0x880  }
0x2b: {  	[tilespmem:s0], [sflag:$0x2] =	stream.indirect.gather [hbm4b:s3+s10], $0x40, s25, s10, $0xb8;
	[tilespmem:$0x1D030] =	vst v63  }
0x2c: {  	s28 =	simm.s32 $0xA80  }
0x2d: {  	[tilespmem:s14], [sflag:$0x2] =	stream.indirect.gather [hbm4b:s3+s10], $0x40, s28, s10, $0xb8;
	[tilespmem:$0x1D030] =	vst v63  }
0x2e: {  	s30 =	simm.s32 $0xC80  }
0x2f: {  	[tilespmem:s18], [sflag:$0x2] =	stream.indirect.gather [hbm4b:s3+s10], $0x40, s30, s10, $0xb8;
	[tilespmem:$0x1D030] =	vst v63  }
0x30: {  	_ =	swait.ge [sflag:s20], $0x2000  }
0x31: {  	[sflag:s20] =	ssyncset.done $0x0  }
0x32: {  	[sflag:s20] =	ssyncadd.s32 $0xFFFFE000  }
0x33: {  	_ =	swait.ge [sflag:s20], $0x2000  }
0x34: {  	[sflag:s20] =	ssyncset.done $0x0  }
0x35: {  	[sflag:s20] =	ssyncadd.s32 $0xFFFFE000  }
0x36: {  	_ =	swait.ge [sflag:s20], $0x2000  }
0x37: {  	[sflag:s20] =	ssyncset.done $0x0  }
0x38: {  	[sflag:s20] =	ssyncadd.s32 $0xFFFFE000  }
0x39: {  	_ =	swait.ge [sflag:s20], $0x2000  }
0x3a: {  	[sflag:s20] =	ssyncset.done $0x0  }
0x3b: {  	[sflag:s20] =	ssyncadd.s32 $0xFFFFE000  }
0x3c: {  	_ =	swait.ge [sflag:s20], $0x2000  }
0x3d: {  	[sflag:s20] =	ssyncset.done $0x0  }
0x3e: {  	[sflag:s20] =	ssyncadd.s32 $0xFFFFE000  }
0x3f: {  	_ =	swait.ge [sflag:s20], $0x2000  }
0x40: {  	[sflag:s20] =	ssyncset.done $0x0  }
0x41: {  	[sflag:s20] =	ssyncadd.s32 $0xFFFFE000  }
0x42: {  	_ =	swait.ge [sflag:s20], $0x2000  }
0x43: {  	[sflag:s20] =	ssyncset.done $0x0  }
0x44: {  	v2 =	vimm.f32 $0.0e+00;
	v3 =	vimm.f32 $0.0e+00;
	v1 =	vimm.f32 $0.0e+00;
	s12 =	simm.s32 $0x0;
	[sflag:s20] =	ssyncadd.s32 $0xFFFFE000  }
.LBB2_2:
0x45: {  	s25 =	simm.s32 $0x0  }
0x46: {  	s16 =	sshll.u32 s12, $0x4;
	v4 =	vmov s25  }
0x47: {  	v5 =	vmov s16;
	v4 =	vand.u32 $0x3C, v4  }
0x48: {  	v5 =	vshll.u32 v5, $0x6;
	v4 =	vbroadcast v4, $0x0  }
0x49: {  	v9 =	vor.u32 v0, v5  }
0x4a: {  	v7 =	vor.u32 v9, v4;
	_ =	sdelay $0x2  }
0x4b: {  	s24 =	simm.s32 $0x3  }
0x4c: {  	v4 =	vmov s24  }
0x4d: {  	s28 =	simm.s32 $0x2;
	v4 =	vand.u32 $0x3F, v4;
	v13 =	vld.idx.msk [tilespmem:v7+s17+$0x0], $0xffff  }
0x4e: {  	v5 =	vmov s28;
	v4 =	vbroadcast v4, $0x0;
	v11 =	vld.idx.msk [tilespmem:v7+s19+$0x0], $0xffff  }
0x4f: {  	v6 =	vand.u32 $0x3E, v5;
	v8 =	vld.idx.msk [tilespmem:v7+s21+$0x0], $0xffff  }
0x50: {  	s30 =	simm.s32 $0x1;
	v5 =	vor.u32 v9, v4;
	v4 =	vbroadcast v6, $0x0;
	v6 =	vld.idx.msk [tilespmem:v7+s23+$0x0], $0xffff  }
0x51: {  	v10 =	vmov s30;
	v21 =	vld.idx.msk [tilespmem:v7+s11+$0x0], $0xffff  }
0x52: {  	v10 =	vand.u32 $0x3D, v10;
	v17 =	vld.idx.msk [tilespmem:v7+s13+$0x0], $0xffff  }
0x53: {  	v18 =	vld.idx.msk [tilespmem:v7+s15+$0x0], $0xffff;
	v7 =	vbroadcast v10, $0x0;
	v4 =	vor.u32 v9, v4;
	_ =	sdelay $0x1  }
0x54: {  	v12 =	vor.u32 v9, v7;
	v22 =	vld.idx.msk [tilespmem:v5+s11+$0x0], $0xffff  }
0x55: {  	v19 =	vld.idx.msk [tilespmem:v5+s13+$0x0], $0xffff  }
0x56: {  	v20 =	vimm.f32 $0.0e+00;
	v16 =	vimm.f32 $0.0e+00;
	v15 =	vld.idx.msk [tilespmem:v5+s15+$0x0], $0xffff  }
0x57: {  	v14 =	vimm.f32 $0.0e+00;
	s25 =	simm.s32 $0x4;
	v10 =	vimm.f32 $0.0e+00;
	v7 =	vimm.f32 $0.0e+00;
	v23 =	vld.idx.msk [tilespmem:v4+s11+$0x0], $0xffff  }
.LBB2_3:
0x58: {  	p0 =	sne.s32 s25, $0x3C;
	v24 =	vld.idx.msk [tilespmem:v4+s13+$0x0], $0xffff  }
0x59: {  	v25 =	vmov s25;
	s28 =	sadd.s32 $0x1, s25;
	s30 =	sadd.s32 $0x2, s25;
	s24 =	sadd.s32 $0x3, s25;
	v26 =	vld.idx.msk [tilespmem:v12+s11+$0x0], $0xffff  }
0x5a: {  	v27 =	vmov s28;
	v28 =	vmov s30;
	v29 =	vmov s24;
	v30 =	vld.idx.msk [tilespmem:v12+s13+$0x0], $0xffff  }
0x5b: {  	v25 =	vand.u32 $0x3C, v25;
	v28 =	vand.u32 $0x3E, v28;
	v29 =	vand.u32 $0x3F, v29;
	v31 =	vld.idx.msk [tilespmem:v4+s15+$0x0], $0xffff  }
0x5c: {  	v25 =	vbroadcast v25, $0x0;
	v27 =	vand.u32 $0x3D, v27;
	v29 =	vbroadcast v29, $0x0;
	v32 =	vld.idx.msk [tilespmem:v12+s15+$0x0], $0xffff  }
0x5d: {  	v27 =	vbroadcast v27, $0x0;
	v28 =	vbroadcast v28, $0x0;
	v33 =	vld.idx.msk [tilespmem:v5+s17+$0x0], $0xffff  }
0x5e: {  	v21 =	vmul.f32 v17, v21;
	v17 =	vmul.f32 v18, v17;
	v34 =	vld.idx.msk [tilespmem:v5+s19+$0x0], $0xffff  }
0x5f: {  	v22 =	vmul.f32 v19, v22;
	v19 =	vmul.f32 v15, v19;
	v35 =	vld.idx.msk [tilespmem:v4+s17+$0x0], $0xffff  }
0x60: {  	v18 =	vmul.f32 v18, v21;
	v26 =	vmul.f32 v30, v26;
	v36 =	vld.idx.msk [tilespmem:v4+s19+$0x0], $0xffff  }
0x61: {  	v23 =	vmul.f32 v24, v23;
	v24 =	vmul.f32 v31, v24;
	v37 =	vld.idx.msk [tilespmem:v12+s17+$0x0], $0xffff  }
0x62: {  	v18 =	vadd.f32 v18, v20;
	v30 =	vmul.f32 v32, v30;
	v20 =	vmul.f32 v32, v26;
	v32 =	vld.idx.msk [tilespmem:v12+s19+$0x0], $0xffff  }
0x63: {  	v38 =	vmul.f32 v13, v21;
	v11 =	vmul.f32 v11, v21;
	v25 =	vor.u32 v9, v25;
	v21 =	vld.idx.msk [tilespmem:v12+s21+$0x0], $0xffff  }
0x64: {  	v8 =	vmul.f32 v8, v17;
	v13 =	vadd.f32 v20, v18;
	v18 =	vmul.f32 v31, v23;
	v12 =	vld.idx.msk [tilespmem:v12+s23+$0x0], $0xffff  }
0x65: {  	v6 =	vmul.f32 v6, v17;
	v15 =	vmul.f32 v15, v22;
	v29 =	vor.u32 v9, v29;
	v17 =	vld.idx.msk [tilespmem:v4+s21+$0x0], $0xffff  }
0x66: {  	v31 =	vmul.f32 v33, v22;
	v22 =	vmul.f32 v34, v22;
	v13 =	vadd.f32 v18, v13;
	v18 =	vld.idx.msk [tilespmem:v4+s23+$0x0], $0xffff  }
0x67: {  	v4 =	vor.u32 v9, v28;
	v28 =	vmul.f32 v35, v23;
	v23 =	vmul.f32 v36, v23;
	v33 =	vld.idx.msk [tilespmem:v5+s21+$0x0], $0xffff  }
0x68: {  	v34 =	vmul.f32 v37, v26;
	v26 =	vmul.f32 v32, v26;
	v20 =	vadd.f32 v15, v13;
	v5 =	vld.idx.msk [tilespmem:v5+s23+$0x0], $0xffff  }
0x69: {  	v14 =	vadd.f32 v11, v14;
	v15 =	vadd.f32 v38, v16;
	v16 =	vmul.f32 v21, v30;
	v13 =	vld.idx.msk [tilespmem:v25+s17+$0x0], $0xffff  }
0x6a: {  	v10 =	vadd.f32 v8, v10;
	v7 =	vadd.f32 v6, v7;
	v12 =	vmul.f32 v12, v30;
	v11 =	vld.idx.msk [tilespmem:v25+s19+$0x0], $0xffff  }
0x6b: {  	v15 =	vadd.f32 v34, v15;
	v14 =	vadd.f32 v26, v14;
	v26 =	vmul.f32 v17, v24;
	v8 =	vld.idx.msk [tilespmem:v25+s21+$0x0], $0xffff  }
0x6c: {  	v10 =	vadd.f32 v16, v10;
	v7 =	vadd.f32 v12, v7;
	v12 =	vmul.f32 v18, v24;
	v6 =	vld.idx.msk [tilespmem:v25+s23+$0x0], $0xffff  }
0x6d: {  	v15 =	vadd.f32 v28, v15;
	v14 =	vadd.f32 v23, v14;
	v23 =	vmul.f32 v33, v19;
	v21 =	vld.idx.msk [tilespmem:v25+s11+$0x0], $0xffff  }
0x6e: {  	v10 =	vadd.f32 v26, v10;
	v7 =	vadd.f32 v12, v7;
	v19 =	vmul.f32 v5, v19;
	v17 =	vld.idx.msk [tilespmem:v25+s13+$0x0], $0xffff  }
.Ltmp0:
0x6f: {  	v16 =	vadd.f32 v31, v15;
	v14 =	vadd.f32 v22, v14;
	v5 =	vmov v29;
	v18 =	vld.idx.msk [tilespmem:v25+s15+$0x0], $0xffff;
	(pc) =	sbr.rel @p0 .LBB2_3-.Ltmp0, $4  }
0x70: {  	v12 =	vor.u32 v9, v27;
	v10 =	vadd.f32 v23, v10;
	v7 =	vadd.f32 v19, v7;
	v22 =	vld.idx.msk [tilespmem:v29+s11+$0x0], $0xffff  }
0x71: {  	v19 =	vld.idx.msk [tilespmem:v29+s13+$0x0], $0xffff  }
0x72: {  	v15 =	vld.idx.msk [tilespmem:v29+s15+$0x0], $0xffff  }
0x73: {  	s25 =	sadd.s32 $0x4, s25;
	v23 =	vld.idx.msk [tilespmem:v4+s11+$0x0], $0xffff  }
0x74: {  	_ =	sdelay $0x3  }
0x75: {  	v9 =	vld.idx.msk [tilespmem:v12+s11+$0x0], $0xffff  }
0x76: {  	v24 =	vld.idx.msk [tilespmem:v12+s13+$0x0], $0xffff  }
0x77: {  	v25 =	vld.idx.msk [tilespmem:v4+s13+$0x0], $0xffff  }
0x78: {  	v26 =	vld.idx.msk [tilespmem:v12+s15+$0x0], $0xffff  }
0x79: {  	v21 =	vmul.f32 v17, v21  }
0x7a: {  	v27 =	vld.idx.msk [tilespmem:v4+s15+$0x0], $0xffff  }
0x7b: {  	v28 =	vmul.f32 v18, v21;
	v9 =	vmul.f32 v24, v9;
	_ =	sdelay $0x1  }
0x7c: {  	v20 =	vadd.f32 v28, v20;
	v23 =	vmul.f32 v25, v23;
	v37 =	vmul.f32 v26, v9;
	_ =	sdelay $0x1  }
0x7d: {  	v22 =	vmul.f32 v19, v22;
	v38 =	vmul.f32 v27, v23;
	v20 =	vadd.f32 v37, v20;
	_ =	sdelay $0x1  }
0x7e: {  	v29 =	vmul.f32 v15, v22;
	v20 =	vadd.f32 v38, v20;
	_ =	sdelay $0x1  }
0x7f: {  	v20 =	vadd.f32 v29, v20;
	_ =	sdelay $0x1  }
0x80: {  	v39 =	vsub.f32 $0.0e+00, v20;
	_ =	sdelay $0x1  }
0x81: {  	v40 =	vld.idx.msk [tilespmem:v12+s17+$0x0], $0xffff;
	v28 =	vmul.f32 $1.442695020e+00, v39;
	_ =	sdelay $0x1  }
0x82: {  	v30 =	vld.idx.msk [tilespmem:v4+s17+$0x0], $0xffff;
	(erf) = vpow2.f32 v28  }
0x83: {  	v13 =	vmul.f32 v13, v21  }
0x84: {  	v41 =	vld.idx.msk [tilespmem:v5+s17+$0x0], $0xffff  }
0x85: {  	v13 =	vadd.f32 v13, v16;
	v29 =	vmul.f32 v40, v9;
	_ =	sdelay $0x1  }
0x86: {  	v42 =	vmul.f32 v30, v23;
	v13 =	vadd.f32 v29, v13;
	_ =	sdelay $0x1  }
0x87: {  	v13 =	vadd.f32 v42, v13;
	v28 =	vmul.f32 v41, v22;
	_ =	sdelay $0x1  }
0x88: {  	v13 =	vadd.f32 v28, v13;
	v43 =	vpop (erf)  }
0x89: {  	v16 =	vadd.f32 $1.000000000e+00, v43  }
0x8a: {  	v44 =	vld.idx.msk [tilespmem:v12+s19+$0x0], $0xffff;
	v13 =	vmul.f32 $1.442695020e+00, v13  }
0x8b: {  	(erf) = vrcp.f32 v16  }
0x8c: {  	v45 =	vld.idx.msk [tilespmem:v4+s19+$0x0], $0xffff;
	(erf) = vpow2.f32 v13  }
0x8d: {  	v11 =	vmul.f32 v11, v21  }
0x8e: {  	v46 =	vld.idx.msk [tilespmem:v5+s19+$0x0], $0xffff  }
0x8f: {  	v11 =	vadd.f32 v11, v14;
	v9 =	vmul.f32 v44, v9;
	_ =	sdelay $0x1  }
0x90: {  	v47 =	vmul.f32 v45, v23;
	v9 =	vadd.f32 v9, v11;
	_ =	sdelay $0x1  }
0x91: {  	v48 =	vmul.f32 v46, v22;
	v9 =	vadd.f32 v47, v9  }
0x92: {  	v49 =	vpop (erf)  }
0x93: {  	v9 =	vadd.f32 v48, v9;
	v50 =	vpop (erf)  }
0x94: {  	v11 =	vadd.f32 $1.000000000e+00, v50  }
0x95: {  	v51 =	vld.idx.msk [tilespmem:v12+s21+$0x0], $0xffff;
	v9 =	vmul.f32 $1.442695020e+00, v9  }
0x96: {  	v52 =	vmul.f32 v18, v17;
	(erf) = vrcp.f32 v11  }
0x97: {  	v53 =	vld.idx.msk [tilespmem:v4+s21+$0x0], $0xffff;
	(erf) = vpow2.f32 v9  }
0x98: {  	v8 =	vmul.f32 v8, v52;
	v54 =	vmul.f32 v26, v24  }
0x99: {  	v55 =	vld.idx.msk [tilespmem:v5+s21+$0x0], $0xffff  }
0x9a: {  	v8 =	vadd.f32 v8, v10;
	v56 =	vmul.f32 v27, v25;
	v14 =	vmul.f32 v51, v54;
	_ =	sdelay $0x1  }
0x9b: {  	v57 =	vmul.f32 v15, v19;
	v8 =	vadd.f32 v14, v8;
	v11 =	vmul.f32 v53, v56;
	_ =	sdelay $0x1  }
0x9c: {  	v58 =	vmul.f32 v55, v57;
	v8 =	vadd.f32 v11, v8  }
0x9d: {  	v59 =	vpop (erf)  }
0x9e: {  	v8 =	vadd.f32 v58, v8;
	v60 =	vpop (erf)  }
0x9f: {  	v14 =	vadd.f32 $1.000000000e+00, v60  }
0xa0: {  	v61 =	vld.idx.msk [tilespmem:v12+s23+$0x0], $0xffff;
	v8 =	vmul.f32 $1.442695020e+00, v8  }
0xa1: {  	v4 =	vld.idx.msk [tilespmem:v4+s23+$0x0], $0xffff;
	(erf) = vrcp.f32 v14  }
0xa2: {  	v5 =	vld.idx.msk [tilespmem:v5+s23+$0x0], $0xffff;
	(erf) = vpow2.f32 v8  }
0xa3: {  	v6 =	vmul.f32 v6, v52;
	_ =	sdelay $0x1  }
0xa4: {  	v6 =	vadd.f32 v6, v7;
	v62 =	vmul.f32 v61, v54;
	_ =	sdelay $0x1  }
0xa5: {  	v5 =	vmul.f32 v5, v57;
	v4 =	vmul.f32 v4, v56;
	v6 =	vadd.f32 v62, v6;
	_ =	sdelay $0x1  }
0xa6: {  	v4 =	vadd.f32 v4, v6  }
0xa7: {  	v63 =	vpop (erf)  }
0xa8: {  	v4 =	vadd.f32 v5, v4;
	v5 =	vpop (erf)  }
0xa9: {  	v5 =	vadd.f32 $1.000000000e+00, v5  }
0xaa: {  	v4 =	vmul.f32 $1.442695020e+00, v4  }
0xab: {  	(erf) = vrcp.f32 v5  }
0xac: {  	(erf) = vpow2.f32 v4;
	_ =	sdelay $0x7  }
0xad: {  	v4 =	vpop (erf)  }
0xae: {  	v5 =	vpop (erf)  }
0xaf: {  	v5 =	vadd.f32 $1.000000000e+00, v5;
	_ =	sdelay $0x1  }
0xb0: {  	(erf) = vrcp.f32 v5;
	_ =	sdelay $0x3  }
0xb1: {  	s12 =	sadd.s32 $0x1, s12  }
0xb2: {  	p0 =	sne.s32 s12, $0x8  }
.Ltmp1:
0xb3: {  	_ = 	snop;
	(pc) =	sbr.rel @p0 .LBB2_2-.Ltmp1, $4  }
0xb4: {  	_ = 	snop  }
0xb5: {  	v3 =	vadd.f32 v59, v3;
	v2 =	vadd.f32 v4, v2  }
0xb6: {  	v1 =	vadd.f32 v49, v1;
	v4 =	vpop (erf)  }
0xb7: {  	[tilespmem:s16+$0x1CE00] =	vst v20;
	v3 =	vadd.f32 v63, v3;
	v2 =	vadd.f32 v4, v2  }
0xb8: {  	s5 =	simm.s32 $0x100  }
0xb9: {  	[tilespmem:s11], [sflag:$0x1] =	stream.indirect.gather [hbm4b:s3+s10], $0x40, s5, s10, $0xb8;
	[tilespmem:$0x1D030] =	vst v63  }
0xba: {  	s12 =	simm.s32 $0x300  }
0xbb: {  	[tilespmem:s13], [sflag:$0x1] =	stream.indirect.gather [hbm4b:s4+s10], $0x40, s12, s10, $0xb8;
	[tilespmem:$0x1D030] =	vst v63  }
0xbc: {  	s16 =	simm.s32 $0x500  }
0xbd: {  	[tilespmem:s15], [sflag:$0x1] =	stream.indirect.gather [hbm4b:s3+s10], $0x40, s16, s10, $0xb8;
	[tilespmem:$0x1D030] =	vst v63  }
0xbe: {  	s24 =	simm.s32 $0x700  }
0xbf: {  	[tilespmem:s17], [sflag:$0x1] =	stream.indirect.gather [hbm4b:s3+s10], $0x40, s24, s10, $0xb8;
	[tilespmem:$0x1D030] =	vst v63  }
0xc0: {  	s25 =	simm.s32 $0x900  }
0xc1: {  	[tilespmem:s19], [sflag:$0x1] =	stream.indirect.gather [hbm4b:s3+s10], $0x40, s25, s10, $0xb8;
	[tilespmem:$0x1D030] =	vst v63  }
0xc2: {  	s28 =	simm.s32 $0xB00  }
0xc3: {  	[tilespmem:s21], [sflag:$0x1] =	stream.indirect.gather [hbm4b:s3+s10], $0x40, s28, s10, $0xb8;
	[tilespmem:$0x1D030] =	vst v63  }
0xc4: {  	s30 =	simm.s32 $0xD00  }
0xc5: {  	[tilespmem:s23], [sflag:$0x1] =	stream.indirect.gather [hbm4b:s3+s10], $0x40, s30, s10, $0xb8;
	[tilespmem:$0x1D030] =	vst v63  }
0xc6: {  	_ =	swait.ge [sflag:s22], $0x2000  }
0xc7: {  	[sflag:s22] =	ssyncset.done $0x0  }
0xc8: {  	[sflag:s22] =	ssyncadd.s32 $0xFFFFE000  }
0xc9: {  	_ =	swait.ge [sflag:s22], $0x2000  }
0xca: {  	[sflag:s22] =	ssyncset.done $0x0  }
0xcb: {  	[sflag:s22] =	ssyncadd.s32 $0xFFFFE000  }
0xcc: {  	_ =	swait.ge [sflag:s22], $0x2000  }
0xcd: {  	[sflag:s22] =	ssyncset.done $0x0  }
0xce: {  	[sflag:s22] =	ssyncadd.s32 $0xFFFFE000  }
0xcf: {  	_ =	swait.ge [sflag:s22], $0x2000  }
0xd0: {  	[sflag:s22] =	ssyncset.done $0x0  }
0xd1: {  	[sflag:s22] =	ssyncadd.s32 $0xFFFFE000  }
0xd2: {  	_ =	swait.ge [sflag:s22], $0x2000  }
0xd3: {  	[sflag:s22] =	ssyncset.done $0x0  }
0xd4: {  	[sflag:s22] =	ssyncadd.s32 $0xFFFFE000  }
0xd5: {  	_ =	swait.ge [sflag:s22], $0x2000  }
0xd6: {  	[sflag:s22] =	ssyncset.done $0x0  }
0xd7: {  	[sflag:s22] =	ssyncadd.s32 $0xFFFFE000  }
0xd8: {  	_ =	swait.ge [sflag:s22], $0x2000  }
0xd9: {  	[sflag:s22] =	ssyncset.done $0x0  }
0xda: {  	s12 =	simm.s32 $0x0;
	s16 =	simm.s32 $0x0;
	[sflag:s22] =	ssyncadd.s32 $0xFFFFE000  }
.LBB2_6:
0xdb: {  	s24 =	sshll.u32 s16, $0x4  }
0xdc: {  	v4 =	vmov s12;
	s25 =	sadd.s32 $0x80, s24  }
0xdd: {  	v4 =	vand.u32 $0x3C, v4;
	v5 =	vmov s25  }
0xde: {  	v4 =	vbroadcast v4, $0x0;
	v5 =	vshll.u32 v5, $0x6  }
0xdf: {  	v9 =	vor.u32 v0, v5  }
0xe0: {  	v7 =	vor.u32 v9, v4;
	_ =	sdelay $0x2  }
0xe1: {  	s30 =	simm.s32 $0x3  }
0xe2: {  	v4 =	vmov s30  }
0xe3: {  	s5 =	simm.s32 $0x2;
	v4 =	vand.u32 $0x3F, v4;
	v13 =	vld.idx.msk [tilespmem:v7+s17+$0x0], $0xffff  }
0xe4: {  	v5 =	vmov s5;
	v4 =	vbroadcast v4, $0x0;
	v11 =	vld.idx.msk [tilespmem:v7+s19+$0x0], $0xffff  }
0xe5: {  	v6 =	vand.u32 $0x3E, v5;
	v8 =	vld.idx.msk [tilespmem:v7+s21+$0x0], $0xffff  }
0xe6: {  	s30 =	simm.s32 $0x1;
	v5 =	vor.u32 v9, v4;
	v4 =	vbroadcast v6, $0x0;
	v6 =	vld.idx.msk [tilespmem:v7+s23+$0x0], $0xffff  }
0xe7: {  	v10 =	vmov s30;
	v21 =	vld.idx.msk [tilespmem:v7+s11+$0x0], $0xffff  }
0xe8: {  	v10 =	vand.u32 $0x3D, v10;
	v17 =	vld.idx.msk [tilespmem:v7+s13+$0x0], $0xffff  }
0xe9: {  	v18 =	vld.idx.msk [tilespmem:v7+s15+$0x0], $0xffff;
	v7 =	vbroadcast v10, $0x0;
	v4 =	vor.u32 v9, v4;
	_ =	sdelay $0x1  }
0xea: {  	v12 =	vor.u32 v9, v7;
	v22 =	vld.idx.msk [tilespmem:v5+s11+$0x0], $0xffff  }
0xeb: {  	v19 =	vld.idx.msk [tilespmem:v5+s13+$0x0], $0xffff  }
0xec: {  	v20 =	vimm.f32 $0.0e+00;
	v16 =	vimm.f32 $0.0e+00;
	v15 =	vld.idx.msk [tilespmem:v5+s15+$0x0], $0xffff  }
0xed: {  	s28 =	simm.s32 $0x4;
	v14 =	vimm.f32 $0.0e+00;
	v10 =	vimm.f32 $0.0e+00;
	v7 =	vimm.f32 $0.0e+00;
	v23 =	vld.idx.msk [tilespmem:v4+s11+$0x0], $0xffff  }
.LBB2_7:
0xee: {  	p0 =	sne.s32 s28, $0x3C;
	v24 =	vld.idx.msk [tilespmem:v4+s13+$0x0], $0xffff  }
0xef: {  	v25 =	vmov s28;
	s24 =	sadd.s32 $0x1, s28;
	s30 =	sadd.s32 $0x2, s28;
	s5 =	sadd.s32 $0x3, s28;
	v26 =	vld.idx.msk [tilespmem:v12+s11+$0x0], $0xffff  }
0xf0: {  	v27 =	vmov s24;
	v28 =	vmov s30;
	v29 =	vmov s5;
	v30 =	vld.idx.msk [tilespmem:v12+s13+$0x0], $0xffff  }
0xf1: {  	v25 =	vand.u32 $0x3C, v25;
	v28 =	vand.u32 $0x3E, v28;
	v29 =	vand.u32 $0x3F, v29;
	v31 =	vld.idx.msk [tilespmem:v4+s15+$0x0], $0xffff  }
0xf2: {  	v25 =	vbroadcast v25, $0x0;
	v27 =	vand.u32 $0x3D, v27;
	v29 =	vbroadcast v29, $0x0;
	v32 =	vld.idx.msk [tilespmem:v12+s15+$0x0], $0xffff  }
0xf3: {  	v27 =	vbroadcast v27, $0x0;
	v28 =	vbroadcast v28, $0x0;
	v33 =	vld.idx.msk [tilespmem:v5+s17+$0x0], $0xffff  }
0xf4: {  	v21 =	vmul.f32 v17, v21;
	v17 =	vmul.f32 v18, v17;
	v34 =	vld.idx.msk [tilespmem:v5+s19+$0x0], $0xffff  }
0xf5: {  	v22 =	vmul.f32 v19, v22;
	v19 =	vmul.f32 v15, v19;
	v35 =	vld.idx.msk [tilespmem:v4+s17+$0x0], $0xffff  }
0xf6: {  	v18 =	vmul.f32 v18, v21;
	v26 =	vmul.f32 v30, v26;
	v36 =	vld.idx.msk [tilespmem:v4+s19+$0x0], $0xffff  }
0xf7: {  	v23 =	vmul.f32 v24, v23;
	v24 =	vmul.f32 v31, v24;
	v37 =	vld.idx.msk [tilespmem:v12+s17+$0x0], $0xffff  }
0xf8: {  	v18 =	vadd.f32 v18, v20;
	v30 =	vmul.f32 v32, v30;
	v20 =	vmul.f32 v32, v26;
	v32 =	vld.idx.msk [tilespmem:v12+s19+$0x0], $0xffff  }
0xf9: {  	v38 =	vmul.f32 v13, v21;
	v11 =	vmul.f32 v11, v21;
	v25 =	vor.u32 v9, v25;
	v21 =	vld.idx.msk [tilespmem:v12+s21+$0x0], $0xffff  }
0xfa: {  	v8 =	vmul.f32 v8, v17;
	v13 =	vadd.f32 v20, v18;
	v18 =	vmul.f32 v31, v23;
	v12 =	vld.idx.msk [tilespmem:v12+s23+$0x0], $0xffff  }
0xfb: {  	v6 =	vmul.f32 v6, v17;
	v15 =	vmul.f32 v15, v22;
	v29 =	vor.u32 v9, v29;
	v17 =	vld.idx.msk [tilespmem:v4+s21+$0x0], $0xffff  }
0xfc: {  	v31 =	vmul.f32 v33, v22;
	v22 =	vmul.f32 v34, v22;
	v13 =	vadd.f32 v18, v13;
	v18 =	vld.idx.msk [tilespmem:v4+s23+$0x0], $0xffff  }
0xfd: {  	v4 =	vor.u32 v9, v28;
	v28 =	vmul.f32 v35, v23;
	v23 =	vmul.f32 v36, v23;
	v33 =	vld.idx.msk [tilespmem:v5+s21+$0x0], $0xffff  }
0xfe: {  	v34 =	vmul.f32 v37, v26;
	v26 =	vmul.f32 v32, v26;
	v20 =	vadd.f32 v15, v13;
	v5 =	vld.idx.msk [tilespmem:v5+s23+$0x0], $0xffff  }
0xff: {  	v14 =	vadd.f32 v11, v14;
	v15 =	vadd.f32 v38, v16;
	v16 =	vmul.f32 v21, v30;
	v13 =	vld.idx.msk [tilespmem:v25+s17+$0x0], $0xffff  }
0x100: {  	v10 =	vadd.f32 v8, v10;
	v7 =	vadd.f32 v6, v7;
	v12 =	vmul.f32 v12, v30;
	v11 =	vld.idx.msk [tilespmem:v25+s19+$0x0], $0xffff  }
0x101: {  	v15 =	vadd.f32 v34, v15;
	v14 =	vadd.f32 v26, v14;
	v26 =	vmul.f32 v17, v24;
	v8 =	vld.idx.msk [tilespmem:v25+s21+$0x0], $0xffff  }
0x102: {  	v10 =	vadd.f32 v16, v10;
	v7 =	vadd.f32 v12, v7;
	v12 =	vmul.f32 v18, v24;
	v6 =	vld.idx.msk [tilespmem:v25+s23+$0x0], $0xffff  }
0x103: {  	v15 =	vadd.f32 v28, v15;
	v14 =	vadd.f32 v23, v14;
	v23 =	vmul.f32 v33, v19;
	v21 =	vld.idx.msk [tilespmem:v25+s11+$0x0], $0xffff  }
0x104: {  	v10 =	vadd.f32 v26, v10;
	v7 =	vadd.f32 v12, v7;
	v19 =	vmul.f32 v5, v19;
	v17 =	vld.idx.msk [tilespmem:v25+s13+$0x0], $0xffff  }
.Ltmp2:
0x105: {  	v16 =	vadd.f32 v31, v15;
	v14 =	vadd.f32 v22, v14;
	v5 =	vmov v29;
	v18 =	vld.idx.msk [tilespmem:v25+s15+$0x0], $0xffff;
	(pc) =	sbr.rel @p0 .LBB2_7-.Ltmp2, $4  }
0x106: {  	v12 =	vor.u32 v9, v27;
	v10 =	vadd.f32 v23, v10;
	v7 =	vadd.f32 v19, v7;
	v22 =	vld.idx.msk [tilespmem:v29+s11+$0x0], $0xffff  }
0x107: {  	v19 =	vld.idx.msk [tilespmem:v29+s13+$0x0], $0xffff  }
0x108: {  	v15 =	vld.idx.msk [tilespmem:v29+s15+$0x0], $0xffff  }
0x109: {  	s28 =	sadd.s32 $0x4, s28;
	v23 =	vld.idx.msk [tilespmem:v4+s11+$0x0], $0xffff  }
0x10a: {  	_ =	sdelay $0x3  }
0x10b: {  	v9 =	vld.idx.msk [tilespmem:v12+s11+$0x0], $0xffff  }
0x10c: {  	v24 =	vld.idx.msk [tilespmem:v12+s13+$0x0], $0xffff  }
0x10d: {  	v25 =	vld.idx.msk [tilespmem:v4+s13+$0x0], $0xffff  }
0x10e: {  	v26 =	vld.idx.msk [tilespmem:v12+s15+$0x0], $0xffff  }
0x10f: {  	v21 =	vmul.f32 v17, v21  }
0x110: {  	v27 =	vld.idx.msk [tilespmem:v4+s15+$0x0], $0xffff  }
0x111: {  	v28 =	vmul.f32 v18, v21;
	v9 =	vmul.f32 v24, v9;
	_ =	sdelay $0x1  }
0x112: {  	v20 =	vadd.f32 v28, v20;
	v23 =	vmul.f32 v25, v23;
	v37 =	vmul.f32 v26, v9;
	_ =	sdelay $0x1  }
0x113: {  	v22 =	vmul.f32 v19, v22;
	v38 =	vmul.f32 v27, v23;
	v20 =	vadd.f32 v37, v20;
	_ =	sdelay $0x1  }
0x114: {  	v29 =	vmul.f32 v15, v22;
	v20 =	vadd.f32 v38, v20;
	_ =	sdelay $0x1  }
0x115: {  	v20 =	vadd.f32 v29, v20;
	_ =	sdelay $0x1  }
0x116: {  	v39 =	vsub.f32 $0.0e+00, v20;
	_ =	sdelay $0x1  }
0x117: {  	v40 =	vld.idx.msk [tilespmem:v12+s17+$0x0], $0xffff;
	v28 =	vmul.f32 $1.442695020e+00, v39;
	_ =	sdelay $0x1  }
0x118: {  	v30 =	vld.idx.msk [tilespmem:v4+s17+$0x0], $0xffff;
	(erf) = vpow2.f32 v28  }
0x119: {  	v13 =	vmul.f32 v13, v21  }
0x11a: {  	v41 =	vld.idx.msk [tilespmem:v5+s17+$0x0], $0xffff  }
0x11b: {  	v13 =	vadd.f32 v13, v16;
	v29 =	vmul.f32 v40, v9;
	_ =	sdelay $0x1  }
0x11c: {  	v42 =	vmul.f32 v30, v23;
	v13 =	vadd.f32 v29, v13;
	_ =	sdelay $0x1  }
0x11d: {  	v13 =	vadd.f32 v42, v13;
	v28 =	vmul.f32 v41, v22;
	_ =	sdelay $0x1  }
0x11e: {  	v13 =	vadd.f32 v28, v13;
	v43 =	vpop (erf)  }
0x11f: {  	v16 =	vadd.f32 $1.000000000e+00, v43  }
0x120: {  	v44 =	vld.idx.msk [tilespmem:v12+s19+$0x0], $0xffff;
	v13 =	vmul.f32 $1.442695020e+00, v13  }
0x121: {  	(erf) = vrcp.f32 v16  }
0x122: {  	v45 =	vld.idx.msk [tilespmem:v4+s19+$0x0], $0xffff;
	(erf) = vpow2.f32 v13  }
0x123: {  	v11 =	vmul.f32 v11, v21  }
0x124: {  	v46 =	vld.idx.msk [tilespmem:v5+s19+$0x0], $0xffff  }
0x125: {  	v11 =	vadd.f32 v11, v14;
	v9 =	vmul.f32 v44, v9;
	_ =	sdelay $0x1  }
0x126: {  	v47 =	vmul.f32 v45, v23;
	v9 =	vadd.f32 v9, v11;
	_ =	sdelay $0x1  }
0x127: {  	v48 =	vmul.f32 v46, v22;
	v9 =	vadd.f32 v47, v9  }
0x128: {  	v49 =	vpop (erf)  }
0x129: {  	v9 =	vadd.f32 v48, v9;
	v50 =	vpop (erf)  }
0x12a: {  	v11 =	vadd.f32 $1.000000000e+00, v50  }
0x12b: {  	v51 =	vld.idx.msk [tilespmem:v12+s21+$0x0], $0xffff;
	v9 =	vmul.f32 $1.442695020e+00, v9  }
0x12c: {  	v52 =	vmul.f32 v18, v17;
	(erf) = vrcp.f32 v11  }
0x12d: {  	v53 =	vld.idx.msk [tilespmem:v4+s21+$0x0], $0xffff;
	(erf) = vpow2.f32 v9  }
0x12e: {  	v8 =	vmul.f32 v8, v52;
	v54 =	vmul.f32 v26, v24  }
0x12f: {  	v55 =	vld.idx.msk [tilespmem:v5+s21+$0x0], $0xffff  }
0x130: {  	v8 =	vadd.f32 v8, v10;
	v56 =	vmul.f32 v27, v25;
	v14 =	vmul.f32 v51, v54;
	_ =	sdelay $0x1  }
0x131: {  	v57 =	vmul.f32 v15, v19;
	v8 =	vadd.f32 v14, v8;
	v11 =	vmul.f32 v53, v56;
	_ =	sdelay $0x1  }
0x132: {  	v58 =	vmul.f32 v55, v57;
	v8 =	vadd.f32 v11, v8  }
0x133: {  	v59 =	vpop (erf)  }
0x134: {  	v8 =	vadd.f32 v58, v8;
	v60 =	vpop (erf)  }
0x135: {  	v14 =	vadd.f32 $1.000000000e+00, v60  }
0x136: {  	v61 =	vld.idx.msk [tilespmem:v12+s23+$0x0], $0xffff;
	v8 =	vmul.f32 $1.442695020e+00, v8  }
0x137: {  	v4 =	vld.idx.msk [tilespmem:v4+s23+$0x0], $0xffff;
	(erf) = vrcp.f32 v14  }
0x138: {  	v5 =	vld.idx.msk [tilespmem:v5+s23+$0x0], $0xffff;
	(erf) = vpow2.f32 v8  }
0x139: {  	v6 =	vmul.f32 v6, v52;
	_ =	sdelay $0x1  }
0x13a: {  	v6 =	vadd.f32 v6, v7;
	v62 =	vmul.f32 v61, v54;
	_ =	sdelay $0x1  }
0x13b: {  	v5 =	vmul.f32 v5, v57;
	v4 =	vmul.f32 v4, v56;
	v6 =	vadd.f32 v62, v6;
	_ =	sdelay $0x1  }
0x13c: {  	v4 =	vadd.f32 v4, v6  }
0x13d: {  	v63 =	vpop (erf)  }
0x13e: {  	v4 =	vadd.f32 v5, v4;
	v5 =	vpop (erf)  }
0x13f: {  	v5 =	vadd.f32 $1.000000000e+00, v5  }
0x140: {  	v4 =	vmul.f32 $1.442695020e+00, v4  }
0x141: {  	(erf) = vrcp.f32 v5  }
0x142: {  	(erf) = vpow2.f32 v4;
	_ =	sdelay $0x7  }
0x143: {  	v4 =	vpop (erf)  }
0x144: {  	v5 =	vpop (erf)  }
0x145: {  	v5 =	vadd.f32 $1.000000000e+00, v5;
	_ =	sdelay $0x1  }
0x146: {  	(erf) = vrcp.f32 v5;
	_ =	sdelay $0x3  }
0x147: {  	s16 =	sadd.s32 $0x1, s16  }
0x148: {  	p0 =	sne.s32 s16, $0x8  }
.Ltmp3:
0x149: {  	_ = 	snop;
	(pc) =	sbr.rel @p0 .LBB2_6-.Ltmp3, $4  }
0x14a: {  	_ = 	snop  }
0x14b: {  	v3 =	vadd.f32 v59, v3;
	v2 =	vadd.f32 v4, v2  }
0x14c: {  	v1 =	vadd.f32 v49, v1;
	v4 =	vpop (erf)  }
0x14d: {  	[tilespmem:s25+$0x1CE00] =	vst v20;
	v3 =	vadd.f32 v63, v3;
	v2 =	vadd.f32 v4, v2  }
0x14e: {  	s5 =	simm.s32 $0x2E00;
	s12 =	simm.s32 $0x180  }
0x14f: {  	[tilespmem:s5], [sflag:$0x2] =	stream.indirect.gather [hbm4b:s3+s10], $0x40, s12, s10, $0xb8;
	[tilespmem:$0x1D030] =	vst v63  }
0x150: {  	s12 =	simm.s32 $0x380  }
0x151: {  	[tilespmem:s26], [sflag:$0x2] =	stream.indirect.gather [hbm4b:s4+s10], $0x40, s12, s10, $0xb8;
	[tilespmem:$0x1D030] =	vst v63  }
0x152: {  	s16 =	simm.s32 $0x580  }
0x153: {  	[tilespmem:s29], [sflag:$0x2] =	stream.indirect.gather [hbm4b:s3+s10], $0x40, s16, s10, $0xb8;
	[tilespmem:$0x1D030] =	vst v63  }
0x154: {  	s24 =	simm.s32 $0x780  }
0x155: {  	[tilespmem:s31], [sflag:$0x2] =	stream.indirect.gather [hbm4b:s3+s10], $0x40, s24, s10, $0xb8;
	[tilespmem:$0x1D030] =	vst v63  }
0x156: {  	s25 =	simm.s32 $0x980  }
0x157: {  	[tilespmem:s0], [sflag:$0x2] =	stream.indirect.gather [hbm4b:s3+s10], $0x40, s25, s10, $0xb8;
	[tilespmem:$0x1D030] =	vst v63  }
0x158: {  	s28 =	simm.s32 $0xB80  }
0x159: {  	[tilespmem:s14], [sflag:$0x2] =	stream.indirect.gather [hbm4b:s3+s10], $0x40, s28, s10, $0xb8;
	[tilespmem:$0x1D030] =	vst v63  }
0x15a: {  	s30 =	simm.s32 $0xD80  }
0x15b: {  	[tilespmem:s18], [sflag:$0x2] =	stream.indirect.gather [hbm4b:s3+s10], $0x40, s30, s10, $0xb8;
	[tilespmem:$0x1D030] =	vst v63  }
0x15c: {  	_ =	swait.ge [sflag:s20], $0x2000  }
0x15d: {  	[sflag:s20] =	ssyncset.done $0x0  }
0x15e: {  	[sflag:s20] =	ssyncadd.s32 $0xFFFFE000  }
0x15f: {  	_ =	swait.ge [sflag:s20], $0x2000  }
0x160: {  	[sflag:s20] =	ssyncset.done $0x0  }
0x161: {  	[sflag:s20] =	ssyncadd.s32 $0xFFFFE000  }
0x162: {  	_ =	swait.ge [sflag:s20], $0x2000  }
0x163: {  	[sflag:s20] =	ssyncset.done $0x0  }
0x164: {  	[sflag:s20] =	ssyncadd.s32 $0xFFFFE000  }
0x165: {  	_ =	swait.ge [sflag:s20], $0x2000  }
0x166: {  	[sflag:s20] =	ssyncset.done $0x0  }
0x167: {  	[sflag:s20] =	ssyncadd.s32 $0xFFFFE000  }
0x168: {  	_ =	swait.ge [sflag:s20], $0x2000  }
0x169: {  	[sflag:s20] =	ssyncset.done $0x0  }
0x16a: {  	[sflag:s20] =	ssyncadd.s32 $0xFFFFE000  }
0x16b: {  	_ =	swait.ge [sflag:s20], $0x2000  }
0x16c: {  	[sflag:s20] =	ssyncset.done $0x0  }
0x16d: {  	[sflag:s20] =	ssyncadd.s32 $0xFFFFE000  }
0x16e: {  	_ =	swait.ge [sflag:s20], $0x2000  }
0x16f: {  	[sflag:s20] =	ssyncset.done $0x0  }
0x170: {  	s12 =	simm.s32 $0x0;
	s16 =	simm.s32 $0x0;
	[sflag:s20] =	ssyncadd.s32 $0xFFFFE000  }
.LBB2_10:
0x171: {  	s25 =	sshll.u32 s16, $0x4;
	v4 =	vmov s12  }
0x172: {  	v5 =	vmov s25;
	v4 =	vand.u32 $0x3C, v4  }
0x173: {  	v5 =	vshll.u32 v5, $0x6;
	v4 =	vbroadcast v4, $0x0  }
0x174: {  	v9 =	vor.u32 v0, v5  }
0x175: {  	v7 =	vor.u32 v9, v4;
	_ =	sdelay $0x2  }
0x176: {  	s5 =	simm.s32 $0x3  }
0x177: {  	v4 =	vmov s5  }
0x178: {  	s24 =	simm.s32 $0x2;
	v4 =	vand.u32 $0x3F, v4;
	v13 =	vld.idx.msk [tilespmem:v7+s17+$0x0], $0xffff  }
0x179: {  	v5 =	vmov s24;
	v4 =	vbroadcast v4, $0x0;
	v11 =	vld.idx.msk [tilespmem:v7+s19+$0x0], $0xffff  }
0x17a: {  	v6 =	vand.u32 $0x3E, v5;
	v8 =	vld.idx.msk [tilespmem:v7+s21+$0x0], $0xffff  }
0x17b: {  	s30 =	simm.s32 $0x1;
	v5 =	vor.u32 v9, v4;
	v4 =	vbroadcast v6, $0x0;
	v6 =	vld.idx.msk [tilespmem:v7+s23+$0x0], $0xffff  }
0x17c: {  	v10 =	vmov s30;
	v21 =	vld.idx.msk [tilespmem:v7+s11+$0x0], $0xffff  }
0x17d: {  	v10 =	vand.u32 $0x3D, v10;
	v17 =	vld.idx.msk [tilespmem:v7+s13+$0x0], $0xffff  }
0x17e: {  	v18 =	vld.idx.msk [tilespmem:v7+s15+$0x0], $0xffff;
	v7 =	vbroadcast v10, $0x0;
	v4 =	vor.u32 v9, v4;
	_ =	sdelay $0x1  }
0x17f: {  	v12 =	vor.u32 v9, v7;
	v22 =	vld.idx.msk [tilespmem:v5+s11+$0x0], $0xffff  }
0x180: {  	v19 =	vld.idx.msk [tilespmem:v5+s13+$0x0], $0xffff  }
0x181: {  	v20 =	vimm.f32 $0.0e+00;
	v16 =	vimm.f32 $0.0e+00;
	v15 =	vld.idx.msk [tilespmem:v5+s15+$0x0], $0xffff  }
0x182: {  	s28 =	simm.s32 $0x4;
	v14 =	vimm.f32 $0.0e+00;
	v10 =	vimm.f32 $0.0e+00;
	v7 =	vimm.f32 $0.0e+00;
	v23 =	vld.idx.msk [tilespmem:v4+s11+$0x0], $0xffff  }
.LBB2_11:
0x183: {  	p0 =	sne.s32 s28, $0x3C;
	v24 =	vld.idx.msk [tilespmem:v4+s13+$0x0], $0xffff  }
0x184: {  	v25 =	vmov s28;
	s5 =	sadd.s32 $0x1, s28;
	s24 =	sadd.s32 $0x2, s28;
	s30 =	sadd.s32 $0x3, s28;
	v26 =	vld.idx.msk [tilespmem:v12+s11+$0x0], $0xffff  }
0x185: {  	v27 =	vmov s5;
	v28 =	vmov s24;
	v29 =	vmov s30;
	v30 =	vld.idx.msk [tilespmem:v12+s13+$0x0], $0xffff  }
0x186: {  	v25 =	vand.u32 $0x3C, v25;
	v28 =	vand.u32 $0x3E, v28;
	v29 =	vand.u32 $0x3F, v29;
	v31 =	vld.idx.msk [tilespmem:v4+s15+$0x0], $0xffff  }
0x187: {  	v25 =	vbroadcast v25, $0x0;
	v27 =	vand.u32 $0x3D, v27;
	v29 =	vbroadcast v29, $0x0;
	v32 =	vld.idx.msk [tilespmem:v12+s15+$0x0], $0xffff  }
0x188: {  	v27 =	vbroadcast v27, $0x0;
	v28 =	vbroadcast v28, $0x0;
	v33 =	vld.idx.msk [tilespmem:v5+s17+$0x0], $0xffff  }
0x189: {  	v21 =	vmul.f32 v17, v21;
	v17 =	vmul.f32 v18, v17;
	v34 =	vld.idx.msk [tilespmem:v5+s19+$0x0], $0xffff  }
0x18a: {  	v22 =	vmul.f32 v19, v22;
	v19 =	vmul.f32 v15, v19;
	v35 =	vld.idx.msk [tilespmem:v4+s17+$0x0], $0xffff  }
0x18b: {  	v18 =	vmul.f32 v18, v21;
	v26 =	vmul.f32 v30, v26;
	v36 =	vld.idx.msk [tilespmem:v4+s19+$0x0], $0xffff  }
0x18c: {  	v23 =	vmul.f32 v24, v23;
	v24 =	vmul.f32 v31, v24;
	v37 =	vld.idx.msk [tilespmem:v12+s17+$0x0], $0xffff  }
0x18d: {  	v18 =	vadd.f32 v18, v20;
	v30 =	vmul.f32 v32, v30;
	v20 =	vmul.f32 v32, v26;
	v32 =	vld.idx.msk [tilespmem:v12+s19+$0x0], $0xffff  }
0x18e: {  	v38 =	vmul.f32 v13, v21;
	v11 =	vmul.f32 v11, v21;
	v25 =	vor.u32 v9, v25;
	v21 =	vld.idx.msk [tilespmem:v12+s21+$0x0], $0xffff  }
0x18f: {  	v8 =	vmul.f32 v8, v17;
	v13 =	vadd.f32 v20, v18;
	v18 =	vmul.f32 v31, v23;
	v12 =	vld.idx.msk [tilespmem:v12+s23+$0x0], $0xffff  }
0x190: {  	v6 =	vmul.f32 v6, v17;
	v15 =	vmul.f32 v15, v22;
	v29 =	vor.u32 v9, v29;
	v17 =	vld.idx.msk [tilespmem:v4+s21+$0x0], $0xffff  }
0x191: {  	v31 =	vmul.f32 v33, v22;
	v22 =	vmul.f32 v34, v22;
	v13 =	vadd.f32 v18, v13;
	v18 =	vld.idx.msk [tilespmem:v4+s23+$0x0], $0xffff  }
0x192: {  	v4 =	vor.u32 v9, v28;
	v28 =	vmul.f32 v35, v23;
	v23 =	vmul.f32 v36, v23;
	v33 =	vld.idx.msk [tilespmem:v5+s21+$0x0], $0xffff  }
0x193: {  	v34 =	vmul.f32 v37, v26;
	v26 =	vmul.f32 v32, v26;
	v20 =	vadd.f32 v15, v13;
	v5 =	vld.idx.msk [tilespmem:v5+s23+$0x0], $0xffff  }
0x194: {  	v14 =	vadd.f32 v11, v14;
	v15 =	vadd.f32 v38, v16;
	v16 =	vmul.f32 v21, v30;
	v13 =	vld.idx.msk [tilespmem:v25+s17+$0x0], $0xffff  }
0x195: {  	v10 =	vadd.f32 v8, v10;
	v7 =	vadd.f32 v6, v7;
	v12 =	vmul.f32 v12, v30;
	v11 =	vld.idx.msk [tilespmem:v25+s19+$0x0], $0xffff  }
0x196: {  	v15 =	vadd.f32 v34, v15;
	v14 =	vadd.f32 v26, v14;
	v26 =	vmul.f32 v17, v24;
	v8 =	vld.idx.msk [tilespmem:v25+s21+$0x0], $0xffff  }
0x197: {  	v10 =	vadd.f32 v16, v10;
	v7 =	vadd.f32 v12, v7;
	v12 =	vmul.f32 v18, v24;
	v6 =	vld.idx.msk [tilespmem:v25+s23+$0x0], $0xffff  }
0x198: {  	v15 =	vadd.f32 v28, v15;
	v14 =	vadd.f32 v23, v14;
	v23 =	vmul.f32 v33, v19;
	v21 =	vld.idx.msk [tilespmem:v25+s11+$0x0], $0xffff  }
0x199: {  	v10 =	vadd.f32 v26, v10;
	v7 =	vadd.f32 v12, v7;
	v19 =	vmul.f32 v5, v19;
	v17 =	vld.idx.msk [tilespmem:v25+s13+$0x0], $0xffff  }
.Ltmp4:
0x19a: {  	v16 =	vadd.f32 v31, v15;
	v14 =	vadd.f32 v22, v14;
	v5 =	vmov v29;
	v18 =	vld.idx.msk [tilespmem:v25+s15+$0x0], $0xffff;
	(pc) =	sbr.rel @p0 .LBB2_11-.Ltmp4, $4  }
0x19b: {  	v12 =	vor.u32 v9, v27;
	v10 =	vadd.f32 v23, v10;
	v7 =	vadd.f32 v19, v7;
	v22 =	vld.idx.msk [tilespmem:v29+s11+$0x0], $0xffff  }
0x19c: {  	v19 =	vld.idx.msk [tilespmem:v29+s13+$0x0], $0xffff  }
0x19d: {  	v15 =	vld.idx.msk [tilespmem:v29+s15+$0x0], $0xffff  }
0x19e: {  	s28 =	sadd.s32 $0x4, s28;
	v23 =	vld.idx.msk [tilespmem:v4+s11+$0x0], $0xffff  }
0x19f: {  	_ =	sdelay $0x3  }
0x1a0: {  	v9 =	vld.idx.msk [tilespmem:v12+s11+$0x0], $0xffff  }
0x1a1: {  	v24 =	vld.idx.msk [tilespmem:v12+s13+$0x0], $0xffff  }
0x1a2: {  	v25 =	vld.idx.msk [tilespmem:v4+s13+$0x0], $0xffff  }
0x1a3: {  	v26 =	vld.idx.msk [tilespmem:v12+s15+$0x0], $0xffff  }
0x1a4: {  	v21 =	vmul.f32 v17, v21  }
0x1a5: {  	v27 =	vld.idx.msk [tilespmem:v4+s15+$0x0], $0xffff  }
0x1a6: {  	v28 =	vmul.f32 v18, v21;
	v9 =	vmul.f32 v24, v9;
	_ =	sdelay $0x1  }
0x1a7: {  	v20 =	vadd.f32 v28, v20;
	v23 =	vmul.f32 v25, v23;
	v37 =	vmul.f32 v26, v9;
	_ =	sdelay $0x1  }
0x1a8: {  	v22 =	vmul.f32 v19, v22;
	v38 =	vmul.f32 v27, v23;
	v20 =	vadd.f32 v37, v20;
	_ =	sdelay $0x1  }
0x1a9: {  	v29 =	vmul.f32 v15, v22;
	v20 =	vadd.f32 v38, v20;
	_ =	sdelay $0x1  }
0x1aa: {  	v20 =	vadd.f32 v29, v20;
	_ =	sdelay $0x1  }
0x1ab: {  	v39 =	vsub.f32 $0.0e+00, v20;
	_ =	sdelay $0x1  }
0x1ac: {  	v40 =	vld.idx.msk [tilespmem:v12+s17+$0x0], $0xffff;
	v28 =	vmul.f32 $1.442695020e+00, v39;
	_ =	sdelay $0x1  }
0x1ad: {  	v30 =	vld.idx.msk [tilespmem:v4+s17+$0x0], $0xffff;
	(erf) = vpow2.f32 v28  }
0x1ae: {  	v13 =	vmul.f32 v13, v21  }
0x1af: {  	v41 =	vld.idx.msk [tilespmem:v5+s17+$0x0], $0xffff  }
0x1b0: {  	v13 =	vadd.f32 v13, v16;
	v29 =	vmul.f32 v40, v9;
	_ =	sdelay $0x1  }
0x1b1: {  	v42 =	vmul.f32 v30, v23;
	v13 =	vadd.f32 v29, v13;
	_ =	sdelay $0x1  }
0x1b2: {  	v13 =	vadd.f32 v42, v13;
	v28 =	vmul.f32 v41, v22;
	_ =	sdelay $0x1  }
0x1b3: {  	v13 =	vadd.f32 v28, v13;
	v43 =	vpop (erf)  }
0x1b4: {  	v16 =	vadd.f32 $1.000000000e+00, v43  }
0x1b5: {  	v44 =	vld.idx.msk [tilespmem:v12+s19+$0x0], $0xffff;
	v13 =	vmul.f32 $1.442695020e+00, v13  }
0x1b6: {  	(erf) = vrcp.f32 v16  }
0x1b7: {  	v45 =	vld.idx.msk [tilespmem:v4+s19+$0x0], $0xffff;
	(erf) = vpow2.f32 v13  }
0x1b8: {  	v11 =	vmul.f32 v11, v21  }
0x1b9: {  	v46 =	vld.idx.msk [tilespmem:v5+s19+$0x0], $0xffff  }
0x1ba: {  	v11 =	vadd.f32 v11, v14;
	v9 =	vmul.f32 v44, v9;
	_ =	sdelay $0x1  }
0x1bb: {  	v47 =	vmul.f32 v45, v23;
	v9 =	vadd.f32 v9, v11;
	_ =	sdelay $0x1  }
0x1bc: {  	v48 =	vmul.f32 v46, v22;
	v9 =	vadd.f32 v47, v9  }
0x1bd: {  	v49 =	vpop (erf)  }
0x1be: {  	v9 =	vadd.f32 v48, v9;
	v50 =	vpop (erf)  }
0x1bf: {  	v11 =	vadd.f32 $1.000000000e+00, v50  }
0x1c0: {  	v51 =	vld.idx.msk [tilespmem:v12+s21+$0x0], $0xffff;
	v9 =	vmul.f32 $1.442695020e+00, v9  }
0x1c1: {  	v52 =	vmul.f32 v18, v17;
	(erf) = vrcp.f32 v11  }
0x1c2: {  	v53 =	vld.idx.msk [tilespmem:v4+s21+$0x0], $0xffff;
	(erf) = vpow2.f32 v9  }
0x1c3: {  	v8 =	vmul.f32 v8, v52;
	v54 =	vmul.f32 v26, v24  }
0x1c4: {  	v55 =	vld.idx.msk [tilespmem:v5+s21+$0x0], $0xffff  }
0x1c5: {  	v8 =	vadd.f32 v8, v10;
	v56 =	vmul.f32 v27, v25;
	v14 =	vmul.f32 v51, v54;
	_ =	sdelay $0x1  }
0x1c6: {  	v57 =	vmul.f32 v15, v19;
	v8 =	vadd.f32 v14, v8;
	v11 =	vmul.f32 v53, v56;
	_ =	sdelay $0x1  }
0x1c7: {  	v58 =	vmul.f32 v55, v57;
	v8 =	vadd.f32 v11, v8  }
0x1c8: {  	v59 =	vpop (erf)  }
0x1c9: {  	v8 =	vadd.f32 v58, v8;
	v60 =	vpop (erf)  }
0x1ca: {  	v14 =	vadd.f32 $1.000000000e+00, v60  }
0x1cb: {  	v61 =	vld.idx.msk [tilespmem:v12+s23+$0x0], $0xffff;
	v8 =	vmul.f32 $1.442695020e+00, v8  }
0x1cc: {  	v4 =	vld.idx.msk [tilespmem:v4+s23+$0x0], $0xffff;
	(erf) = vrcp.f32 v14  }
0x1cd: {  	v5 =	vld.idx.msk [tilespmem:v5+s23+$0x0], $0xffff;
	(erf) = vpow2.f32 v8  }
0x1ce: {  	v6 =	vmul.f32 v6, v52;
	_ =	sdelay $0x1  }
0x1cf: {  	v6 =	vadd.f32 v6, v7;
	v62 =	vmul.f32 v61, v54;
	_ =	sdelay $0x1  }
0x1d0: {  	v5 =	vmul.f32 v5, v57;
	v4 =	vmul.f32 v4, v56;
	v6 =	vadd.f32 v62, v6;
	_ =	sdelay $0x1  }
0x1d1: {  	v4 =	vadd.f32 v4, v6  }
0x1d2: {  	v63 =	vpop (erf)  }
0x1d3: {  	v4 =	vadd.f32 v5, v4;
	v5 =	vpop (erf)  }
0x1d4: {  	v5 =	vadd.f32 $1.000000000e+00, v5  }
0x1d5: {  	v4 =	vmul.f32 $1.442695020e+00, v4  }
0x1d6: {  	(erf) = vrcp.f32 v5  }
0x1d7: {  	(erf) = vpow2.f32 v4;
	_ =	sdelay $0x7  }
0x1d8: {  	v4 =	vpop (erf)  }
0x1d9: {  	v5 =	vpop (erf)  }
0x1da: {  	v5 =	vadd.f32 $1.000000000e+00, v5;
	_ =	sdelay $0x1  }
0x1db: {  	(erf) = vrcp.f32 v5;
	_ =	sdelay $0x3  }
0x1dc: {  	s16 =	sadd.s32 $0x1, s16  }
0x1dd: {  	p0 =	sne.s32 s16, $0x8  }
.Ltmp5:
0x1de: {  	_ = 	snop;
	(pc) =	sbr.rel @p0 .LBB2_10-.Ltmp5, $4  }
0x1df: {  	_ = 	snop  }
0x1e0: {  	v3 =	vadd.f32 v59, v3;
	v2 =	vadd.f32 v4, v2  }
0x1e1: {  	v1 =	vadd.f32 v49, v1;
	v4 =	vpop (erf)  }
0x1e2: {  	[tilespmem:s25+$0x1CF00] =	vst v20;
	v3 =	vadd.f32 v63, v3;
	v2 =	vadd.f32 v4, v2  }
0x1e3: {  	_ =	swait.ge [sflag:s22], $0x2000  }
0x1e4: {  	[sflag:s22] =	ssyncset.done $0x0  }
0x1e5: {  	[sflag:s22] =	ssyncadd.s32 $0xFFFFE000  }
0x1e6: {  	_ =	swait.ge [sflag:s22], $0x2000  }
0x1e7: {  	[sflag:s22] =	ssyncset.done $0x0  }
0x1e8: {  	[sflag:s22] =	ssyncadd.s32 $0xFFFFE000  }
0x1e9: {  	_ =	swait.ge [sflag:s22], $0x2000  }
0x1ea: {  	[sflag:s22] =	ssyncset.done $0x0  }
0x1eb: {  	[sflag:s22] =	ssyncadd.s32 $0xFFFFE000  }
0x1ec: {  	_ =	swait.ge [sflag:s22], $0x2000  }
0x1ed: {  	[sflag:s22] =	ssyncset.done $0x0  }
0x1ee: {  	[sflag:s22] =	ssyncadd.s32 $0xFFFFE000  }
0x1ef: {  	_ =	swait.ge [sflag:s22], $0x2000  }
0x1f0: {  	[sflag:s22] =	ssyncset.done $0x0  }
0x1f1: {  	[sflag:s22] =	ssyncadd.s32 $0xFFFFE000  }
0x1f2: {  	_ =	swait.ge [sflag:s22], $0x2000  }
0x1f3: {  	[sflag:s22] =	ssyncset.done $0x0  }
0x1f4: {  	[sflag:s22] =	ssyncadd.s32 $0xFFFFE000  }
0x1f5: {  	_ =	swait.ge [sflag:s22], $0x2000  }
0x1f6: {  	[sflag:s22] =	ssyncset.done $0x0  }
0x1f7: {  	s12 =	simm.s32 $0x0;
	s16 =	simm.s32 $0x0;
	[sflag:s22] =	ssyncadd.s32 $0xFFFFE000  }
.LBB2_14:
0x1f8: {  	s25 =	sshll.u32 s16, $0x4  }
0x1f9: {  	v4 =	vmov s12;
	s5 =	sor.u32 $0x80, s25  }
0x1fa: {  	v4 =	vand.u32 $0x3C, v4;
	v5 =	vmov s5  }
0x1fb: {  	v4 =	vbroadcast v4, $0x0;
	v5 =	vshll.u32 v5, $0x6  }
0x1fc: {  	v9 =	vor.u32 v0, v5  }
0x1fd: {  	v7 =	vor.u32 v9, v4;
	_ =	sdelay $0x2  }
0x1fe: {  	s30 =	simm.s32 $0x3  }
0x1ff: {  	v4 =	vmov s30  }
0x200: {  	s24 =	simm.s32 $0x2;
	v4 =	vand.u32 $0x3F, v4;
	v13 =	vld.idx.msk [tilespmem:v7+s17+$0x0], $0xffff  }
0x201: {  	v5 =	vmov s24;
	v4 =	vbroadcast v4, $0x0;
	v11 =	vld.idx.msk [tilespmem:v7+s19+$0x0], $0xffff  }
0x202: {  	v6 =	vand.u32 $0x3E, v5;
	v8 =	vld.idx.msk [tilespmem:v7+s21+$0x0], $0xffff  }
0x203: {  	s30 =	simm.s32 $0x1;
	v5 =	vor.u32 v9, v4;
	v4 =	vbroadcast v6, $0x0;
	v6 =	vld.idx.msk [tilespmem:v7+s23+$0x0], $0xffff  }
0x204: {  	v10 =	vmov s30;
	v21 =	vld.idx.msk [tilespmem:v7+s11+$0x0], $0xffff  }
0x205: {  	v10 =	vand.u32 $0x3D, v10;
	v17 =	vld.idx.msk [tilespmem:v7+s13+$0x0], $0xffff  }
0x206: {  	v18 =	vld.idx.msk [tilespmem:v7+s15+$0x0], $0xffff;
	v7 =	vbroadcast v10, $0x0;
	v4 =	vor.u32 v9, v4;
	_ =	sdelay $0x1  }
0x207: {  	v12 =	vor.u32 v9, v7;
	v22 =	vld.idx.msk [tilespmem:v5+s11+$0x0], $0xffff  }
0x208: {  	v19 =	vld.idx.msk [tilespmem:v5+s13+$0x0], $0xffff  }
0x209: {  	v20 =	vimm.f32 $0.0e+00;
	v16 =	vimm.f32 $0.0e+00;
	v15 =	vld.idx.msk [tilespmem:v5+s15+$0x0], $0xffff  }
0x20a: {  	s28 =	simm.s32 $0x4;
	v14 =	vimm.f32 $0.0e+00;
	v10 =	vimm.f32 $0.0e+00;
	v7 =	vimm.f32 $0.0e+00;
	v23 =	vld.idx.msk [tilespmem:v4+s11+$0x0], $0xffff  }
.LBB2_15:
0x20b: {  	p0 =	sne.s32 s28, $0x3C;
	v24 =	vld.idx.msk [tilespmem:v4+s13+$0x0], $0xffff  }
0x20c: {  	v25 =	vmov s28;
	s5 =	sadd.s32 $0x1, s28;
	s24 =	sadd.s32 $0x2, s28;
	s30 =	sadd.s32 $0x3, s28;
	v26 =	vld.idx.msk [tilespmem:v12+s11+$0x0], $0xffff  }
0x20d: {  	v27 =	vmov s5;
	v28 =	vmov s24;
	v29 =	vmov s30;
	v30 =	vld.idx.msk [tilespmem:v12+s13+$0x0], $0xffff  }
0x20e: {  	v25 =	vand.u32 $0x3C, v25;
	v28 =	vand.u32 $0x3E, v28;
	v29 =	vand.u32 $0x3F, v29;
	v31 =	vld.idx.msk [tilespmem:v4+s15+$0x0], $0xffff  }
0x20f: {  	v25 =	vbroadcast v25, $0x0;
	v27 =	vand.u32 $0x3D, v27;
	v29 =	vbroadcast v29, $0x0;
	v32 =	vld.idx.msk [tilespmem:v12+s15+$0x0], $0xffff  }
0x210: {  	v27 =	vbroadcast v27, $0x0;
	v28 =	vbroadcast v28, $0x0;
	v33 =	vld.idx.msk [tilespmem:v5+s17+$0x0], $0xffff  }
0x211: {  	v21 =	vmul.f32 v17, v21;
	v17 =	vmul.f32 v18, v17;
	v34 =	vld.idx.msk [tilespmem:v5+s19+$0x0], $0xffff  }
0x212: {  	v22 =	vmul.f32 v19, v22;
	v19 =	vmul.f32 v15, v19;
	v35 =	vld.idx.msk [tilespmem:v4+s17+$0x0], $0xffff  }
0x213: {  	v18 =	vmul.f32 v18, v21;
	v26 =	vmul.f32 v30, v26;
	v36 =	vld.idx.msk [tilespmem:v4+s19+$0x0], $0xffff  }
0x214: {  	v23 =	vmul.f32 v24, v23;
	v24 =	vmul.f32 v31, v24;
	v37 =	vld.idx.msk [tilespmem:v12+s17+$0x0], $0xffff  }
0x215: {  	v18 =	vadd.f32 v18, v20;
	v30 =	vmul.f32 v32, v30;
	v20 =	vmul.f32 v32, v26;
	v32 =	vld.idx.msk [tilespmem:v12+s19+$0x0], $0xffff  }
0x216: {  	v38 =	vmul.f32 v13, v21;
	v11 =	vmul.f32 v11, v21;
	v25 =	vor.u32 v9, v25;
	v21 =	vld.idx.msk [tilespmem:v12+s21+$0x0], $0xffff  }
0x217: {  	v8 =	vmul.f32 v8, v17;
	v13 =	vadd.f32 v20, v18;
	v18 =	vmul.f32 v31, v23;
	v12 =	vld.idx.msk [tilespmem:v12+s23+$0x0], $0xffff  }
0x218: {  	v6 =	vmul.f32 v6, v17;
	v15 =	vmul.f32 v15, v22;
	v29 =	vor.u32 v9, v29;
	v17 =	vld.idx.msk [tilespmem:v4+s21+$0x0], $0xffff  }
0x219: {  	v31 =	vmul.f32 v33, v22;
	v22 =	vmul.f32 v34, v22;
	v13 =	vadd.f32 v18, v13;
	v18 =	vld.idx.msk [tilespmem:v4+s23+$0x0], $0xffff  }
0x21a: {  	v4 =	vor.u32 v9, v28;
	v28 =	vmul.f32 v35, v23;
	v23 =	vmul.f32 v36, v23;
	v33 =	vld.idx.msk [tilespmem:v5+s21+$0x0], $0xffff  }
0x21b: {  	v34 =	vmul.f32 v37, v26;
	v26 =	vmul.f32 v32, v26;
	v20 =	vadd.f32 v15, v13;
	v5 =	vld.idx.msk [tilespmem:v5+s23+$0x0], $0xffff  }
0x21c: {  	v14 =	vadd.f32 v11, v14;
	v15 =	vadd.f32 v38, v16;
	v16 =	vmul.f32 v21, v30;
	v13 =	vld.idx.msk [tilespmem:v25+s17+$0x0], $0xffff  }
0x21d: {  	v10 =	vadd.f32 v8, v10;
	v7 =	vadd.f32 v6, v7;
	v12 =	vmul.f32 v12, v30;
	v11 =	vld.idx.msk [tilespmem:v25+s19+$0x0], $0xffff  }
0x21e: {  	v15 =	vadd.f32 v34, v15;
	v14 =	vadd.f32 v26, v14;
	v26 =	vmul.f32 v17, v24;
	v8 =	vld.idx.msk [tilespmem:v25+s21+$0x0], $0xffff  }
0x21f: {  	v10 =	vadd.f32 v16, v10;
	v7 =	vadd.f32 v12, v7;
	v12 =	vmul.f32 v18, v24;
	v6 =	vld.idx.msk [tilespmem:v25+s23+$0x0], $0xffff  }
0x220: {  	v15 =	vadd.f32 v28, v15;
	v14 =	vadd.f32 v23, v14;
	v23 =	vmul.f32 v33, v19;
	v21 =	vld.idx.msk [tilespmem:v25+s11+$0x0], $0xffff  }
0x221: {  	v10 =	vadd.f32 v26, v10;
	v7 =	vadd.f32 v12, v7;
	v19 =	vmul.f32 v5, v19;
	v17 =	vld.idx.msk [tilespmem:v25+s13+$0x0], $0xffff  }
.Ltmp6:
0x222: {  	v16 =	vadd.f32 v31, v15;
	v14 =	vadd.f32 v22, v14;
	v5 =	vmov v29;
	v18 =	vld.idx.msk [tilespmem:v25+s15+$0x0], $0xffff;
	(pc) =	sbr.rel @p0 .LBB2_15-.Ltmp6, $4  }
0x223: {  	v12 =	vor.u32 v9, v27;
	v10 =	vadd.f32 v23, v10;
	v7 =	vadd.f32 v19, v7;
	v22 =	vld.idx.msk [tilespmem:v29+s11+$0x0], $0xffff  }
0x224: {  	v19 =	vld.idx.msk [tilespmem:v29+s13+$0x0], $0xffff  }
0x225: {  	v15 =	vld.idx.msk [tilespmem:v29+s15+$0x0], $0xffff  }
0x226: {  	s28 =	sadd.s32 $0x4, s28;
	v23 =	vld.idx.msk [tilespmem:v4+s11+$0x0], $0xffff  }
0x227: {  	_ =	sdelay $0x3  }
0x228: {  	v9 =	vld.idx.msk [tilespmem:v12+s11+$0x0], $0xffff  }
0x229: {  	v24 =	vld.idx.msk [tilespmem:v12+s13+$0x0], $0xffff  }
0x22a: {  	v25 =	vld.idx.msk [tilespmem:v4+s13+$0x0], $0xffff  }
0x22b: {  	v26 =	vld.idx.msk [tilespmem:v12+s15+$0x0], $0xffff  }
0x22c: {  	v21 =	vmul.f32 v17, v21  }
0x22d: {  	v27 =	vld.idx.msk [tilespmem:v4+s15+$0x0], $0xffff  }
0x22e: {  	v28 =	vmul.f32 v18, v21;
	v9 =	vmul.f32 v24, v9;
	_ =	sdelay $0x1  }
0x22f: {  	v20 =	vadd.f32 v28, v20;
	v23 =	vmul.f32 v25, v23;
	v37 =	vmul.f32 v26, v9;
	_ =	sdelay $0x1  }
0x230: {  	v22 =	vmul.f32 v19, v22;
	v38 =	vmul.f32 v27, v23;
	v20 =	vadd.f32 v37, v20;
	_ =	sdelay $0x1  }
0x231: {  	v29 =	vmul.f32 v15, v22;
	v20 =	vadd.f32 v38, v20;
	_ =	sdelay $0x1  }
0x232: {  	v20 =	vadd.f32 v29, v20;
	_ =	sdelay $0x1  }
0x233: {  	v39 =	vsub.f32 $0.0e+00, v20;
	_ =	sdelay $0x1  }
0x234: {  	v40 =	vld.idx.msk [tilespmem:v12+s17+$0x0], $0xffff;
	v28 =	vmul.f32 $1.442695020e+00, v39;
	_ =	sdelay $0x1  }
0x235: {  	v30 =	vld.idx.msk [tilespmem:v4+s17+$0x0], $0xffff;
	(erf) = vpow2.f32 v28  }
0x236: {  	v13 =	vmul.f32 v13, v21  }
0x237: {  	v41 =	vld.idx.msk [tilespmem:v5+s17+$0x0], $0xffff  }
0x238: {  	v13 =	vadd.f32 v13, v16;
	v29 =	vmul.f32 v40, v9;
	_ =	sdelay $0x1  }
0x239: {  	v42 =	vmul.f32 v30, v23;
	v13 =	vadd.f32 v29, v13;
	_ =	sdelay $0x1  }
0x23a: {  	v13 =	vadd.f32 v42, v13;
	v28 =	vmul.f32 v41, v22;
	_ =	sdelay $0x1  }
0x23b: {  	v13 =	vadd.f32 v28, v13;
	v43 =	vpop (erf)  }
0x23c: {  	v16 =	vadd.f32 $1.000000000e+00, v43  }
0x23d: {  	v44 =	vld.idx.msk [tilespmem:v12+s19+$0x0], $0xffff;
	v13 =	vmul.f32 $1.442695020e+00, v13  }
0x23e: {  	(erf) = vrcp.f32 v16  }
0x23f: {  	v45 =	vld.idx.msk [tilespmem:v4+s19+$0x0], $0xffff;
	(erf) = vpow2.f32 v13  }
0x240: {  	v11 =	vmul.f32 v11, v21  }
0x241: {  	v46 =	vld.idx.msk [tilespmem:v5+s19+$0x0], $0xffff  }
0x242: {  	v11 =	vadd.f32 v11, v14;
	v9 =	vmul.f32 v44, v9;
	_ =	sdelay $0x1  }
0x243: {  	v47 =	vmul.f32 v45, v23;
	v9 =	vadd.f32 v9, v11;
	_ =	sdelay $0x1  }
0x244: {  	v48 =	vmul.f32 v46, v22;
	v9 =	vadd.f32 v47, v9  }
0x245: {  	v49 =	vpop (erf)  }
0x246: {  	v9 =	vadd.f32 v48, v9;
	v50 =	vpop (erf)  }
0x247: {  	v11 =	vadd.f32 $1.000000000e+00, v50  }
0x248: {  	v51 =	vld.idx.msk [tilespmem:v12+s21+$0x0], $0xffff;
	v9 =	vmul.f32 $1.442695020e+00, v9  }
0x249: {  	v52 =	vmul.f32 v18, v17;
	(erf) = vrcp.f32 v11  }
0x24a: {  	v53 =	vld.idx.msk [tilespmem:v4+s21+$0x0], $0xffff;
	(erf) = vpow2.f32 v9  }
0x24b: {  	v8 =	vmul.f32 v8, v52;
	v54 =	vmul.f32 v26, v24  }
0x24c: {  	v55 =	vld.idx.msk [tilespmem:v5+s21+$0x0], $0xffff  }
0x24d: {  	v8 =	vadd.f32 v8, v10;
	v56 =	vmul.f32 v27, v25;
	v14 =	vmul.f32 v51, v54;
	_ =	sdelay $0x1  }
0x24e: {  	v57 =	vmul.f32 v15, v19;
	v8 =	vadd.f32 v14, v8;
	v11 =	vmul.f32 v53, v56;
	_ =	sdelay $0x1  }
0x24f: {  	v58 =	vmul.f32 v55, v57;
	v8 =	vadd.f32 v11, v8  }
0x250: {  	v59 =	vpop (erf)  }
0x251: {  	v8 =	vadd.f32 v58, v8;
	v60 =	vpop (erf)  }
0x252: {  	v14 =	vadd.f32 $1.000000000e+00, v60  }
0x253: {  	v61 =	vld.idx.msk [tilespmem:v12+s23+$0x0], $0xffff;
	v8 =	vmul.f32 $1.442695020e+00, v8  }
0x254: {  	v4 =	vld.idx.msk [tilespmem:v4+s23+$0x0], $0xffff;
	(erf) = vrcp.f32 v14  }
0x255: {  	v5 =	vld.idx.msk [tilespmem:v5+s23+$0x0], $0xffff;
	(erf) = vpow2.f32 v8  }
0x256: {  	v6 =	vmul.f32 v6, v52;
	_ =	sdelay $0x1  }
0x257: {  	v6 =	vadd.f32 v6, v7;
	v62 =	vmul.f32 v61, v54;
	_ =	sdelay $0x1  }
0x258: {  	v5 =	vmul.f32 v5, v57;
	v4 =	vmul.f32 v4, v56;
	v6 =	vadd.f32 v62, v6;
	_ =	sdelay $0x1  }
0x259: {  	v4 =	vadd.f32 v4, v6  }
0x25a: {  	v63 =	vpop (erf)  }
0x25b: {  	v4 =	vadd.f32 v5, v4;
	v5 =	vpop (erf)  }
0x25c: {  	v5 =	vadd.f32 $1.000000000e+00, v5  }
0x25d: {  	v4 =	vmul.f32 $1.442695020e+00, v4  }
0x25e: {  	(erf) = vrcp.f32 v5  }
0x25f: {  	(erf) = vpow2.f32 v4;
	_ =	sdelay $0x7  }
0x260: {  	v4 =	vpop (erf)  }
0x261: {  	v5 =	vpop (erf)  }
0x262: {  	v5 =	vadd.f32 $1.000000000e+00, v5;
	_ =	sdelay $0x1  }
0x263: {  	(erf) = vrcp.f32 v5;
	_ =	sdelay $0x3  }
0x264: {  	s16 =	sadd.s32 $0x1, s16  }
0x265: {  	p0 =	sne.s32 s16, $0x8  }
.Ltmp7:
0x266: {  	_ = 	snop;
	(pc) =	sbr.rel @p0 .LBB2_14-.Ltmp7, $4  }
0x267: {  	_ = 	snop  }
0x268: {  	v3 =	vadd.f32 v59, v3;
	v2 =	vadd.f32 v4, v2  }
0x269: {  	v1 =	vadd.f32 v49, v1;
	v4 =	vpop (erf)  }
0x26a: {  	[tilespmem:s25+$0x1CF80] =	vst v20;
	v3 =	vadd.f32 v63, v3;
	v2 =	vadd.f32 v4, v2  }
0x26b: {  	[tilespmem:$0x1D000] =	vst v1  }
0x26c: {  	[tilespmem:$0x1D010] =	vst v3  }
0x26d: {  	s5 =	simm.s32 $0x1CE00;
	[tilespmem:$0x1D020] =	vst v2  }
0x26e: {  	[hbm4b:s6+s2] =	stream.linear.scatter [tilespmem:s5], [sflag:$0x3], $0x200, $0x38;
	[tilespmem:$0x1D030] =	vst v63  }
0x26f: {  	s1 =	sadd.s32 $0x1, s1;
	_ =	swait.ge [sflag:s9], $0x200  }
0x270: {  	p0 =	sne.s32 s1, s8;
	[sflag:s9] =	ssyncset.done $0x0  }
.Ltmp8:
0x271: {  	s30 =	simm.s32 $0x1D000;
	[sflag:s9] =	ssyncadd.s32 $0xFFFFFE00;
	(pc) =	sbr.rel @p0 .LBB2_1-.Ltmp8, $4  }
0x272: {  	[hbm4b:s7+s2] =	stream.linear.scatter [tilespmem:s30], [sflag:$0x3], $0x30, $0x38;
	[tilespmem:$0x1D030] =	vst v63  }
0x273: {  	_ =	swait.ge [sflag:s9], $0x30  }
0x274: {  	[sflag:s9] =	ssyncset.done $0x0  }
0x275: {  	[sflag:s9] =	ssyncadd.s32 $0xFFFFFFD0  }
0x276: {  	_ =	sfence.sel $0x180000  }
0x277: {  	[bflag:$0x0] =	sbarrier.arrive $0xFFFF  }
0x278: {  	_ =	strace $0x90000047  }
0x279: {  	s0 =	stileid.u32;
	[bflag:$0x2] =	sbarrier.arrive $0xFFFF  }
0x27a: {  	p0 =	sne.s32 s0, $0x0;
	s0 =	rddreg [dreg:$0x2]  }
0x27b: {  	s0 =	sadd.s32 @!p0 $0x100000, s0  }
0x27c: {  	[sflag:s0] =	ssyncadd.tile.s32 @!p0 $0x1;
	_ =	shalt  }
.Lfunc_end2:
_tile_overlayer_lowered:
.L_overlay_start_2:
0x27d: {  	(tag) =	ssettag $0x2  }
0x27e: {  	s0 =	rddreg [dreg:$0x0];
	s2 =	stileid.u32  }
0x27f: {  	s1 =	rddreg [dreg:$0x1];
	p0 =	sne.s32 s2, $0x0  }
0x280: {  	s3 =	rddreg [dreg:$0x2];
	[bflag:$0x3] =	sbarrier.arrive $0xFFFF;
	s2 =	simm.s32 @!p0 $0x1C03  }
0x281: {  	[timem:s3], [sflag:s2] =	dma.local @!p0 [hbm:s0], s1  }
0x282: {  	s0 =	simm.s32 @!p0 $0x3  }
0x283: {  	_ =	swait.ge @!p0 [sflag:s0], s1  }
0x284: {  	s1 =	ssub.s32 @!p0 $0x0, s1;
	[sflag:s0] =	ssyncset.done @!p0 $0x0  }
0x285: {  	[sflag:s0] =	ssyncadd.s32 @!p0 s1  }
0x286: {  	[bflag:$0x3] =	sbarrier.arrive $0xFFFF  }
0x287: {  	_ =	shalt  }

</sc_bundles>
